<compile_context>
chip_gen: v7x
topology: tpu7x:2x2x1
jax: 0.10.2.dev20260603
libtpu: 0.0.44.dev20260713+nightly
codegen_flags: <defaults>
</compile_context>

<pallas_src>
import functools

import jax
import jax.numpy as jnp
from jax import lax
from jax.experimental import pallas as pl
from jax.experimental.pallas import tpu as pltpu
from jax.experimental.pallas import tpu_sc as plsc

_N = 10000
_E = 320000
_D = 128
_NC = 2
_NS = 16
_NW = _NC * _NS
_C = 128
_ER = 2560
_EPAD = _ER * _C - _E
_RW = _ER // _NW
_PR = 256
_RC = 104
_RPT = 624
_RTAIL = _N - _NS * _RPT
_DPT = 624
_DTAIL = _N - _NS * _DPT

_mesh = plsc.VectorSubcoreMesh(core_axis_name="c", subcore_axis_name="s")
_f32 = jnp.float32


@functools.partial(
    pl.kernel,
    out_type=jax.ShapeDtypeStruct((_NC * _N,), _f32),
    mesh=_mesh,
    scratch_types=[
        pltpu.VMEM((_RW, _C), jnp.int32),
        pltpu.VMEM((_C,), _f32),
        pltpu.VMEM((_DPT,), _f32),
        pltpu.VMEM_SHARED((_N + _PR,), _f32),
        pltpu.SemaphoreType.DMA,
        pltpu.SemaphoreType.DMA,
    ],
)
def _deg_kernel(dst_hbm, out_hbm, dst2d, ones_v, buf_v, acc_sh,
                sem_i, sem_s):
    c = lax.axis_index("c")
    s = lax.axis_index("s")
    wid = c * _NS + s
    pltpu.async_copy(dst_hbm.at[pl.ds(wid * _RW, _RW)], dst2d, sem_i)

    for j in range(_C // 16):
        ones_v[pl.ds(j * 16, 16)] = jnp.ones((16,), _f32)
    for j in range(_DPT // 16):
        buf_v[pl.ds(j * 16, 16)] = jnp.zeros((16,), _f32)
    pltpu.sync_copy(buf_v, acc_sh.at[pl.ds(s * _DPT, _DPT)])

    @pl.when(s == _NS - 1)
    def _():
        pltpu.sync_copy(buf_v.at[pl.ds(0, _DTAIL)],
                        acc_sh.at[pl.ds(_NS * _DPT, _DTAIL)])

    pltpu.make_async_copy(dst_hbm.at[pl.ds(wid * _RW, _RW)],
                          dst2d, sem_i).wait()
    plsc.subcore_barrier()

    def body(i, carry):
        pltpu.async_copy(ones_v, acc_sh.at[dst2d.at[i]], sem_s, add=True)
        return carry

    lax.fori_loop(0, _RW, body, 0)

    def drain(i, carry):
        pltpu.make_async_copy(ones_v, acc_sh.at[dst2d.at[0]], sem_s).wait()
        return carry

    lax.fori_loop(0, _RW, drain, 0)
    plsc.subcore_barrier()

    pltpu.sync_copy(acc_sh.at[pl.ds(s * _DPT, _DPT)], buf_v)
    pltpu.sync_copy(buf_v, out_hbm.at[pl.ds(c * _N + s * _DPT, _DPT)])

    @pl.when(s == _NS - 1)
    def _():
        pltpu.sync_copy(acc_sh.at[pl.ds(_NS * _DPT, _DTAIL)],
                        buf_v.at[pl.ds(0, _DTAIL)])
        pltpu.sync_copy(buf_v.at[pl.ds(0, _DTAIL)],
                        out_hbm.at[pl.ds(c * _N + _NS * _DPT, _DTAIL)])


@functools.partial(
    pl.kernel,
    out_type=jax.ShapeDtypeStruct((_NC, _N, _D), _f32),
    mesh=_mesh,
    scratch_types=[
        pltpu.VMEM((_C,), jnp.int32),
        pltpu.VMEM((_C,), jnp.int32),
        pltpu.VMEM((_RW, _C), jnp.int32),
        pltpu.VMEM((_C, _D), _f32),
        pltpu.VMEM((_C, _D), _f32),
        pltpu.VMEM_SHARED((_N + _PR, _D), _f32),
        pltpu.SemaphoreType.DMA,
        pltpu.SemaphoreType.DMA,
        pltpu.SemaphoreType.DMA,
        pltpu.SemaphoreType.DMA,
        pltpu.SemaphoreType.DMA,
        pltpu.SemaphoreType.DMA,
        pltpu.SemaphoreType.DMA,
    ],
)
def _hop_kernel(g_hbm, src_hbm, dst_hbm, out_hbm,
                src_a, src_b, dst2d, rows_a, rows_b, acc_sh,
                sem_d, sem_ia, sem_ib, sem_ga, sem_gb, sem_sa, sem_sb):
    c = lax.axis_index("c")
    s = lax.axis_index("s")
    wid = c * _NS + s
    e0 = wid * _RW * _C
    pltpu.async_copy(dst_hbm.at[pl.ds(wid * _RW, _RW)], dst2d, sem_d)

    def zrow(r, carry):
        for j in range(_D // 16):
            rows_a[r, pl.ds(j * 16, 16)] = jnp.zeros((16,), _f32)
        return carry

    lax.fori_loop(0, _C, zrow, 0)
    r0 = s * _RPT
    for k in range(4):
        pltpu.sync_copy(rows_a, acc_sh.at[pl.ds(r0 + k * _C, _C)])
    pltpu.sync_copy(rows_a.at[pl.ds(0, _RPT - 4 * _C)],
                    acc_sh.at[pl.ds(r0 + 4 * _C, _RPT - 4 * _C)])

    @pl.when(s == _NS - 1)
    def _():
        pltpu.sync_copy(rows_a.at[pl.ds(0, _RTAIL)],
                        acc_sh.at[pl.ds(_NS * _RPT, _RTAIL)])

    pltpu.make_async_copy(dst_hbm.at[pl.ds(wid * _RW, _RW)],
                          dst2d, sem_d).wait()
    plsc.subcore_barrier()

    def ld(i, idx, sem):
        pltpu.async_copy(src_hbm.at[pl.ds(e0 + i * _C, _C)], idx, sem)

    def ldwait(idx, sem):
        pltpu.make_async_copy(src_hbm.at[pl.ds(e0, _C)], idx, sem).wait()

    def fire(idx, rows, sem):
        pltpu.async_copy(g_hbm.at[idx], rows, sem)

    def drain(idx, rows, sem):
        pltpu.make_async_copy(g_hbm.at[idx], rows, sem).wait()

    ld(0, src_a, sem_ia)
    ldwait(src_a, sem_ia)
    fire(src_a, rows_a, sem_ga)
    ld(1, src_b, sem_ib)

    def scat_start(rows, i, sem):
        pltpu.async_copy(rows, acc_sh.at[dst2d.at[i]], sem, add=True)

    def scat_wait(rows, sem):
        pltpu.make_async_copy(rows, acc_sh.at[dst2d.at[0]], sem).wait()

    def body(k, carry):
        i = 2 * k
        ldwait(src_b, sem_ib)
        fire(src_b, rows_b, sem_gb)
        drain(src_a, rows_a, sem_ga)
        scat_start(rows_a, i, sem_sa)

        @pl.when(i + 2 < _RW)
        def _():
            ld(i + 2, src_a, sem_ia)

        drain(src_b, rows_b, sem_gb)
        scat_start(rows_b, i + 1, sem_sb)

        @pl.when(i + 2 < _RW)
        def _():
            scat_wait(rows_a, sem_sa)
            ldwait(src_a, sem_ia)
            fire(src_a, rows_a, sem_ga)

        @pl.when(i + 3 < _RW)
        def _():
            ld(i + 3, src_b, sem_ib)

        scat_wait(rows_b, sem_sb)
        return carry

    lax.fori_loop(0, _RW // 2, body, 0)
    scat_wait(rows_a, sem_sa)
    plsc.subcore_barrier()

    for k in range(4):
        w0 = s * _RPT + k * _C
        pltpu.sync_copy(acc_sh.at[pl.ds(w0, _C)], rows_a)
        pltpu.sync_copy(rows_a, out_hbm.at[c, pl.ds(w0, _C)])
    w0 = s * _RPT + 4 * _C
    pltpu.sync_copy(acc_sh.at[pl.ds(w0, _RPT - 4 * _C)],
                    rows_a.at[pl.ds(0, _RPT - 4 * _C)])
    pltpu.sync_copy(rows_a.at[pl.ds(0, _RPT - 4 * _C)],
                    out_hbm.at[c, pl.ds(w0, _RPT - 4 * _C)])

    @pl.when(s == _NS - 1)
    def _():
        pltpu.sync_copy(acc_sh.at[pl.ds(_NS * _RPT, _RTAIL)],
                        rows_b.at[pl.ds(0, _RTAIL)])
        pltpu.sync_copy(rows_b.at[pl.ds(0, _RTAIL)],
                        out_hbm.at[c, pl.ds(_NS * _RPT, _RTAIL)])


_BR = 2000


def _norm_mul_body(degp_ref, feat_ref, norm_ref, g1_ref):
    d = degp_ref[0] + degp_ref[1]
    nv = lax.rsqrt(jnp.maximum(d, 1.0))
    norm_ref[...] = nv
    g1_ref[...] = feat_ref[...] * nv


def _mid_body(p_ref, norm_ref, g2_ref):
    nv = norm_ref[...]
    g2_ref[...] = (p_ref[0] + p_ref[1]) * (nv * nv)


def _fc_body(p_ref, norm_ref, w_ref, b_ref, out_ref):
    h = (p_ref[0] + p_ref[1]) * norm_ref[...]
    out_ref[...] = (
        jnp.dot(h, w_ref[...], preferred_element_type=_f32) + b_ref[...]
    )


_norm_call = pl.pallas_call(
    _norm_mul_body,
    grid=(_N // _BR,),
    in_specs=[
        pl.BlockSpec((_NC, _BR, 1), lambda i: (0, i, 0)),
        pl.BlockSpec((_BR, _D), lambda i: (i, 0)),
    ],
    out_specs=[
        pl.BlockSpec((_BR, 1), lambda i: (i, 0)),
        pl.BlockSpec((_BR, _D), lambda i: (i, 0)),
    ],
    out_shape=[
        jax.ShapeDtypeStruct((_N, 1), _f32),
        jax.ShapeDtypeStruct((_N, _D), _f32),
    ],
)

_mid_call = pl.pallas_call(
    _mid_body,
    grid=(_N // _BR,),
    in_specs=[
        pl.BlockSpec((_NC, _BR, _D), lambda i: (0, i, 0)),
        pl.BlockSpec((_BR, 1), lambda i: (i, 0)),
    ],
    out_specs=pl.BlockSpec((_BR, _D), lambda i: (i, 0)),
    out_shape=jax.ShapeDtypeStruct((_N, _D), _f32),
)

_fc_call = pl.pallas_call(
    _fc_body,
    grid=(_N // _BR,),
    in_specs=[
        pl.BlockSpec((_NC, _BR, _D), lambda i: (0, i, 0)),
        pl.BlockSpec((_BR, 1), lambda i: (i, 0)),
        pl.BlockSpec((_D, _D), lambda i: (0, 0)),
        pl.BlockSpec((1, _D), lambda i: (0, 0)),
    ],
    out_specs=pl.BlockSpec((_BR, _D), lambda i: (i, 0)),
    out_shape=jax.ShapeDtypeStruct((_N, _D), _f32),
)


def kernel(feat, edge_index, W, b):
    pad_iota = jnp.arange(_EPAD, dtype=jnp.int32)
    pad_src = pad_iota % _N
    pad_dst = _N + (pad_iota % _PR)
    src = jnp.concatenate([edge_index[0], pad_src])
    dst = jnp.concatenate([edge_index[1], pad_dst]).reshape(_ER, _C)
    degp = _deg_kernel(dst)
    norm, g1 = _norm_call(degp.reshape(_NC, _N, 1), feat)
    p1 = _hop_kernel(g1, src, dst)
    g2 = _mid_call(p1, norm)
    p2 = _hop_kernel(g2, src, dst)
    out = _fc_call(p2, norm, W, b.reshape(1, _D))
    return out

# --- scband reference (transcript-rebuilt; emitter-appended) ---
"""Pipeline reference for scband-sgconv-90108413870524 (READ-ONLY COPY).

The authoritative reference and input builder live on the scoring server;
editing this copy changes nothing except your own understanding.
"""

import jax, jax.numpy as jnp
import numpy as np

N = 10000
E = 320000
D_IN = 128
D_OUT = 128
K = 2


def setup_inputs(seed: int = 0) -> dict:
    key = jax.random.key(seed)
    k1, k2, k3, k4 = jax.random.split(key, 4)
    feat = jax.random.normal(k1, (N, D_IN), dtype=jnp.float32)
    edge_index = jax.random.randint(k2, (2, E), 0, N, dtype=jnp.int32)
    # Dense (fc) parameters: kernel [D_IN, D_OUT], bias [D_OUT]
    W = jax.random.normal(k3, (D_IN, D_OUT), dtype=jnp.float32) * 0.05
    b = jnp.zeros((D_OUT,), dtype=jnp.float32)
    return {"feat": feat, "edge_index": edge_index, "W": W, "b": b}


def reference(feat, edge_index, W, b):
    src = edge_index[0]
    dst = edge_index[1]
    # in-degrees (edges are src -> dst; copy_u/sum aggregates at dst)
    degs = jnp.bincount(dst, length=N).astype(jnp.float32)
    degs = jnp.clip(degs, 1.0, None)
    norm = jnp.power(degs, -0.5)[:, None]
    h = feat
    for _ in range(K):
        h = h * norm
        # message passing: m = copy_u(h); h_dst = sum(m)
        h = jax.ops.segment_sum(h[src], dst, num_segments=N)
        h = h * norm
    # fc layer
    out = h @ W + b
    return out

if __name__ == "__main__":
    import jax
    _d = setup_inputs()
    print(jax.jit(kernel)(*tuple(_d.values())))

</pallas_src>

<mosaic_0001>
#map = affine_map<(d0, d1) -> (0, 0)>
#map1 = affine_map<(d0, d1) -> (0)>
#map2 = affine_map<(d0, d1) -> (0, 0, 0)>
module attributes {stable_mosaic.version = 14 : i64} {
  func.func @_hop_kernel(%arg0: i32, %arg1: i32, %arg2: memref<10000x128xf32, #tpu.memory_space<hbm>>, %arg3: memref<327680xi32, #tpu.memory_space<hbm>>, %arg4: memref<2560x128xi32, #tpu.memory_space<hbm>>, %arg5: memref<2x10000x128xf32, #tpu.memory_space<hbm>>, %arg6: memref<128xi32, #tpu.memory_space<vmem>>, %arg7: memref<128xi32, #tpu.memory_space<vmem>>, %arg8: memref<80x128xi32, #tpu.memory_space<vmem>>, %arg9: memref<128x128xf32, #tpu.memory_space<vmem>>, %arg10: memref<128x128xf32, #tpu.memory_space<vmem>>, %arg11: memref<10256x128xf32, #tpu.memory_space<vmem_shared>>, %arg12: memref<!tpu.dma_semaphore, #tpu.memory_space<semaphore_mem>>, %arg13: memref<!tpu.dma_semaphore, #tpu.memory_space<semaphore_mem>>, %arg14: memref<!tpu.dma_semaphore, #tpu.memory_space<semaphore_mem>>, %arg15: memref<!tpu.dma_semaphore, #tpu.memory_space<semaphore_mem>>, %arg16: memref<!tpu.dma_semaphore, #tpu.memory_space<semaphore_mem>>, %arg17: memref<!tpu.dma_semaphore, #tpu.memory_space<semaphore_mem>>, %arg18: memref<!tpu.dma_semaphore, #tpu.memory_space<semaphore_mem>>) attributes {dimension_semantics = [#tpu.dimension_semantics<core_parallel>, #tpu.dimension_semantics<subcore_parallel>], iteration_bounds = array<i64: 2, 16>, scalar_prefetch = 0 : i64, scratch_operands = 13 : i64, tpu.core_type = #tpu.core_type<sc_vector_subcore>, window_params = [{transform_indices = #map}, {transform_indices = #map1}, {transform_indices = #map}, {transform_indices = #map2}]} {
    %mul3A = arith.constant 16 : i32
    %mul3A_0 = arith.muli %arg0, %mul3A : i32
    %add3A = arith.addi %mul3A_0, %arg1 : i32
    %mul3A_1 = arith.constant 80 : i32
    %mul3A_2 = arith.muli %add3A, %mul3A_1 : i32
    %mul3A_3 = arith.constant 128 : i32
    %mul3A_4 = arith.muli %mul3A_2, %mul3A_3 : i32
    %mul3A_5 = arith.constant 80 : i32
    %mul3A_6 = arith.muli %add3A, %mul3A_5 : i32
    %dma_start3A = arith.constant 0 : i32
    %dma_start3A_7 = tpu.memref_slice %arg4[%mul3A_6, %dma_start3A] : memref<2560x128xi32, #tpu.memory_space<hbm>> -> memref<80x128xi32, #tpu.memory_space<hbm>>
    %dma_start3A_8 = arith.constant 0 : i32
    %dma_start3A_9 = tpu.memref_slice %arg4[%mul3A_6, %dma_start3A_8] : memref<2560x128xi32, #tpu.memory_space<hbm>> -> memref<80x128xi32, #tpu.memory_space<hbm>>
    tpu.enqueue_dma source(%dma_start3A_9 : memref<80x128xi32, #tpu.memory_space<hbm>>) target(%arg8 : memref<80x128xi32, #tpu.memory_space<vmem>>) target_semaphore(%arg12 : memref<!tpu.dma_semaphore, #tpu.memory_space<semaphore_mem>>)
    %scan3A = arith.constant 0 : i32
    %scan3A_10 = arith.constant 0 : i32
    %scan3A_11 = arith.constant 128 : i32
    %scan3A_12 = arith.addi %scan3A_10, %scan3A_11 : i32
    %scan3A_13 = arith.constant 1 : i32
    scf.for %scan3A_86 = %scan3A_10 to %scan3A_12 step %scan3A_13  : i32 {
      %broadcast_in_dim3A = arith.constant 0.000000e+00 : f32
      %broadcast_in_dim3A_87 = vector.broadcast %broadcast_in_dim3A : f32 to vector<16xf32>
      %swap3A = arith.index_cast %scan3A_86 : i32 to index
      %swap3A_88 = arith.constant 0 : index
      %swap3A_89 = tpu.vector_load %arg9[%swap3A, %swap3A_88] {strides = array<i32>} : memref<128x128xf32, #tpu.memory_space<vmem>>, vector<1x16xf32>,
      %swap3A_90 = vector.shape_cast %swap3A_89 : vector<1x16xf32> to vector<16xf32>
      %swap3A_91 = vector.shape_cast %broadcast_in_dim3A_87 : vector<16xf32> to vector<1x16xf32>
      tpu.vector_store %arg9[%swap3A, %swap3A_88], %swap3A_91 {strides = array<i32>} : memref<128x128xf32, #tpu.memory_space<vmem>>, vector<1x16xf32>,
      %broadcast_in_dim3A_92 = arith.constant 0.000000e+00 : f32
      %broadcast_in_dim3A_93 = vector.broadcast %broadcast_in_dim3A_92 : f32 to vector<16xf32>
      %swap3A_94 = arith.index_cast %scan3A_86 : i32 to index
      %swap3A_95 = arith.constant 16 : index
      %swap3A_96 = tpu.vector_load %arg9[%swap3A_94, %swap3A_95] {strides = array<i32>} : memref<128x128xf32, #tpu.memory_space<vmem>>, vector<1x16xf32>,
      %swap3A_97 = vector.shape_cast %swap3A_96 : vector<1x16xf32> to vector<16xf32>
      %swap3A_98 = vector.shape_cast %broadcast_in_dim3A_93 : vector<16xf32> to vector<1x16xf32>
      tpu.vector_store %arg9[%swap3A_94, %swap3A_95], %swap3A_98 {strides = array<i32>} : memref<128x128xf32, #tpu.memory_space<vmem>>, vector<1x16xf32>,
      %broadcast_in_dim3A_99 = arith.constant 0.000000e+00 : f32
      %broadcast_in_dim3A_100 = vector.broadcast %broadcast_in_dim3A_99 : f32 to vector<16xf32>
      %swap3A_101 = arith.index_cast %scan3A_86 : i32 to index
      %swap3A_102 = arith.constant 32 : index
      %swap3A_103 = tpu.vector_load %arg9[%swap3A_101, %swap3A_102] {strides = array<i32>} : memref<128x128xf32, #tpu.memory_space<vmem>>, vector<1x16xf32>,
      %swap3A_104 = vector.shape_cast %swap3A_103 : vector<1x16xf32> to vector<16xf32>
      %swap3A_105 = vector.shape_cast %broadcast_in_dim3A_100 : vector<16xf32> to vector<1x16xf32>
      tpu.vector_store %arg9[%swap3A_101, %swap3A_102], %swap3A_105 {strides = array<i32>} : memref<128x128xf32, #tpu.memory_space<vmem>>, vector<1x16xf32>,
      %broadcast_in_dim3A_106 = arith.constant 0.000000e+00 : f32
      %broadcast_in_dim3A_107 = vector.broadcast %broadcast_in_dim3A_106 : f32 to vector<16xf32>
      %swap3A_108 = arith.index_cast %scan3A_86 : i32 to index
      %swap3A_109 = arith.constant 48 : index
      %swap3A_110 = tpu.vector_load %arg9[%swap3A_108, %swap3A_109] {strides = array<i32>} : memref<128x128xf32, #tpu.memory_space<vmem>>, vector<1x16xf32>,
      %swap3A_111 = vector.shape_cast %swap3A_110 : vector<1x16xf32> to vector<16xf32>
      %swap3A_112 = vector.shape_cast %broadcast_in_dim3A_107 : vector<16xf32> to vector<1x16xf32>
      tpu.vector_store %arg9[%swap3A_108, %swap3A_109], %swap3A_112 {strides = array<i32>} : memref<128x128xf32, #tpu.memory_space<vmem>>, vector<1x16xf32>,
      %broadcast_in_dim3A_113 = arith.constant 0.000000e+00 : f32
      %broadcast_in_dim3A_114 = vector.broadcast %broadcast_in_dim3A_113 : f32 to vector<16xf32>
      %swap3A_115 = arith.index_cast %scan3A_86 : i32 to index
      %swap3A_116 = arith.constant 64 : index
      %swap3A_117 = tpu.vector_load %arg9[%swap3A_115, %swap3A_116] {strides = array<i32>} : memref<128x128xf32, #tpu.memory_space<vmem>>, vector<1x16xf32>,
      %swap3A_118 = vector.shape_cast %swap3A_117 : vector<1x16xf32> to vector<16xf32>
      %swap3A_119 = vector.shape_cast %broadcast_in_dim3A_114 : vector<16xf32> to vector<1x16xf32>
      tpu.vector_store %arg9[%swap3A_115, %swap3A_116], %swap3A_119 {strides = array<i32>} : memref<128x128xf32, #tpu.memory_space<vmem>>, vector<1x16xf32>,
      %broadcast_in_dim3A_120 = arith.constant 0.000000e+00 : f32
      %broadcast_in_dim3A_121 = vector.broadcast %broadcast_in_dim3A_120 : f32 to vector<16xf32>
      %swap3A_122 = arith.index_cast %scan3A_86 : i32 to index
      %swap3A_123 = arith.constant 80 : index
      %swap3A_124 = tpu.vector_load %arg9[%swap3A_122, %swap3A_123] {strides = array<i32>} : memref<128x128xf32, #tpu.memory_space<vmem>>, vector<1x16xf32>,
      %swap3A_125 = vector.shape_cast %swap3A_124 : vector<1x16xf32> to vector<16xf32>
      %swap3A_126 = vector.shape_cast %broadcast_in_dim3A_121 : vector<16xf32> to vector<1x16xf32>
      tpu.vector_store %arg9[%swap3A_122, %swap3A_123], %swap3A_126 {strides = array<i32>} : memref<128x128xf32, #tpu.memory_space<vmem>>, vector<1x16xf32>,
      %broadcast_in_dim3A_127 = arith.constant 0.000000e+00 : f32
      %broadcast_in_dim3A_128 = vector.broadcast %broadcast_in_dim3A_127 : f32 to vector<16xf32>
      %swap3A_129 = arith.index_cast %scan3A_86 : i32 to index
      %swap3A_130 = arith.constant 96 : index
      %swap3A_131 = tpu.vector_load %arg9[%swap3A_129, %swap3A_130] {strides = array<i32>} : memref<128x128xf32, #tpu.memory_space<vmem>>, vector<1x16xf32>,
      %swap3A_132 = vector.shape_cast %swap3A_131 : vector<1x16xf32> to vector<16xf32>
      %swap3A_133 = vector.shape_cast %broadcast_in_dim3A_128 : vector<16xf32> to vector<1x16xf32>
      tpu.vector_store %arg9[%swap3A_129, %swap3A_130], %swap3A_133 {strides = array<i32>} : memref<128x128xf32, #tpu.memory_space<vmem>>, vector<1x16xf32>,
      %broadcast_in_dim3A_134 = arith.constant 0.000000e+00 : f32
      %broadcast_in_dim3A_135 = vector.broadcast %broadcast_in_dim3A_134 : f32 to vector<16xf32>
      %swap3A_136 = arith.index_cast %scan3A_86 : i32 to index
      %swap3A_137 = arith.constant 112 : index
      %swap3A_138 = tpu.vector_load %arg9[%swap3A_136, %swap3A_137] {strides = array<i32>} : memref<128x128xf32, #tpu.memory_space<vmem>>, vector<1x16xf32>,
      %swap3A_139 = vector.shape_cast %swap3A_138 : vector<1x16xf32> to vector<16xf32>
      %swap3A_140 = vector.shape_cast %broadcast_in_dim3A_135 : vector<16xf32> to vector<1x16xf32>
      tpu.vector_store %arg9[%swap3A_136, %swap3A_137], %swap3A_140 {strides = array<i32>} : memref<128x128xf32, #tpu.memory_space<vmem>>, vector<1x16xf32>,
    }
    %scan3A_14 = arith.constant 128 : i32
    %mul3A_15 = arith.constant 624 : i32
    %mul3A_16 = arith.muli %arg1, %mul3A_15 : i32
    %add3A_17 = arith.constant 0 : i32
    %add3A_18 = arith.addi %mul3A_16, %add3A_17 : i32
    "tpu.region"() ({
      %run_scoped3A = tpu.sem_alloc : memref<!tpu.dma_semaphore, #tpu.memory_space<semaphore_mem>>
      %dma_start3A_86 = arith.constant 0 : i32
      %dma_start3A_87 = tpu.memref_slice %arg11[%add3A_18, %dma_start3A_86] : memref<10256x128xf32, #tpu.memory_space<vmem_shared>> -> memref<128x128xf32, #tpu.memory_space<vmem_shared>>
      %dma_start3A_88 = arith.constant 0 : i32
      %dma_start3A_89 = tpu.memref_slice %arg11[%add3A_18, %dma_start3A_88] : memref<10256x128xf32, #tpu.memory_space<vmem_shared>> -> memref<128x128xf32, #tpu.memory_space<vmem_shared>>
      tpu.enqueue_dma source(%arg9 : memref<128x128xf32, #tpu.memory_space<vmem>>) target(%dma_start3A_89 : memref<128x128xf32, #tpu.memory_space<vmem_shared>>) target_semaphore(%run_scoped3A : memref<!tpu.dma_semaphore, #tpu.memory_space<semaphore_mem>>)
      %dma_wait3A_90 = arith.constant 0 : i32
      %dma_wait3A_91 = tpu.memref_slice %arg11[%add3A_18, %dma_wait3A_90] : memref<10256x128xf32, #tpu.memory_space<vmem_shared>> -> memref<128x128xf32, #tpu.memory_space<vmem_shared>>
      %dma_wait3A_92 = arith.constant 0 : i32
      %dma_wait3A_93 = tpu.memref_slice %arg11[%add3A_18, %dma_wait3A_92] : memref<10256x128xf32, #tpu.memory_space<vmem_shared>> -> memref<128x128xf32, #tpu.memory_space<vmem_shared>>
      tpu.wait_dma2 semaphore(%run_scoped3A : memref<!tpu.dma_semaphore, #tpu.memory_space<semaphore_mem>>) src(%arg9 : memref<128x128xf32, #tpu.memory_space<vmem>>) dst(%dma_wait3A_93 : memref<128x128xf32, #tpu.memory_space<vmem_shared>>)
      tpu.yield
    }) : () -> ()
    %add3A_19 = arith.constant 128 : i32
    %add3A_20 = arith.addi %mul3A_16, %add3A_19 : i32
    "tpu.region"() ({
      %run_scoped3A = tpu.sem_alloc : memref<!tpu.dma_semaphore, #tpu.memory_space<semaphore_mem>>
      %dma_start3A_86 = arith.constant 0 : i32
      %dma_start3A_87 = tpu.memref_slice %arg11[%add3A_20, %dma_start3A_86] : memref<10256x128xf32, #tpu.memory_space<vmem_shared>> -> memref<128x128xf32, #tpu.memory_space<vmem_shared>>
      %dma_start3A_88 = arith.constant 0 : i32
      %dma_start3A_89 = tpu.memref_slice %arg11[%add3A_20, %dma_start3A_88] : memref<10256x128xf32, #tpu.memory_space<vmem_shared>> -> memref<128x128xf32, #tpu.memory_space<vmem_shared>>
      tpu.enqueue_dma source(%arg9 : memref<128x128xf32, #tpu.memory_space<vmem>>) target(%dma_start3A_89 : memref<128x128xf32, #tpu.memory_space<vmem_shared>>) target_semaphore(%run_scoped3A : memref<!tpu.dma_semaphore, #tpu.memory_space<semaphore_mem>>)
      %dma_wait3A_90 = arith.constant 0 : i32
      %dma_wait3A_91 = tpu.memref_slice %arg11[%add3A_20, %dma_wait3A_90] : memref<10256x128xf32, #tpu.memory_space<vmem_shared>> -> memref<128x128xf32, #tpu.memory_space<vmem_shared>>
      %dma_wait3A_92 = arith.constant 0 : i32
      %dma_wait3A_93 = tpu.memref_slice %arg11[%add3A_20, %dma_wait3A_92] : memref<10256x128xf32, #tpu.memory_space<vmem_shared>> -> memref<128x128xf32, #tpu.memory_space<vmem_shared>>
      tpu.wait_dma2 semaphore(%run_scoped3A : memref<!tpu.dma_semaphore, #tpu.memory_space<semaphore_mem>>) src(%arg9 : memref<128x128xf32, #tpu.memory_space<vmem>>) dst(%dma_wait3A_93 : memref<128x128xf32, #tpu.memory_space<vmem_shared>>)
      tpu.yield
    }) : () -> ()
    %add3A_21 = arith.constant 256 : i32
    %add3A_22 = arith.addi %mul3A_16, %add3A_21 : i32
    "tpu.region"() ({
      %run_scoped3A = tpu.sem_alloc : memref<!tpu.dma_semaphore, #tpu.memory_space<semaphore_mem>>
      %dma_start3A_86 = arith.constant 0 : i32
      %dma_start3A_87 = tpu.memref_slice %arg11[%add3A_22, %dma_start3A_86] : memref<10256x128xf32, #tpu.memory_space<vmem_shared>> -> memref<128x128xf32, #tpu.memory_space<vmem_shared>>
      %dma_start3A_88 = arith.constant 0 : i32
      %dma_start3A_89 = tpu.memref_slice %arg11[%add3A_22, %dma_start3A_88] : memref<10256x128xf32, #tpu.memory_space<vmem_shared>> -> memref<128x128xf32, #tpu.memory_space<vmem_shared>>
      tpu.enqueue_dma source(%arg9 : memref<128x128xf32, #tpu.memory_space<vmem>>) target(%dma_start3A_89 : memref<128x128xf32, #tpu.memory_space<vmem_shared>>) target_semaphore(%run_scoped3A : memref<!tpu.dma_semaphore, #tpu.memory_space<semaphore_mem>>)
      %dma_wait3A_90 = arith.constant 0 : i32
      %dma_wait3A_91 = tpu.memref_slice %arg11[%add3A_22, %dma_wait3A_90] : memref<10256x128xf32, #tpu.memory_space<vmem_shared>> -> memref<128x128xf32, #tpu.memory_space<vmem_shared>>
      %dma_wait3A_92 = arith.constant 0 : i32
      %dma_wait3A_93 = tpu.memref_slice %arg11[%add3A_22, %dma_wait3A_92] : memref<10256x128xf32, #tpu.memory_space<vmem_shared>> -> memref<128x128xf32, #tpu.memory_space<vmem_shared>>
      tpu.wait_dma2 semaphore(%run_scoped3A : memref<!tpu.dma_semaphore, #tpu.memory_space<semaphore_mem>>) src(%arg9 : memref<128x128xf32, #tpu.memory_space<vmem>>) dst(%dma_wait3A_93 : memref<128x128xf32, #tpu.memory_space<vmem_shared>>)
      tpu.yield
    }) : () -> ()
    %add3A_23 = arith.constant 384 : i32
    %add3A_24 = arith.addi %mul3A_16, %add3A_23 : i32
    "tpu.region"() ({
      %run_scoped3A = tpu.sem_alloc : memref<!tpu.dma_semaphore, #tpu.memory_space<semaphore_mem>>
      %dma_start3A_86 = arith.constant 0 : i32
      %dma_start3A_87 = tpu.memref_slice %arg11[%add3A_24, %dma_start3A_86] : memref<10256x128xf32, #tpu.memory_space<vmem_shared>> -> memref<128x128xf32, #tpu.memory_space<vmem_shared>>
      %dma_start3A_88 = arith.constant 0 : i32
      %dma_start3A_89 = tpu.memref_slice %arg11[%add3A_24, %dma_start3A_88] : memref<10256x128xf32, #tpu.memory_space<vmem_shared>> -> memref<128x128xf32, #tpu.memory_space<vmem_shared>>
      tpu.enqueue_dma source(%arg9 : memref<128x128xf32, #tpu.memory_space<vmem>>) target(%dma_start3A_89 : memref<128x128xf32, #tpu.memory_space<vmem_shared>>) target_semaphore(%run_scoped3A : memref<!tpu.dma_semaphore, #tpu.memory_space<semaphore_mem>>)
      %dma_wait3A_90 = arith.constant 0 : i32
      %dma_wait3A_91 = tpu.memref_slice %arg11[%add3A_24, %dma_wait3A_90] : memref<10256x128xf32, #tpu.memory_space<vmem_shared>> -> memref<128x128xf32, #tpu.memory_space<vmem_shared>>
      %dma_wait3A_92 = arith.constant 0 : i32
      %dma_wait3A_93 = tpu.memref_slice %arg11[%add3A_24, %dma_wait3A_92] : memref<10256x128xf32, #tpu.memory_space<vmem_shared>> -> memref<128x128xf32, #tpu.memory_space<vmem_shared>>
      tpu.wait_dma2 semaphore(%run_scoped3A : memref<!tpu.dma_semaphore, #tpu.memory_space<semaphore_mem>>) src(%arg9 : memref<128x128xf32, #tpu.memory_space<vmem>>) dst(%dma_wait3A_93 : memref<128x128xf32, #tpu.memory_space<vmem_shared>>)
      tpu.yield
    }) : () -> ()
    %add3A_25 = arith.constant 512 : i32
    %add3A_26 = arith.addi %mul3A_16, %add3A_25 : i32
    "tpu.region"() ({
      %run_scoped3A = tpu.sem_alloc : memref<!tpu.dma_semaphore, #tpu.memory_space<semaphore_mem>>
      %dma_start3A_86 = arith.constant 0 : i32
      %dma_start3A_87 = arith.constant 0 : i32
      %dma_start3A_88 = tpu.memref_slice %arg9[%dma_start3A_86, %dma_start3A_87] : memref<128x128xf32, #tpu.memory_space<vmem>> -> memref<112x128xf32, #tpu.memory_space<vmem>>
      %dma_start3A_89 = arith.constant 0 : i32
      %dma_start3A_90 = tpu.memref_slice %arg11[%add3A_26, %dma_start3A_89] : memref<10256x128xf32, #tpu.memory_space<vmem_shared>> -> memref<112x128xf32, #tpu.memory_space<vmem_shared>>
      %dma_start3A_91 = arith.constant 0 : i32
      %dma_start3A_92 = tpu.memref_slice %arg11[%add3A_26, %dma_start3A_91] : memref<10256x128xf32, #tpu.memory_space<vmem_shared>> -> memref<112x128xf32, #tpu.memory_space<vmem_shared>>
      %dma_start3A_93 = arith.constant 0 : i32
      %dma_start3A_94 = arith.constant 0 : i32
      %dma_start3A_95 = tpu.memref_slice %arg9[%dma_start3A_93, %dma_start3A_94] : memref<128x128xf32, #tpu.memory_space<vmem>> -> memref<112x128xf32, #tpu.memory_space<vmem>>
      tpu.enqueue_dma source(%dma_start3A_95 : memref<112x128xf32, #tpu.memory_space<vmem>>) target(%dma_start3A_92 : memref<112x128xf32, #tpu.memory_space<vmem_shared>>) target_semaphore(%run_scoped3A : memref<!tpu.dma_semaphore, #tpu.memory_space<semaphore_mem>>)
      %dma_wait3A_96 = arith.constant 0 : i32
      %dma_wait3A_97 = arith.constant 0 : i32
      %dma_wait3A_98 = tpu.memref_slice %arg9[%dma_wait3A_96, %dma_wait3A_97] : memref<128x128xf32, #tpu.memory_space<vmem>> -> memref<112x128xf32, #tpu.memory_space<vmem>>
      %dma_wait3A_99 = arith.constant 0 : i32
      %dma_wait3A_100 = tpu.memref_slice %arg11[%add3A_26, %dma_wait3A_99] : memref<10256x128xf32, #tpu.memory_space<vmem_shared>> -> memref<112x128xf32, #tpu.memory_space<vmem_shared>>
      %dma_wait3A_101 = arith.constant 0 : i32
      %dma_wait3A_102 = tpu.memref_slice %arg11[%add3A_26, %dma_wait3A_101] : memref<10256x128xf32, #tpu.memory_space<vmem_shared>> -> memref<112x128xf32, #tpu.memory_space<vmem_shared>>
      %dma_wait3A_103 = arith.constant 0 : i32
      %dma_wait3A_104 = arith.constant 0 : i32
      %dma_wait3A_105 = tpu.memref_slice %arg9[%dma_wait3A_103, %dma_wait3A_104] : memref<128x128xf32, #tpu.memory_space<vmem>> -> memref<112x128xf32, #tpu.memory_space<vmem>>
      tpu.wait_dma2 semaphore(%run_scoped3A : memref<!tpu.dma_semaphore, #tpu.memory_space<semaphore_mem>>) src(%dma_wait3A_105 : memref<112x128xf32, #tpu.memory_space<vmem>>) dst(%dma_wait3A_102 : memref<112x128xf32, #tpu.memory_space<vmem_shared>>)
      tpu.yield
    }) : () -> ()
    %eq3A = arith.constant 15 : i32
    %eq3A_27 = arith.cmpi eq, %arg1, %eq3A : i32
    %convert_element_type3A = arith.extui %eq3A_27 : i1 to i32
    %cond3A = arith.constant 0 : i32
    %cond3A_28 = arith.cmpi ne, %convert_element_type3A, %cond3A : i32
    scf.if %cond3A_28 {
      "tpu.region"() ({
        %run_scoped3A = tpu.sem_alloc : memref<!tpu.dma_semaphore, #tpu.memory_space<semaphore_mem>>
        %dma_start3A_86 = arith.constant 0 : i32
        %dma_start3A_87 = arith.constant 0 : i32
        %dma_start3A_88 = tpu.memref_slice %arg9[%dma_start3A_86, %dma_start3A_87] : memref<128x128xf32, #tpu.memory_space<vmem>> -> memref<16x128xf32, #tpu.memory_space<vmem>>
        %dma_start3A_89 = arith.constant 9984 : i32
        %dma_start3A_90 = arith.constant 0 : i32
        %dma_start3A_91 = tpu.memref_slice %arg11[%dma_start3A_89, %dma_start3A_90] : memref<10256x128xf32, #tpu.memory_space<vmem_shared>> -> memref<16x128xf32, #tpu.memory_space<vmem_shared>>
        %dma_start3A_92 = arith.constant 9984 : i32
        %dma_start3A_93 = arith.constant 0 : i32
        %dma_start3A_94 = tpu.memref_slice %arg11[%dma_start3A_92, %dma_start3A_93] : memref<10256x128xf32, #tpu.memory_space<vmem_shared>> -> memref<16x128xf32, #tpu.memory_space<vmem_shared>>
        %dma_start3A_95 = arith.constant 0 : i32
        %dma_start3A_96 = arith.constant 0 : i32
        %dma_start3A_97 = tpu.memref_slice %arg9[%dma_start3A_95, %dma_start3A_96] : memref<128x128xf32, #tpu.memory_space<vmem>> -> memref<16x128xf32, #tpu.memory_space<vmem>>
        tpu.enqueue_dma source(%dma_start3A_97 : memref<16x128xf32, #tpu.memory_space<vmem>>) target(%dma_start3A_94 : memref<16x128xf32, #tpu.memory_space<vmem_shared>>) target_semaphore(%run_scoped3A : memref<!tpu.dma_semaphore, #tpu.memory_space<semaphore_mem>>)
        %dma_wait3A_98 = arith.constant 0 : i32
        %dma_wait3A_99 = arith.constant 0 : i32
        %dma_wait3A_100 = tpu.memref_slice %arg9[%dma_wait3A_98, %dma_wait3A_99] : memref<128x128xf32, #tpu.memory_space<vmem>> -> memref<16x128xf32, #tpu.memory_space<vmem>>
        %dma_wait3A_101 = arith.constant 9984 : i32
        %dma_wait3A_102 = arith.constant 0 : i32
        %dma_wait3A_103 = tpu.memref_slice %arg11[%dma_wait3A_101, %dma_wait3A_102] : memref<10256x128xf32, #tpu.memory_space<vmem_shared>> -> memref<16x128xf32, #tpu.memory_space<vmem_shared>>
        %dma_wait3A_104 = arith.constant 9984 : i32
        %dma_wait3A_105 = arith.constant 0 : i32
        %dma_wait3A_106 = tpu.memref_slice %arg11[%dma_wait3A_104, %dma_wait3A_105] : memref<10256x128xf32, #tpu.memory_space<vmem_shared>> -> memref<16x128xf32, #tpu.memory_space<vmem_shared>>
        %dma_wait3A_107 = arith.constant 0 : i32
        %dma_wait3A_108 = arith.constant 0 : i32
        %dma_wait3A_109 = tpu.memref_slice %arg9[%dma_wait3A_107, %dma_wait3A_108] : memref<128x128xf32, #tpu.memory_space<vmem>> -> memref<16x128xf32, #tpu.memory_space<vmem>>
        tpu.wait_dma2 semaphore(%run_scoped3A : memref<!tpu.dma_semaphore, #tpu.memory_space<semaphore_mem>>) src(%dma_wait3A_109 : memref<16x128xf32, #tpu.memory_space<vmem>>) dst(%dma_wait3A_106 : memref<16x128xf32, #tpu.memory_space<vmem_shared>>)
        tpu.yield
      }) : () -> ()
    } else {
    }
    %mul3A_29 = arith.constant 80 : i32
    %mul3A_30 = arith.muli %add3A, %mul3A_29 : i32
    %dma_wait3A = arith.constant 0 : i32
    %dma_wait3A_31 = tpu.memref_slice %arg4[%mul3A_30, %dma_wait3A] : memref<2560x128xi32, #tpu.memory_space<hbm>> -> memref<80x128xi32, #tpu.memory_space<hbm>>
    %dma_wait3A_32 = arith.constant 0 : i32
    %dma_wait3A_33 = tpu.memref_slice %arg4[%mul3A_30, %dma_wait3A_32] : memref<2560x128xi32, #tpu.memory_space<hbm>> -> memref<80x128xi32, #tpu.memory_space<hbm>>
    tpu.wait_dma2 semaphore(%arg12 : memref<!tpu.dma_semaphore, #tpu.memory_space<semaphore_mem>>) src(%dma_wait3A_33 : memref<80x128xi32, #tpu.memory_space<hbm>>) dst(%arg8 : memref<80x128xi32, #tpu.memory_space<vmem>>)
    %barrier3A = arith.constant 0 : index
    tpu.barrier barrier_id(%barrier3A)
    %add3A_34 = arith.constant 0 : i32
    %add3A_35 = arith.addi %mul3A_4, %add3A_34 : i32
    %dma_start3A_36 = tpu.memref_slice %arg3[%add3A_35] : memref<327680xi32, #tpu.memory_space<hbm>> -> memref<128xi32, #tpu.memory_space<hbm>>
    %dma_start3A_37 = tpu.memref_slice %arg3[%add3A_35] : memref<327680xi32, #tpu.memory_space<hbm>> -> memref<128xi32, #tpu.memory_space<hbm>>
    tpu.enqueue_dma source(%dma_start3A_37 : memref<128xi32, #tpu.memory_space<hbm>>) target(%arg6 : memref<128xi32, #tpu.memory_space<vmem>>) target_semaphore(%arg13 : memref<!tpu.dma_semaphore, #tpu.memory_space<semaphore_mem>>)
    %dma_wait3A_38 = tpu.memref_slice %arg3[%mul3A_4] : memref<327680xi32, #tpu.memory_space<hbm>> -> memref<128xi32, #tpu.memory_space<hbm>>
    %dma_wait3A_39 = tpu.memref_slice %arg3[%mul3A_4] : memref<327680xi32, #tpu.memory_space<hbm>> -> memref<128xi32, #tpu.memory_space<hbm>>
    tpu.wait_dma2 semaphore(%arg13 : memref<!tpu.dma_semaphore, #tpu.memory_space<semaphore_mem>>) src(%dma_wait3A_39 : memref<128xi32, #tpu.memory_space<hbm>>) dst(%arg6 : memref<128xi32, #tpu.memory_space<vmem>>)
    %dma_start3A_40 = arith.constant 0 : i32
    %dma_start3A_41 = arith.constant 0 : i32
    %dma_start3A_42 = tpu.memref_slice %arg2[%dma_start3A_40, %dma_start3A_41] : memref<10000x128xf32, #tpu.memory_space<hbm>> -> memref<10000x128xf32, #tpu.memory_space<hbm>>
    tpu.enqueue_indirect_dma source(%dma_start3A_42 : memref<10000x128xf32, #tpu.memory_space<hbm>>) target(%arg9 : memref<128x128xf32, #tpu.memory_space<vmem>>) offsets(%arg6 : memref<128xi32, #tpu.memory_space<vmem>>) semaphore(%arg15 : memref<!tpu.dma_semaphore, #tpu.memory_space<semaphore_mem>>)
    %add3A_43 = arith.constant 128 : i32
    %add3A_44 = arith.addi %mul3A_4, %add3A_43 : i32
    %dma_start3A_45 = tpu.memref_slice %arg3[%add3A_44] : memref<327680xi32, #tpu.memory_space<hbm>> -> memref<128xi32, #tpu.memory_space<hbm>>
    %dma_start3A_46 = tpu.memref_slice %arg3[%add3A_44] : memref<327680xi32, #tpu.memory_space<hbm>> -> memref<128xi32, #tpu.memory_space<hbm>>
    tpu.enqueue_dma source(%dma_start3A_46 : memref<128xi32, #tpu.memory_space<hbm>>) target(%arg7 : memref<128xi32, #tpu.memory_space<vmem>>) target_semaphore(%arg14 : memref<!tpu.dma_semaphore, #tpu.memory_space<semaphore_mem>>)
    %scan3A_47 = arith.constant 0 : i32
    %scan3A_48 = arith.constant 0 : i32
    %scan3A_49 = arith.constant 40 : i32
    %scan3A_50 = arith.addi %scan3A_48, %scan3A_49 : i32
    %scan3A_51 = arith.constant 1 : i32
    scf.for %scan3A_86 = %scan3A_48 to %scan3A_50 step %scan3A_51  : i32 {
      %mul3A_87 = arith.constant 2 : i32
      %mul3A_88 = arith.muli %mul3A_87, %scan3A_86 : i32
      %dma_wait3A_89 = tpu.memref_slice %arg3[%mul3A_4] : memref<327680xi32, #tpu.memory_space<hbm>> -> memref<128xi32, #tpu.memory_space<hbm>>
      %dma_wait3A_90 = tpu.memref_slice %arg3[%mul3A_4] : memref<327680xi32, #tpu.memory_space<hbm>> -> memref<128xi32, #tpu.memory_space<hbm>>
      tpu.wait_dma2 semaphore(%arg14 : memref<!tpu.dma_semaphore, #tpu.memory_space<semaphore_mem>>) src(%dma_wait3A_90 : memref<128xi32, #tpu.memory_space<hbm>>) dst(%arg7 : memref<128xi32, #tpu.memory_space<vmem>>)
      %dma_start3A_91 = arith.constant 0 : i32
      %dma_start3A_92 = arith.constant 0 : i32
      %dma_start3A_93 = tpu.memref_slice %arg2[%dma_start3A_91, %dma_start3A_92] : memref<10000x128xf32, #tpu.memory_space<hbm>> -> memref<10000x128xf32, #tpu.memory_space<hbm>>
      tpu.enqueue_indirect_dma source(%dma_start3A_93 : memref<10000x128xf32, #tpu.memory_space<hbm>>) target(%arg10 : memref<128x128xf32, #tpu.memory_space<vmem>>) offsets(%arg7 : memref<128xi32, #tpu.memory_space<vmem>>) semaphore(%arg16 : memref<!tpu.dma_semaphore, #tpu.memory_space<semaphore_mem>>)
      %dma_wait3A_94 = arith.constant 0 : i32
      %dma_wait3A_95 = arith.constant 0 : i32
      %dma_wait3A_96 = tpu.memref_slice %arg2[%dma_wait3A_94, %dma_wait3A_95] : memref<10000x128xf32, #tpu.memory_space<hbm>> -> memref<10000x128xf32, #tpu.memory_space<hbm>>
      tpu.wait_indirect_dma semaphore(%arg15 : memref<!tpu.dma_semaphore, #tpu.memory_space<semaphore_mem>>) src(%dma_wait3A_96 : memref<10000x128xf32, #tpu.memory_space<hbm>>) dst(%arg9 : memref<128x128xf32, #tpu.memory_space<vmem>>)
      %dma_start3A_97 = arith.constant 0 : i32
      %dma_start3A_98 = tpu.memref_slice %arg8[%mul3A_88, %dma_start3A_97] : memref<80x128xi32, #tpu.memory_space<vmem>> -> memref<1x128xi32, #tpu.memory_space<vmem>>
      %dma_start3A_99 = tpu.memref_squeeze %dma_start3A_98 : memref<1x128xi32, #tpu.memory_space<vmem>> -> memref<128xi32, #tpu.memory_space<vmem>>
      %dma_start3A_100 = arith.constant 0 : i32
      %dma_start3A_101 = arith.constant 0 : i32
      %dma_start3A_102 = tpu.memref_slice %arg11[%dma_start3A_100, %dma_start3A_101] : memref<10256x128xf32, #tpu.memory_space<vmem_shared>> -> memref<10256x128xf32, #tpu.memory_space<vmem_shared>>
      tpu.enqueue_indirect_dma source(%arg9 : memref<128x128xf32, #tpu.memory_space<vmem>>) target(%dma_start3A_102 : memref<10256x128xf32, #tpu.memory_space<vmem_shared>>) offsets(%dma_start3A_99 : memref<128xi32, #tpu.memory_space<vmem>>) semaphore(%arg17 : memref<!tpu.dma_semaphore, #tpu.memory_space<semaphore_mem>>) {add = true}
      %add3A_103 = arith.constant 2 : i32
      %add3A_104 = arith.addi %mul3A_88, %add3A_103 : i32
      %lt3A = arith.constant 80 : i32
      %lt3A_105 = arith.cmpi slt, %add3A_104, %lt3A : i32
      %convert_element_type3A_106 = arith.extui %lt3A_105 : i1 to i32
      %cond3A_107 = arith.constant 0 : i32
      %cond3A_108 = arith.cmpi ne, %convert_element_type3A_106, %cond3A_107 : i32
      scf.if %cond3A_108 {
        %add3A_141 = arith.constant 2 : i32
        %add3A_142 = arith.addi %mul3A_88, %add3A_141 : i32
        %mul3A_143 = arith.constant 128 : i32
        %mul3A_144 = arith.muli %add3A_142, %mul3A_143 : i32
        %add3A_145 = arith.addi %mul3A_4, %mul3A_144 : i32
        %dma_start3A_146 = tpu.memref_slice %arg3[%add3A_145] : memref<327680xi32, #tpu.memory_space<hbm>> -> memref<128xi32, #tpu.memory_space<hbm>>
        %dma_start3A_147 = tpu.memref_slice %arg3[%add3A_145] : memref<327680xi32, #tpu.memory_space<hbm>> -> memref<128xi32, #tpu.memory_space<hbm>>
        tpu.enqueue_dma source(%dma_start3A_147 : memref<128xi32, #tpu.memory_space<hbm>>) target(%arg6 : memref<128xi32, #tpu.memory_space<vmem>>) target_semaphore(%arg13 : memref<!tpu.dma_semaphore, #tpu.memory_space<semaphore_mem>>)
      } else {
      }
      %dma_wait3A_109 = arith.constant 0 : i32
      %dma_wait3A_110 = arith.constant 0 : i32
      %dma_wait3A_111 = tpu.memref_slice %arg2[%dma_wait3A_109, %dma_wait3A_110] : memref<10000x128xf32, #tpu.memory_space<hbm>> -> memref<10000x128xf32, #tpu.memory_space<hbm>>
      tpu.wait_indirect_dma semaphore(%arg16 : memref<!tpu.dma_semaphore, #tpu.memory_space<semaphore_mem>>) src(%dma_wait3A_111 : memref<10000x128xf32, #tpu.memory_space<hbm>>) dst(%arg10 : memref<128x128xf32, #tpu.memory_space<vmem>>)
      %add3A_112 = arith.constant 1 : i32
      %add3A_113 = arith.addi %mul3A_88, %add3A_112 : i32
      %dma_start3A_114 = arith.constant 0 : i32
      %dma_start3A_115 = tpu.memref_slice %arg8[%add3A_113, %dma_start3A_114] : memref<80x128xi32, #tpu.memory_space<vmem>> -> memref<1x128xi32, #tpu.memory_space<vmem>>
      %dma_start3A_116 = tpu.memref_squeeze %dma_start3A_115 : memref<1x128xi32, #tpu.memory_space<vmem>> -> memref<128xi32, #tpu.memory_space<vmem>>
      %dma_start3A_117 = arith.constant 0 : i32
      %dma_start3A_118 = arith.constant 0 : i32
      %dma_start3A_119 = tpu.memref_slice %arg11[%dma_start3A_117, %dma_start3A_118] : memref<10256x128xf32, #tpu.memory_space<vmem_shared>> -> memref<10256x128xf32, #tpu.memory_space<vmem_shared>>
      tpu.enqueue_indirect_dma source(%arg10 : memref<128x128xf32, #tpu.memory_space<vmem>>) target(%dma_start3A_119 : memref<10256x128xf32, #tpu.memory_space<vmem_shared>>) offsets(%dma_start3A_116 : memref<128xi32, #tpu.memory_space<vmem>>) semaphore(%arg18 : memref<!tpu.dma_semaphore, #tpu.memory_space<semaphore_mem>>) {add = true}
      %add3A_120 = arith.constant 2 : i32
      %add3A_121 = arith.addi %mul3A_88, %add3A_120 : i32
      %lt3A_122 = arith.constant 80 : i32
      %lt3A_123 = arith.cmpi slt, %add3A_121, %lt3A_122 : i32
      %convert_element_type3A_124 = arith.extui %lt3A_123 : i1 to i32
      %cond3A_125 = arith.constant 0 : i32
      %cond3A_126 = arith.cmpi ne, %convert_element_type3A_124, %cond3A_125 : i32
      scf.if %cond3A_126 {
        %dma_wait3A_141 = arith.constant 0 : i32
        %dma_wait3A_142 = arith.constant 0 : i32
        %dma_wait3A_143 = tpu.memref_slice %arg8[%dma_wait3A_141, %dma_wait3A_142] : memref<80x128xi32, #tpu.memory_space<vmem>> -> memref<1x128xi32, #tpu.memory_space<vmem>>
        %dma_wait3A_144 = tpu.memref_squeeze %dma_wait3A_143 : memref<1x128xi32, #tpu.memory_space<vmem>> -> memref<128xi32, #tpu.memory_space<vmem>>
        %dma_wait3A_145 = arith.constant 0 : i32
        %dma_wait3A_146 = arith.constant 0 : i32
        %dma_wait3A_147 = tpu.memref_slice %arg11[%dma_wait3A_145, %dma_wait3A_146] : memref<10256x128xf32, #tpu.memory_space<vmem_shared>> -> memref<10256x128xf32, #tpu.memory_space<vmem_shared>>
        tpu.wait_indirect_dma semaphore(%arg17 : memref<!tpu.dma_semaphore, #tpu.memory_space<semaphore_mem>>) src(%arg9 : memref<128x128xf32, #tpu.memory_space<vmem>>) dst(%dma_wait3A_147 : memref<10256x128xf32, #tpu.memory_space<vmem_shared>>)
        %dma_wait3A_148 = tpu.memref_slice %arg3[%mul3A_4] : memref<327680xi32, #tpu.memory_space<hbm>> -> memref<128xi32, #tpu.memory_space<hbm>>
        %dma_wait3A_149 = tpu.memref_slice %arg3[%mul3A_4] : memref<327680xi32, #tpu.memory_space<hbm>> -> memref<128xi32, #tpu.memory_space<hbm>>
        tpu.wait_dma2 semaphore(%arg13 : memref<!tpu.dma_semaphore, #tpu.memory_space<semaphore_mem>>) src(%dma_wait3A_149 : memref<128xi32, #tpu.memory_space<hbm>>) dst(%arg6 : memref<128xi32, #tpu.memory_space<vmem>>)
        %dma_start3A_150 = arith.constant 0 : i32
        %dma_start3A_151 = arith.constant 0 : i32
        %dma_start3A_152 = tpu.memref_slice %arg2[%dma_start3A_150, %dma_start3A_151] : memref<10000x128xf32, #tpu.memory_space<hbm>> -> memref<10000x128xf32, #tpu.memory_space<hbm>>
        tpu.enqueue_indirect_dma source(%dma_start3A_152 : memref<10000x128xf32, #tpu.memory_space<hbm>>) target(%arg9 : memref<128x128xf32, #tpu.memory_space<vmem>>) offsets(%arg6 : memref<128xi32, #tpu.memory_space<vmem>>) semaphore(%arg15 : memref<!tpu.dma_semaphore, #tpu.memory_space<semaphore_mem>>)
      } else {
      }
      %add3A_127 = arith.constant 3 : i32
      %add3A_128 = arith.addi %mul3A_88, %add3A_127 : i32
      %lt3A_129 = arith.constant 80 : i32
      %lt3A_130 = arith.cmpi slt, %add3A_128, %lt3A_129 : i32
      %convert_element_type3A_131 = arith.extui %lt3A_130 : i1 to i32
      %cond3A_132 = arith.constant 0 : i32
      %cond3A_133 = arith.cmpi ne, %convert_element_type3A_131, %cond3A_132 : i32
      scf.if %cond3A_133 {
        %add3A_141 = arith.constant 3 : i32
        %add3A_142 = arith.addi %mul3A_88, %add3A_141 : i32
        %mul3A_143 = arith.constant 128 : i32
        %mul3A_144 = arith.muli %add3A_142, %mul3A_143 : i32
        %add3A_145 = arith.addi %mul3A_4, %mul3A_144 : i32
        %dma_start3A_146 = tpu.memref_slice %arg3[%add3A_145] : memref<327680xi32, #tpu.memory_space<hbm>> -> memref<128xi32, #tpu.memory_space<hbm>>
        %dma_start3A_147 = tpu.memref_slice %arg3[%add3A_145] : memref<327680xi32, #tpu.memory_space<hbm>> -> memref<128xi32, #tpu.memory_space<hbm>>
        tpu.enqueue_dma source(%dma_start3A_147 : memref<128xi32, #tpu.memory_space<hbm>>) target(%arg7 : memref<128xi32, #tpu.memory_space<vmem>>) target_semaphore(%arg14 : memref<!tpu.dma_semaphore, #tpu.memory_space<semaphore_mem>>)
      } else {
      }
      %dma_wait3A_134 = arith.constant 0 : i32
      %dma_wait3A_135 = arith.constant 0 : i32
      %dma_wait3A_136 = tpu.memref_slice %arg8[%dma_wait3A_134, %dma_wait3A_135] : memref<80x128xi32, #tpu.memory_space<vmem>> -> memref<1x128xi32, #tpu.memory_space<vmem>>
      %dma_wait3A_137 = tpu.memref_squeeze %dma_wait3A_136 : memref<1x128xi32, #tpu.memory_space<vmem>> -> memref<128xi32, #tpu.memory_space<vmem>>
      %dma_wait3A_138 = arith.constant 0 : i32
      %dma_wait3A_139 = arith.constant 0 : i32
      %dma_wait3A_140 = tpu.memref_slice %arg11[%dma_wait3A_138, %dma_wait3A_139] : memref<10256x128xf32, #tpu.memory_space<vmem_shared>> -> memref<10256x128xf32, #tpu.memory_space<vmem_shared>>
      tpu.wait_indirect_dma semaphore(%arg18 : memref<!tpu.dma_semaphore, #tpu.memory_space<semaphore_mem>>) src(%arg10 : memref<128x128xf32, #tpu.memory_space<vmem>>) dst(%dma_wait3A_140 : memref<10256x128xf32, #tpu.memory_space<vmem_shared>>)
    }
    %scan3A_52 = arith.constant 40 : i32
    %dma_wait3A_53 = arith.constant 0 : i32
    %dma_wait3A_54 = arith.constant 0 : i32
    %dma_wait3A_55 = tpu.memref_slice %arg8[%dma_wait3A_53, %dma_wait3A_54] : memref<80x128xi32, #tpu.memory_space<vmem>> -> memref<1x128xi32, #tpu.memory_space<vmem>>
    %dma_wait3A_56 = tpu.memref_squeeze %dma_wait3A_55 : memref<1x128xi32, #tpu.memory_space<vmem>> -> memref<128xi32, #tpu.memory_space<vmem>>
    %dma_wait3A_57 = arith.constant 0 : i32
    %dma_wait3A_58 = arith.constant 0 : i32
    %dma_wait3A_59 = tpu.memref_slice %arg11[%dma_wait3A_57, %dma_wait3A_58] : memref<10256x128xf32, #tpu.memory_space<vmem_shared>> -> memref<10256x128xf32, #tpu.memory_space<vmem_shared>>
    tpu.wait_indirect_dma semaphore(%arg17 : memref<!tpu.dma_semaphore, #tpu.memory_space<semaphore_mem>>) src(%arg9 : memref<128x128xf32, #tpu.memory_space<vmem>>) dst(%dma_wait3A_59 : memref<10256x128xf32, #tpu.memory_space<vmem_shared>>)
    %barrier3A_60 = arith.constant 0 : index
    tpu.barrier barrier_id(%barrier3A_60)
    %mul3A_61 = arith.constant 624 : i32
    %mul3A_62 = arith.muli %arg1, %mul3A_61 : i32
    %add3A_63 = arith.constant 0 : i32
    %add3A_64 = arith.addi %mul3A_62, %add3A_63 : i32
    "tpu.region"() ({
      %run_scoped3A = tpu.sem_alloc : memref<!tpu.dma_semaphore, #tpu.memory_space<semaphore_mem>>
      %dma_start3A_86 = arith.constant 0 : i32
      %dma_start3A_87 = tpu.memref_slice %arg11[%add3A_64, %dma_start3A_86] : memref<10256x128xf32, #tpu.memory_space<vmem_shared>> -> memref<128x128xf32, #tpu.memory_space<vmem_shared>>
      %dma_start3A_88 = arith.constant 0 : i32
      %dma_start3A_89 = tpu.memref_slice %arg11[%add3A_64, %dma_start3A_88] : memref<10256x128xf32, #tpu.memory_space<vmem_shared>> -> memref<128x128xf32, #tpu.memory_space<vmem_shared>>
      tpu.enqueue_dma source(%dma_start3A_89 : memref<128x128xf32, #tpu.memory_space<vmem_shared>>) target(%arg9 : memref<128x128xf32, #tpu.memory_space<vmem>>) target_semaphore(%run_scoped3A : memref<!tpu.dma_semaphore, #tpu.memory_space<semaphore_mem>>)
      %dma_wait3A_90 = arith.constant 0 : i32
      %dma_wait3A_91 = tpu.memref_slice %arg11[%add3A_64, %dma_wait3A_90] : memref<10256x128xf32, #tpu.memory_space<vmem_shared>> -> memref<128x128xf32, #tpu.memory_space<vmem_shared>>
      %dma_wait3A_92 = arith.constant 0 : i32
      %dma_wait3A_93 = tpu.memref_slice %arg11[%add3A_64, %dma_wait3A_92] : memref<10256x128xf32, #tpu.memory_space<vmem_shared>> -> memref<128x128xf32, #tpu.memory_space<vmem_shared>>
      tpu.wait_dma2 semaphore(%run_scoped3A : memref<!tpu.dma_semaphore, #tpu.memory_space<semaphore_mem>>) src(%dma_wait3A_93 : memref<128x128xf32, #tpu.memory_space<vmem_shared>>) dst(%arg9 : memref<128x128xf32, #tpu.memory_space<vmem>>)
      tpu.yield
    }) : () -> ()
    "tpu.region"() ({
      %run_scoped3A = tpu.sem_alloc : memref<!tpu.dma_semaphore, #tpu.memory_space<semaphore_mem>>
      %dma_start3A_86 = arith.constant 0 : i32
      %dma_start3A_87 = tpu.memref_slice %arg5[%arg0, %add3A_64, %dma_start3A_86] : memref<2x10000x128xf32, #tpu.memory_space<hbm>> -> memref<1x128x128xf32, #tpu.memory_space<hbm>>
      %dma_start3A_88 = tpu.memref_squeeze %dma_start3A_87 : memref<1x128x128xf32, #tpu.memory_space<hbm>> -> memref<128x128xf32, #tpu.memory_space<hbm>>
      %dma_start3A_89 = arith.constant 0 : i32
      %dma_start3A_90 = tpu.memref_slice %arg5[%arg0, %add3A_64, %dma_start3A_89] : memref<2x10000x128xf32, #tpu.memory_space<hbm>> -> memref<1x128x128xf32, #tpu.memory_space<hbm>>
      %dma_start3A_91 = tpu.memref_squeeze %dma_start3A_90 : memref<1x128x128xf32, #tpu.memory_space<hbm>> -> memref<128x128xf32, #tpu.memory_space<hbm>>
      tpu.enqueue_dma source(%arg9 : memref<128x128xf32, #tpu.memory_space<vmem>>) target(%dma_start3A_91 : memref<128x128xf32, #tpu.memory_space<hbm>>) target_semaphore(%run_scoped3A : memref<!tpu.dma_semaphore, #tpu.memory_space<semaphore_mem>>)
      %dma_wait3A_92 = arith.constant 0 : i32
      %dma_wait3A_93 = tpu.memref_slice %arg5[%arg0, %add3A_64, %dma_wait3A_92] : memref<2x10000x128xf32, #tpu.memory_space<hbm>> -> memref<1x128x128xf32, #tpu.memory_space<hbm>>
      %dma_wait3A_94 = tpu.memref_squeeze %dma_wait3A_93 : memref<1x128x128xf32, #tpu.memory_space<hbm>> -> memref<128x128xf32, #tpu.memory_space<hbm>>
      %dma_wait3A_95 = arith.constant 0 : i32
      %dma_wait3A_96 = tpu.memref_slice %arg5[%arg0, %add3A_64, %dma_wait3A_95] : memref<2x10000x128xf32, #tpu.memory_space<hbm>> -> memref<1x128x128xf32, #tpu.memory_space<hbm>>
      %dma_wait3A_97 = tpu.memref_squeeze %dma_wait3A_96 : memref<1x128x128xf32, #tpu.memory_space<hbm>> -> memref<128x128xf32, #tpu.memory_space<hbm>>
      tpu.wait_dma2 semaphore(%run_scoped3A : memref<!tpu.dma_semaphore, #tpu.memory_space<semaphore_mem>>) src(%arg9 : memref<128x128xf32, #tpu.memory_space<vmem>>) dst(%dma_wait3A_97 : memref<128x128xf32, #tpu.memory_space<hbm>>)
      tpu.yield
    }) : () -> ()
    %mul3A_65 = arith.constant 624 : i32
    %mul3A_66 = arith.muli %arg1, %mul3A_65 : i32
    %add3A_67 = arith.constant 128 : i32
    %add3A_68 = arith.addi %mul3A_66, %add3A_67 : i32
    "tpu.region"() ({
      %run_scoped3A = tpu.sem_alloc : memref<!tpu.dma_semaphore, #tpu.memory_space<semaphore_mem>>
      %dma_start3A_86 = arith.constant 0 : i32
      %dma_start3A_87 = tpu.memref_slice %arg11[%add3A_68, %dma_start3A_86] : memref<10256x128xf32, #tpu.memory_space<vmem_shared>> -> memref<128x128xf32, #tpu.memory_space<vmem_shared>>
      %dma_start3A_88 = arith.constant 0 : i32
      %dma_start3A_89 = tpu.memref_slice %arg11[%add3A_68, %dma_start3A_88] : memref<10256x128xf32, #tpu.memory_space<vmem_shared>> -> memref<128x128xf32, #tpu.memory_space<vmem_shared>>
      tpu.enqueue_dma source(%dma_start3A_89 : memref<128x128xf32, #tpu.memory_space<vmem_shared>>) target(%arg9 : memref<128x128xf32, #tpu.memory_space<vmem>>) target_semaphore(%run_scoped3A : memref<!tpu.dma_semaphore, #tpu.memory_space<semaphore_mem>>)
      %dma_wait3A_90 = arith.constant 0 : i32
      %dma_wait3A_91 = tpu.memref_slice %arg11[%add3A_68, %dma_wait3A_90] : memref<10256x128xf32, #tpu.memory_space<vmem_shared>> -> memref<128x128xf32, #tpu.memory_space<vmem_shared>>
      %dma_wait3A_92 = arith.constant 0 : i32
      %dma_wait3A_93 = tpu.memref_slice %arg11[%add3A_68, %dma_wait3A_92] : memref<10256x128xf32, #tpu.memory_space<vmem_shared>> -> memref<128x128xf32, #tpu.memory_space<vmem_shared>>
      tpu.wait_dma2 semaphore(%run_scoped3A : memref<!tpu.dma_semaphore, #tpu.memory_space<semaphore_mem>>) src(%dma_wait3A_93 : memref<128x128xf32, #tpu.memory_space<vmem_shared>>) dst(%arg9 : memref<128x128xf32, #tpu.memory_space<vmem>>)
      tpu.yield
    }) : () -> ()
    "tpu.region"() ({
      %run_scoped3A = tpu.sem_alloc : memref<!tpu.dma_semaphore, #tpu.memory_space<semaphore_mem>>
      %dma_start3A_86 = arith.constant 0 : i32
      %dma_start3A_87 = tpu.memref_slice %arg5[%arg0, %add3A_68, %dma_start3A_86] : memref<2x10000x128xf32, #tpu.memory_space<hbm>> -> memref<1x128x128xf32, #tpu.memory_space<hbm>>
      %dma_start3A_88 = tpu.memref_squeeze %dma_start3A_87 : memref<1x128x128xf32, #tpu.memory_space<hbm>> -> memref<128x128xf32, #tpu.memory_space<hbm>>
      %dma_start3A_89 = arith.constant 0 : i32
      %dma_start3A_90 = tpu.memref_slice %arg5[%arg0, %add3A_68, %dma_start3A_89] : memref<2x10000x128xf32, #tpu.memory_space<hbm>> -> memref<1x128x128xf32, #tpu.memory_space<hbm>>
      %dma_start3A_91 = tpu.memref_squeeze %dma_start3A_90 : memref<1x128x128xf32, #tpu.memory_space<hbm>> -> memref<128x128xf32, #tpu.memory_space<hbm>>
      tpu.enqueue_dma source(%arg9 : memref<128x128xf32, #tpu.memory_space<vmem>>) target(%dma_start3A_91 : memref<128x128xf32, #tpu.memory_space<hbm>>) target_semaphore(%run_scoped3A : memref<!tpu.dma_semaphore, #tpu.memory_space<semaphore_mem>>)
      %dma_wait3A_92 = arith.constant 0 : i32
      %dma_wait3A_93 = tpu.memref_slice %arg5[%arg0, %add3A_68, %dma_wait3A_92] : memref<2x10000x128xf32, #tpu.memory_space<hbm>> -> memref<1x128x128xf32, #tpu.memory_space<hbm>>
      %dma_wait3A_94 = tpu.memref_squeeze %dma_wait3A_93 : memref<1x128x128xf32, #tpu.memory_space<hbm>> -> memref<128x128xf32, #tpu.memory_space<hbm>>
      %dma_wait3A_95 = arith.constant 0 : i32
      %dma_wait3A_96 = tpu.memref_slice %arg5[%arg0, %add3A_68, %dma_wait3A_95] : memref<2x10000x128xf32, #tpu.memory_space<hbm>> -> memref<1x128x128xf32, #tpu.memory_space<hbm>>
      %dma_wait3A_97 = tpu.memref_squeeze %dma_wait3A_96 : memref<1x128x128xf32, #tpu.memory_space<hbm>> -> memref<128x128xf32, #tpu.memory_space<hbm>>
      tpu.wait_dma2 semaphore(%run_scoped3A : memref<!tpu.dma_semaphore, #tpu.memory_space<semaphore_mem>>) src(%arg9 : memref<128x128xf32, #tpu.memory_space<vmem>>) dst(%dma_wait3A_97 : memref<128x128xf32, #tpu.memory_space<hbm>>)
      tpu.yield
    }) : () -> ()
    %mul3A_69 = arith.constant 624 : i32
    %mul3A_70 = arith.muli %arg1, %mul3A_69 : i32
    %add3A_71 = arith.constant 256 : i32
    %add3A_72 = arith.addi %mul3A_70, %add3A_71 : i32
    "tpu.region"() ({
      %run_scoped3A = tpu.sem_alloc : memref<!tpu.dma_semaphore, #tpu.memory_space<semaphore_mem>>
      %dma_start3A_86 = arith.constant 0 : i32
      %dma_start3A_87 = tpu.memref_slice %arg11[%add3A_72, %dma_start3A_86] : memref<10256x128xf32, #tpu.memory_space<vmem_shared>> -> memref<128x128xf32, #tpu.memory_space<vmem_shared>>
      %dma_start3A_88 = arith.constant 0 : i32
      %dma_start3A_89 = tpu.memref_slice %arg11[%add3A_72, %dma_start3A_88] : memref<10256x128xf32, #tpu.memory_space<vmem_shared>> -> memref<128x128xf32, #tpu.memory_space<vmem_shared>>
      tpu.enqueue_dma source(%dma_start3A_89 : memref<128x128xf32, #tpu.memory_space<vmem_shared>>) target(%arg9 : memref<128x128xf32, #tpu.memory_space<vmem>>) target_semaphore(%run_scoped3A : memref<!tpu.dma_semaphore, #tpu.memory_space<semaphore_mem>>)
      %dma_wait3A_90 = arith.constant 0 : i32
      %dma_wait3A_91 = tpu.memref_slice %arg11[%add3A_72, %dma_wait3A_90] : memref<10256x128xf32, #tpu.memory_space<vmem_shared>> -> memref<128x128xf32, #tpu.memory_space<vmem_shared>>
      %dma_wait3A_92 = arith.constant 0 : i32
      %dma_wait3A_93 = tpu.memref_slice %arg11[%add3A_72, %dma_wait3A_92] : memref<10256x128xf32, #tpu.memory_space<vmem_shared>> -> memref<128x128xf32, #tpu.memory_space<vmem_shared>>
      tpu.wait_dma2 semaphore(%run_scoped3A : memref<!tpu.dma_semaphore, #tpu.memory_space<semaphore_mem>>) src(%dma_wait3A_93 : memref<128x128xf32, #tpu.memory_space<vmem_shared>>) dst(%arg9 : memref<128x128xf32, #tpu.memory_space<vmem>>)
      tpu.yield
    }) : () -> ()
    "tpu.region"() ({
      %run_scoped3A = tpu.sem_alloc : memref<!tpu.dma_semaphore, #tpu.memory_space<semaphore_mem>>
      %dma_start3A_86 = arith.constant 0 : i32
      %dma_start3A_87 = tpu.memref_slice %arg5[%arg0, %add3A_72, %dma_start3A_86] : memref<2x10000x128xf32, #tpu.memory_space<hbm>> -> memref<1x128x128xf32, #tpu.memory_space<hbm>>
      %dma_start3A_88 = tpu.memref_squeeze %dma_start3A_87 : memref<1x128x128xf32, #tpu.memory_space<hbm>> -> memref<128x128xf32, #tpu.memory_space<hbm>>
      %dma_start3A_89 = arith.constant 0 : i32
      %dma_start3A_90 = tpu.memref_slice %arg5[%arg0, %add3A_72, %dma_start3A_89] : memref<2x10000x128xf32, #tpu.memory_space<hbm>> -> memref<1x128x128xf32, #tpu.memory_space<hbm>>
      %dma_start3A_91 = tpu.memref_squeeze %dma_start3A_90 : memref<1x128x128xf32, #tpu.memory_space<hbm>> -> memref<128x128xf32, #tpu.memory_space<hbm>>
      tpu.enqueue_dma source(%arg9 : memref<128x128xf32, #tpu.memory_space<vmem>>) target(%dma_start3A_91 : memref<128x128xf32, #tpu.memory_space<hbm>>) target_semaphore(%run_scoped3A : memref<!tpu.dma_semaphore, #tpu.memory_space<semaphore_mem>>)
      %dma_wait3A_92 = arith.constant 0 : i32
      %dma_wait3A_93 = tpu.memref_slice %arg5[%arg0, %add3A_72, %dma_wait3A_92] : memref<2x10000x128xf32, #tpu.memory_space<hbm>> -> memref<1x128x128xf32, #tpu.memory_space<hbm>>
      %dma_wait3A_94 = tpu.memref_squeeze %dma_wait3A_93 : memref<1x128x128xf32, #tpu.memory_space<hbm>> -> memref<128x128xf32, #tpu.memory_space<hbm>>
      %dma_wait3A_95 = arith.constant 0 : i32
      %dma_wait3A_96 = tpu.memref_slice %arg5[%arg0, %add3A_72, %dma_wait3A_95] : memref<2x10000x128xf32, #tpu.memory_space<hbm>> -> memref<1x128x128xf32, #tpu.memory_space<hbm>>
      %dma_wait3A_97 = tpu.memref_squeeze %dma_wait3A_96 : memref<1x128x128xf32, #tpu.memory_space<hbm>> -> memref<128x128xf32, #tpu.memory_space<hbm>>
      tpu.wait_dma2 semaphore(%run_scoped3A : memref<!tpu.dma_semaphore, #tpu.memory_space<semaphore_mem>>) src(%arg9 : memref<128x128xf32, #tpu.memory_space<vmem>>) dst(%dma_wait3A_97 : memref<128x128xf32, #tpu.memory_space<hbm>>)
      tpu.yield
    }) : () -> ()
    %mul3A_73 = arith.constant 624 : i32
    %mul3A_74 = arith.muli %arg1, %mul3A_73 : i32
    %add3A_75 = arith.constant 384 : i32
    %add3A_76 = arith.addi %mul3A_74, %add3A_75 : i32
    "tpu.region"() ({
      %run_scoped3A = tpu.sem_alloc : memref<!tpu.dma_semaphore, #tpu.memory_space<semaphore_mem>>
      %dma_start3A_86 = arith.constant 0 : i32
      %dma_start3A_87 = tpu.memref_slice %arg11[%add3A_76, %dma_start3A_86] : memref<10256x128xf32, #tpu.memory_space<vmem_shared>> -> memref<128x128xf32, #tpu.memory_space<vmem_shared>>
      %dma_start3A_88 = arith.constant 0 : i32
      %dma_start3A_89 = tpu.memref_slice %arg11[%add3A_76, %dma_start3A_88] : memref<10256x128xf32, #tpu.memory_space<vmem_shared>> -> memref<128x128xf32, #tpu.memory_space<vmem_shared>>
      tpu.enqueue_dma source(%dma_start3A_89 : memref<128x128xf32, #tpu.memory_space<vmem_shared>>) target(%arg9 : memref<128x128xf32, #tpu.memory_space<vmem>>) target_semaphore(%run_scoped3A : memref<!tpu.dma_semaphore, #tpu.memory_space<semaphore_mem>>)
      %dma_wait3A_90 = arith.constant 0 : i32
      %dma_wait3A_91 = tpu.memref_slice %arg11[%add3A_76, %dma_wait3A_90] : memref<10256x128xf32, #tpu.memory_space<vmem_shared>> -> memref<128x128xf32, #tpu.memory_space<vmem_shared>>
      %dma_wait3A_92 = arith.constant 0 : i32
      %dma_wait3A_93 = tpu.memref_slice %arg11[%add3A_76, %dma_wait3A_92] : memref<10256x128xf32, #tpu.memory_space<vmem_shared>> -> memref<128x128xf32, #tpu.memory_space<vmem_shared>>
      tpu.wait_dma2 semaphore(%run_scoped3A : memref<!tpu.dma_semaphore, #tpu.memory_space<semaphore_mem>>) src(%dma_wait3A_93 : memref<128x128xf32, #tpu.memory_space<vmem_shared>>) dst(%arg9 : memref<128x128xf32, #tpu.memory_space<vmem>>)
      tpu.yield
    }) : () -> ()
    "tpu.region"() ({
      %run_scoped3A = tpu.sem_alloc : memref<!tpu.dma_semaphore, #tpu.memory_space<semaphore_mem>>
      %dma_start3A_86 = arith.constant 0 : i32
      %dma_start3A_87 = tpu.memref_slice %arg5[%arg0, %add3A_76, %dma_start3A_86] : memref<2x10000x128xf32, #tpu.memory_space<hbm>> -> memref<1x128x128xf32, #tpu.memory_space<hbm>>
      %dma_start3A_88 = tpu.memref_squeeze %dma_start3A_87 : memref<1x128x128xf32, #tpu.memory_space<hbm>> -> memref<128x128xf32, #tpu.memory_space<hbm>>
      %dma_start3A_89 = arith.constant 0 : i32
      %dma_start3A_90 = tpu.memref_slice %arg5[%arg0, %add3A_76, %dma_start3A_89] : memref<2x10000x128xf32, #tpu.memory_space<hbm>> -> memref<1x128x128xf32, #tpu.memory_space<hbm>>
      %dma_start3A_91 = tpu.memref_squeeze %dma_start3A_90 : memref<1x128x128xf32, #tpu.memory_space<hbm>> -> memref<128x128xf32, #tpu.memory_space<hbm>>
      tpu.enqueue_dma source(%arg9 : memref<128x128xf32, #tpu.memory_space<vmem>>) target(%dma_start3A_91 : memref<128x128xf32, #tpu.memory_space<hbm>>) target_semaphore(%run_scoped3A : memref<!tpu.dma_semaphore, #tpu.memory_space<semaphore_mem>>)
      %dma_wait3A_92 = arith.constant 0 : i32
      %dma_wait3A_93 = tpu.memref_slice %arg5[%arg0, %add3A_76, %dma_wait3A_92] : memref<2x10000x128xf32, #tpu.memory_space<hbm>> -> memref<1x128x128xf32, #tpu.memory_space<hbm>>
      %dma_wait3A_94 = tpu.memref_squeeze %dma_wait3A_93 : memref<1x128x128xf32, #tpu.memory_space<hbm>> -> memref<128x128xf32, #tpu.memory_space<hbm>>
      %dma_wait3A_95 = arith.constant 0 : i32
      %dma_wait3A_96 = tpu.memref_slice %arg5[%arg0, %add3A_76, %dma_wait3A_95] : memref<2x10000x128xf32, #tpu.memory_space<hbm>> -> memref<1x128x128xf32, #tpu.memory_space<hbm>>
      %dma_wait3A_97 = tpu.memref_squeeze %dma_wait3A_96 : memref<1x128x128xf32, #tpu.memory_space<hbm>> -> memref<128x128xf32, #tpu.memory_space<hbm>>
      tpu.wait_dma2 semaphore(%run_scoped3A : memref<!tpu.dma_semaphore, #tpu.memory_space<semaphore_mem>>) src(%arg9 : memref<128x128xf32, #tpu.memory_space<vmem>>) dst(%dma_wait3A_97 : memref<128x128xf32, #tpu.memory_space<hbm>>)
      tpu.yield
    }) : () -> ()
    %mul3A_77 = arith.constant 624 : i32
    %mul3A_78 = arith.muli %arg1, %mul3A_77 : i32
    %add3A_79 = arith.constant 512 : i32
    %add3A_80 = arith.addi %mul3A_78, %add3A_79 : i32
    "tpu.region"() ({
      %run_scoped3A = tpu.sem_alloc : memref<!tpu.dma_semaphore, #tpu.memory_space<semaphore_mem>>
      %dma_start3A_86 = arith.constant 0 : i32
      %dma_start3A_87 = arith.constant 0 : i32
      %dma_start3A_88 = tpu.memref_slice %arg9[%dma_start3A_86, %dma_start3A_87] : memref<128x128xf32, #tpu.memory_space<vmem>> -> memref<112x128xf32, #tpu.memory_space<vmem>>
      %dma_start3A_89 = arith.constant 0 : i32
      %dma_start3A_90 = tpu.memref_slice %arg11[%add3A_80, %dma_start3A_89] : memref<10256x128xf32, #tpu.memory_space<vmem_shared>> -> memref<112x128xf32, #tpu.memory_space<vmem_shared>>
      %dma_start3A_91 = arith.constant 0 : i32
      %dma_start3A_92 = arith.constant 0 : i32
      %dma_start3A_93 = tpu.memref_slice %arg9[%dma_start3A_91, %dma_start3A_92] : memref<128x128xf32, #tpu.memory_space<vmem>> -> memref<112x128xf32, #tpu.memory_space<vmem>>
      %dma_start3A_94 = arith.constant 0 : i32
      %dma_start3A_95 = tpu.memref_slice %arg11[%add3A_80, %dma_start3A_94] : memref<10256x128xf32, #tpu.memory_space<vmem_shared>> -> memref<112x128xf32, #tpu.memory_space<vmem_shared>>
      tpu.enqueue_dma source(%dma_start3A_95 : memref<112x128xf32, #tpu.memory_space<vmem_shared>>) target(%dma_start3A_93 : memref<112x128xf32, #tpu.memory_space<vmem>>) target_semaphore(%run_scoped3A : memref<!tpu.dma_semaphore, #tpu.memory_space<semaphore_mem>>)
      %dma_wait3A_96 = arith.constant 0 : i32
      %dma_wait3A_97 = arith.constant 0 : i32
      %dma_wait3A_98 = tpu.memref_slice %arg9[%dma_wait3A_96, %dma_wait3A_97] : memref<128x128xf32, #tpu.memory_space<vmem>> -> memref<112x128xf32, #tpu.memory_space<vmem>>
      %dma_wait3A_99 = arith.constant 0 : i32
      %dma_wait3A_100 = tpu.memref_slice %arg11[%add3A_80, %dma_wait3A_99] : memref<10256x128xf32, #tpu.memory_space<vmem_shared>> -> memref<112x128xf32, #tpu.memory_space<vmem_shared>>
      %dma_wait3A_101 = arith.constant 0 : i32
      %dma_wait3A_102 = arith.constant 0 : i32
      %dma_wait3A_103 = tpu.memref_slice %arg9[%dma_wait3A_101, %dma_wait3A_102] : memref<128x128xf32, #tpu.memory_space<vmem>> -> memref<112x128xf32, #tpu.memory_space<vmem>>
      %dma_wait3A_104 = arith.constant 0 : i32
      %dma_wait3A_105 = tpu.memref_slice %arg11[%add3A_80, %dma_wait3A_104] : memref<10256x128xf32, #tpu.memory_space<vmem_shared>> -> memref<112x128xf32, #tpu.memory_space<vmem_shared>>
      tpu.wait_dma2 semaphore(%run_scoped3A : memref<!tpu.dma_semaphore, #tpu.memory_space<semaphore_mem>>) src(%dma_wait3A_105 : memref<112x128xf32, #tpu.memory_space<vmem_shared>>) dst(%dma_wait3A_103 : memref<112x128xf32, #tpu.memory_space<vmem>>)
      tpu.yield
    }) : () -> ()
    "tpu.region"() ({
      %run_scoped3A = tpu.sem_alloc : memref<!tpu.dma_semaphore, #tpu.memory_space<semaphore_mem>>
      %dma_start3A_86 = arith.constant 0 : i32
      %dma_start3A_87 = arith.constant 0 : i32
      %dma_start3A_88 = tpu.memref_slice %arg9[%dma_start3A_86, %dma_start3A_87] : memref<128x128xf32, #tpu.memory_space<vmem>> -> memref<112x128xf32, #tpu.memory_space<vmem>>
      %dma_start3A_89 = arith.constant 0 : i32
      %dma_start3A_90 = tpu.memref_slice %arg5[%arg0, %add3A_80, %dma_start3A_89] : memref<2x10000x128xf32, #tpu.memory_space<hbm>> -> memref<1x112x128xf32, #tpu.memory_space<hbm>>
      %dma_start3A_91 = tpu.memref_squeeze %dma_start3A_90 : memref<1x112x128xf32, #tpu.memory_space<hbm>> -> memref<112x128xf32, #tpu.memory_space<hbm>>
      %dma_start3A_92 = arith.constant 0 : i32
      %dma_start3A_93 = tpu.memref_slice %arg5[%arg0, %add3A_80, %dma_start3A_92] : memref<2x10000x128xf32, #tpu.memory_space<hbm>> -> memref<1x112x128xf32, #tpu.memory_space<hbm>>
      %dma_start3A_94 = tpu.memref_squeeze %dma_start3A_93 : memref<1x112x128xf32, #tpu.memory_space<hbm>> -> memref<112x128xf32, #tpu.memory_space<hbm>>
      %dma_start3A_95 = arith.constant 0 : i32
      %dma_start3A_96 = arith.constant 0 : i32
      %dma_start3A_97 = tpu.memref_slice %arg9[%dma_start3A_95, %dma_start3A_96] : memref<128x128xf32, #tpu.memory_space<vmem>> -> memref<112x128xf32, #tpu.memory_space<vmem>>
      tpu.enqueue_dma source(%dma_start3A_97 : memref<112x128xf32, #tpu.memory_space<vmem>>) target(%dma_start3A_94 : memref<112x128xf32, #tpu.memory_space<hbm>>) target_semaphore(%run_scoped3A : memref<!tpu.dma_semaphore, #tpu.memory_space<semaphore_mem>>)
      %dma_wait3A_98 = arith.constant 0 : i32
      %dma_wait3A_99 = arith.constant 0 : i32
      %dma_wait3A_100 = tpu.memref_slice %arg9[%dma_wait3A_98, %dma_wait3A_99] : memref<128x128xf32, #tpu.memory_space<vmem>> -> memref<112x128xf32, #tpu.memory_space<vmem>>
      %dma_wait3A_101 = arith.constant 0 : i32
      %dma_wait3A_102 = tpu.memref_slice %arg5[%arg0, %add3A_80, %dma_wait3A_101] : memref<2x10000x128xf32, #tpu.memory_space<hbm>> -> memref<1x112x128xf32, #tpu.memory_space<hbm>>
      %dma_wait3A_103 = tpu.memref_squeeze %dma_wait3A_102 : memref<1x112x128xf32, #tpu.memory_space<hbm>> -> memref<112x128xf32, #tpu.memory_space<hbm>>
      %dma_wait3A_104 = arith.constant 0 : i32
      %dma_wait3A_105 = tpu.memref_slice %arg5[%arg0, %add3A_80, %dma_wait3A_104] : memref<2x10000x128xf32, #tpu.memory_space<hbm>> -> memref<1x112x128xf32, #tpu.memory_space<hbm>>
      %dma_wait3A_106 = tpu.memref_squeeze %dma_wait3A_105 : memref<1x112x128xf32, #tpu.memory_space<hbm>> -> memref<112x128xf32, #tpu.memory_space<hbm>>
      %dma_wait3A_107 = arith.constant 0 : i32
      %dma_wait3A_108 = arith.constant 0 : i32
      %dma_wait3A_109 = tpu.memref_slice %arg9[%dma_wait3A_107, %dma_wait3A_108] : memref<128x128xf32, #tpu.memory_space<vmem>> -> memref<112x128xf32, #tpu.memory_space<vmem>>
      tpu.wait_dma2 semaphore(%run_scoped3A : memref<!tpu.dma_semaphore, #tpu.memory_space<semaphore_mem>>) src(%dma_wait3A_109 : memref<112x128xf32, #tpu.memory_space<vmem>>) dst(%dma_wait3A_106 : memref<112x128xf32, #tpu.memory_space<hbm>>)
      tpu.yield
    }) : () -> ()
    %eq3A_81 = arith.constant 15 : i32
    %eq3A_82 = arith.cmpi eq, %arg1, %eq3A_81 : i32
    %convert_element_type3A_83 = arith.extui %eq3A_82 : i1 to i32
    %cond3A_84 = arith.constant 0 : i32
    %cond3A_85 = arith.cmpi ne, %convert_element_type3A_83, %cond3A_84 : i32
    scf.if %cond3A_85 {
      "tpu.region"() ({
        %run_scoped3A = tpu.sem_alloc : memref<!tpu.dma_semaphore, #tpu.memory_space<semaphore_mem>>
        %dma_start3A_86 = arith.constant 0 : i32
        %dma_start3A_87 = arith.constant 0 : i32
        %dma_start3A_88 = tpu.memref_slice %arg10[%dma_start3A_86, %dma_start3A_87] : memref<128x128xf32, #tpu.memory_space<vmem>> -> memref<16x128xf32, #tpu.memory_space<vmem>>
        %dma_start3A_89 = arith.constant 9984 : i32
        %dma_start3A_90 = arith.constant 0 : i32
        %dma_start3A_91 = tpu.memref_slice %arg11[%dma_start3A_89, %dma_start3A_90] : memref<10256x128xf32, #tpu.memory_space<vmem_shared>> -> memref<16x128xf32, #tpu.memory_space<vmem_shared>>
        %dma_start3A_92 = arith.constant 0 : i32
        %dma_start3A_93 = arith.constant 0 : i32
        %dma_start3A_94 = tpu.memref_slice %arg10[%dma_start3A_92, %dma_start3A_93] : memref<128x128xf32, #tpu.memory_space<vmem>> -> memref<16x128xf32, #tpu.memory_space<vmem>>
        %dma_start3A_95 = arith.constant 9984 : i32
        %dma_start3A_96 = arith.constant 0 : i32
        %dma_start3A_97 = tpu.memref_slice %arg11[%dma_start3A_95, %dma_start3A_96] : memref<10256x128xf32, #tpu.memory_space<vmem_shared>> -> memref<16x128xf32, #tpu.memory_space<vmem_shared>>
        tpu.enqueue_dma source(%dma_start3A_97 : memref<16x128xf32, #tpu.memory_space<vmem_shared>>) target(%dma_start3A_94 : memref<16x128xf32, #tpu.memory_space<vmem>>) target_semaphore(%run_scoped3A : memref<!tpu.dma_semaphore, #tpu.memory_space<semaphore_mem>>)
        %dma_wait3A_98 = arith.constant 0 : i32
        %dma_wait3A_99 = arith.constant 0 : i32
        %dma_wait3A_100 = tpu.memref_slice %arg10[%dma_wait3A_98, %dma_wait3A_99] : memref<128x128xf32, #tpu.memory_space<vmem>> -> memref<16x128xf32, #tpu.memory_space<vmem>>
        %dma_wait3A_101 = arith.constant 9984 : i32
        %dma_wait3A_102 = arith.constant 0 : i32
        %dma_wait3A_103 = tpu.memref_slice %arg11[%dma_wait3A_101, %dma_wait3A_102] : memref<10256x128xf32, #tpu.memory_space<vmem_shared>> -> memref<16x128xf32, #tpu.memory_space<vmem_shared>>
        %dma_wait3A_104 = arith.constant 0 : i32
        %dma_wait3A_105 = arith.constant 0 : i32
        %dma_wait3A_106 = tpu.memref_slice %arg10[%dma_wait3A_104, %dma_wait3A_105] : memref<128x128xf32, #tpu.memory_space<vmem>> -> memref<16x128xf32, #tpu.memory_space<vmem>>
        %dma_wait3A_107 = arith.constant 9984 : i32
        %dma_wait3A_108 = arith.constant 0 : i32
        %dma_wait3A_109 = tpu.memref_slice %arg11[%dma_wait3A_107, %dma_wait3A_108] : memref<10256x128xf32, #tpu.memory_space<vmem_shared>> -> memref<16x128xf32, #tpu.memory_space<vmem_shared>>
        tpu.wait_dma2 semaphore(%run_scoped3A : memref<!tpu.dma_semaphore, #tpu.memory_space<semaphore_mem>>) src(%dma_wait3A_109 : memref<16x128xf32, #tpu.memory_space<vmem_shared>>) dst(%dma_wait3A_106 : memref<16x128xf32, #tpu.memory_space<vmem>>)
        tpu.yield
      }) : () -> ()
      "tpu.region"() ({
        %run_scoped3A = tpu.sem_alloc : memref<!tpu.dma_semaphore, #tpu.memory_space<semaphore_mem>>
        %dma_start3A_86 = arith.constant 0 : i32
        %dma_start3A_87 = arith.constant 0 : i32
        %dma_start3A_88 = tpu.memref_slice %arg10[%dma_start3A_86, %dma_start3A_87] : memref<128x128xf32, #tpu.memory_space<vmem>> -> memref<16x128xf32, #tpu.memory_space<vmem>>
        %dma_start3A_89 = arith.constant 9984 : i32
        %dma_start3A_90 = arith.constant 0 : i32
        %dma_start3A_91 = tpu.memref_slice %arg5[%arg0, %dma_start3A_89, %dma_start3A_90] : memref<2x10000x128xf32, #tpu.memory_space<hbm>> -> memref<1x16x128xf32, #tpu.memory_space<hbm>>
        %dma_start3A_92 = tpu.memref_squeeze %dma_start3A_91 : memref<1x16x128xf32, #tpu.memory_space<hbm>> -> memref<16x128xf32, #tpu.memory_space<hbm>>
        %dma_start3A_93 = arith.constant 9984 : i32
        %dma_start3A_94 = arith.constant 0 : i32
        %dma_start3A_95 = tpu.memref_slice %arg5[%arg0, %dma_start3A_93, %dma_start3A_94] : memref<2x10000x128xf32, #tpu.memory_space<hbm>> -> memref<1x16x128xf32, #tpu.memory_space<hbm>>
        %dma_start3A_96 = tpu.memref_squeeze %dma_start3A_95 : memref<1x16x128xf32, #tpu.memory_space<hbm>> -> memref<16x128xf32, #tpu.memory_space<hbm>>
        %dma_start3A_97 = arith.constant 0 : i32
        %dma_start3A_98 = arith.constant 0 : i32
        %dma_start3A_99 = tpu.memref_slice %arg10[%dma_start3A_97, %dma_start3A_98] : memref<128x128xf32, #tpu.memory_space<vmem>> -> memref<16x128xf32, #tpu.memory_space<vmem>>
        tpu.enqueue_dma source(%dma_start3A_99 : memref<16x128xf32, #tpu.memory_space<vmem>>) target(%dma_start3A_96 : memref<16x128xf32, #tpu.memory_space<hbm>>) target_semaphore(%run_scoped3A : memref<!tpu.dma_semaphore, #tpu.memory_space<semaphore_mem>>)
        %dma_wait3A_100 = arith.constant 0 : i32
        %dma_wait3A_101 = arith.constant 0 : i32
        %dma_wait3A_102 = tpu.memref_slice %arg10[%dma_wait3A_100, %dma_wait3A_101] : memref<128x128xf32, #tpu.memory_space<vmem>> -> memref<16x128xf32, #tpu.memory_space<vmem>>
        %dma_wait3A_103 = arith.constant 9984 : i32
        %dma_wait3A_104 = arith.constant 0 : i32
        %dma_wait3A_105 = tpu.memref_slice %arg5[%arg0, %dma_wait3A_103, %dma_wait3A_104] : memref<2x10000x128xf32, #tpu.memory_space<hbm>> -> memref<1x16x128xf32, #tpu.memory_space<hbm>>
        %dma_wait3A_106 = tpu.memref_squeeze %dma_wait3A_105 : memref<1x16x128xf32, #tpu.memory_space<hbm>> -> memref<16x128xf32, #tpu.memory_space<hbm>>
        %dma_wait3A_107 = arith.constant 9984 : i32
        %dma_wait3A_108 = arith.constant 0 : i32
        %dma_wait3A_109 = tpu.memref_slice %arg5[%arg0, %dma_wait3A_107, %dma_wait3A_108] : memref<2x10000x128xf32, #tpu.memory_space<hbm>> -> memref<1x16x128xf32, #tpu.memory_space<hbm>>
        %dma_wait3A_110 = tpu.memref_squeeze %dma_wait3A_109 : memref<1x16x128xf32, #tpu.memory_space<hbm>> -> memref<16x128xf32, #tpu.memory_space<hbm>>
        %dma_wait3A_111 = arith.constant 0 : i32
        %dma_wait3A_112 = arith.constant 0 : i32
        %dma_wait3A_113 = tpu.memref_slice %arg10[%dma_wait3A_111, %dma_wait3A_112] : memref<128x128xf32, #tpu.memory_space<vmem>> -> memref<16x128xf32, #tpu.memory_space<vmem>>
        tpu.wait_dma2 semaphore(%run_scoped3A : memref<!tpu.dma_semaphore, #tpu.memory_space<semaphore_mem>>) src(%dma_wait3A_113 : memref<16x128xf32, #tpu.memory_space<vmem>>) dst(%dma_wait3A_110 : memref<16x128xf32, #tpu.memory_space<hbm>>)
        tpu.yield
      }) : () -> ()
    } else {
    }
    return
  }
}

#map = affine_map<(d0, d1) -> (0, 0)>
#map1 = affine_map<(d0, d1) -> (0)>
module attributes {stable_mosaic.version = 14 : i64} {
  func.func @_deg_kernel(%arg0: i32, %arg1: i32, %arg2: memref<2560x128xi32, #tpu.memory_space<hbm>>, %arg3: memref<20000xf32, #tpu.memory_space<hbm>>, %arg4: memref<80x128xi32, #tpu.memory_space<vmem>>, %arg5: memref<128xf32, #tpu.memory_space<vmem>>, %arg6: memref<624xf32, #tpu.memory_space<vmem>>, %arg7: memref<10256xf32, #tpu.memory_space<vmem_shared>>, %arg8: memref<!tpu.dma_semaphore, #tpu.memory_space<semaphore_mem>>, %arg9: memref<!tpu.dma_semaphore, #tpu.memory_space<semaphore_mem>>) attributes {dimension_semantics = [#tpu.dimension_semantics<core_parallel>, #tpu.dimension_semantics<subcore_parallel>], iteration_bounds = array<i64: 2, 16>, scalar_prefetch = 0 : i64, scratch_operands = 6 : i64, tpu.core_type = #tpu.core_type<sc_vector_subcore>, window_params = [{transform_indices = #map}, {transform_indices = #map1}]} {
    %mul3A = arith.constant 16 : i32
    %mul3A_0 = arith.muli %arg0, %mul3A : i32
    %add3A = arith.addi %mul3A_0, %arg1 : i32
    %mul3A_1 = arith.constant 80 : i32
    %mul3A_2 = arith.muli %add3A, %mul3A_1 : i32
    %dma_start3A = arith.constant 0 : i32
    %dma_start3A_3 = tpu.memref_slice %arg2[%mul3A_2, %dma_start3A] : memref<2560x128xi32, #tpu.memory_space<hbm>> -> memref<80x128xi32, #tpu.memory_space<hbm>>
    %dma_start3A_4 = arith.constant 0 : i32
    %dma_start3A_5 = tpu.memref_slice %arg2[%mul3A_2, %dma_start3A_4] : memref<2560x128xi32, #tpu.memory_space<hbm>> -> memref<80x128xi32, #tpu.memory_space<hbm>>
    tpu.enqueue_dma source(%dma_start3A_5 : memref<80x128xi32, #tpu.memory_space<hbm>>) target(%arg4 : memref<80x128xi32, #tpu.memory_space<vmem>>) target_semaphore(%arg8 : memref<!tpu.dma_semaphore, #tpu.memory_space<semaphore_mem>>)
    %broadcast_in_dim3A = arith.constant 1.000000e+00 : f32
    %broadcast_in_dim3A_6 = vector.broadcast %broadcast_in_dim3A : f32 to vector<16xf32>
    %swap3A = arith.constant 0 : index
    %swap3A_7 = tpu.vector_load %arg5[%swap3A] {strides = array<i32>} : memref<128xf32, #tpu.memory_space<vmem>>, vector<16xf32>,
    %swap3A_8 = vector.shape_cast %swap3A_7 : vector<16xf32> to vector<16xf32>
    %swap3A_9 = vector.shape_cast %broadcast_in_dim3A_6 : vector<16xf32> to vector<16xf32>
    tpu.vector_store %arg5[%swap3A], %swap3A_9 {strides = array<i32>} : memref<128xf32, #tpu.memory_space<vmem>>, vector<16xf32>,
    %broadcast_in_dim3A_10 = arith.constant 1.000000e+00 : f32
    %broadcast_in_dim3A_11 = vector.broadcast %broadcast_in_dim3A_10 : f32 to vector<16xf32>
    %swap3A_12 = arith.constant 16 : index
    %swap3A_13 = tpu.vector_load %arg5[%swap3A_12] {strides = array<i32>} : memref<128xf32, #tpu.memory_space<vmem>>, vector<16xf32>,
    %swap3A_14 = vector.shape_cast %swap3A_13 : vector<16xf32> to vector<16xf32>
    %swap3A_15 = vector.shape_cast %broadcast_in_dim3A_11 : vector<16xf32> to vector<16xf32>
    tpu.vector_store %arg5[%swap3A_12], %swap3A_15 {strides = array<i32>} : memref<128xf32, #tpu.memory_space<vmem>>, vector<16xf32>,
    %broadcast_in_dim3A_16 = arith.constant 1.000000e+00 : f32
    %broadcast_in_dim3A_17 = vector.broadcast %broadcast_in_dim3A_16 : f32 to vector<16xf32>
    %swap3A_18 = arith.constant 32 : index
    %swap3A_19 = tpu.vector_load %arg5[%swap3A_18] {strides = array<i32>} : memref<128xf32, #tpu.memory_space<vmem>>, vector<16xf32>,
    %swap3A_20 = vector.shape_cast %swap3A_19 : vector<16xf32> to vector<16xf32>
    %swap3A_21 = vector.shape_cast %broadcast_in_dim3A_17 : vector<16xf32> to vector<16xf32>
    tpu.vector_store %arg5[%swap3A_18], %swap3A_21 {strides = array<i32>} : memref<128xf32, #tpu.memory_space<vmem>>, vector<16xf32>,
    %broadcast_in_dim3A_22 = arith.constant 1.000000e+00 : f32
    %broadcast_in_dim3A_23 = vector.broadcast %broadcast_in_dim3A_22 : f32 to vector<16xf32>
    %swap3A_24 = arith.constant 48 : index
    %swap3A_25 = tpu.vector_load %arg5[%swap3A_24] {strides = array<i32>} : memref<128xf32, #tpu.memory_space<vmem>>, vector<16xf32>,
    %swap3A_26 = vector.shape_cast %swap3A_25 : vector<16xf32> to vector<16xf32>
    %swap3A_27 = vector.shape_cast %broadcast_in_dim3A_23 : vector<16xf32> to vector<16xf32>
    tpu.vector_store %arg5[%swap3A_24], %swap3A_27 {strides = array<i32>} : memref<128xf32, #tpu.memory_space<vmem>>, vector<16xf32>,
    %broadcast_in_dim3A_28 = arith.constant 1.000000e+00 : f32
    %broadcast_in_dim3A_29 = vector.broadcast %broadcast_in_dim3A_28 : f32 to vector<16xf32>
    %swap3A_30 = arith.constant 64 : index
    %swap3A_31 = tpu.vector_load %arg5[%swap3A_30] {strides = array<i32>} : memref<128xf32, #tpu.memory_space<vmem>>, vector<16xf32>,
    %swap3A_32 = vector.shape_cast %swap3A_31 : vector<16xf32> to vector<16xf32>
    %swap3A_33 = vector.shape_cast %broadcast_in_dim3A_29 : vector<16xf32> to vector<16xf32>
    tpu.vector_store %arg5[%swap3A_30], %swap3A_33 {strides = array<i32>} : memref<128xf32, #tpu.memory_space<vmem>>, vector<16xf32>,
    %broadcast_in_dim3A_34 = arith.constant 1.000000e+00 : f32
    %broadcast_in_dim3A_35 = vector.broadcast %broadcast_in_dim3A_34 : f32 to vector<16xf32>
    %swap3A_36 = arith.constant 80 : index
    %swap3A_37 = tpu.vector_load %arg5[%swap3A_36] {strides = array<i32>} : memref<128xf32, #tpu.memory_space<vmem>>, vector<16xf32>,
    %swap3A_38 = vector.shape_cast %swap3A_37 : vector<16xf32> to vector<16xf32>
    %swap3A_39 = vector.shape_cast %broadcast_in_dim3A_35 : vector<16xf32> to vector<16xf32>
    tpu.vector_store %arg5[%swap3A_36], %swap3A_39 {strides = array<i32>} : memref<128xf32, #tpu.memory_space<vmem>>, vector<16xf32>,
    %broadcast_in_dim3A_40 = arith.constant 1.000000e+00 : f32
    %broadcast_in_dim3A_41 = vector.broadcast %broadcast_in_dim3A_40 : f32 to vector<16xf32>
    %swap3A_42 = arith.constant 96 : index
    %swap3A_43 = tpu.vector_load %arg5[%swap3A_42] {strides = array<i32>} : memref<128xf32, #tpu.memory_space<vmem>>, vector<16xf32>,
    %swap3A_44 = vector.shape_cast %swap3A_43 : vector<16xf32> to vector<16xf32>
    %swap3A_45 = vector.shape_cast %broadcast_in_dim3A_41 : vector<16xf32> to vector<16xf32>
    tpu.vector_store %arg5[%swap3A_42], %swap3A_45 {strides = array<i32>} : memref<128xf32, #tpu.memory_space<vmem>>, vector<16xf32>,
    %broadcast_in_dim3A_46 = arith.constant 1.000000e+00 : f32
    %broadcast_in_dim3A_47 = vector.broadcast %broadcast_in_dim3A_46 : f32 to vector<16xf32>
    %swap3A_48 = arith.constant 112 : index
    %swap3A_49 = tpu.vector_load %arg5[%swap3A_48] {strides = array<i32>} : memref<128xf32, #tpu.memory_space<vmem>>, vector<16xf32>,
    %swap3A_50 = vector.shape_cast %swap3A_49 : vector<16xf32> to vector<16xf32>
    %swap3A_51 = vector.shape_cast %broadcast_in_dim3A_47 : vector<16xf32> to vector<16xf32>
    tpu.vector_store %arg5[%swap3A_48], %swap3A_51 {strides = array<i32>} : memref<128xf32, #tpu.memory_space<vmem>>, vector<16xf32>,
    %broadcast_in_dim3A_52 = arith.constant 0.000000e+00 : f32
    %broadcast_in_dim3A_53 = vector.broadcast %broadcast_in_dim3A_52 : f32 to vector<16xf32>
    %swap3A_54 = arith.constant 0 : index
    %swap3A_55 = tpu.vector_load %arg6[%swap3A_54] {strides = array<i32>} : memref<624xf32, #tpu.memory_space<vmem>>, vector<16xf32>,
    %swap3A_56 = vector.shape_cast %swap3A_55 : vector<16xf32> to vector<16xf32>
    %swap3A_57 = vector.shape_cast %broadcast_in_dim3A_53 : vector<16xf32> to vector<16xf32>
    tpu.vector_store %arg6[%swap3A_54], %swap3A_57 {strides = array<i32>} : memref<624xf32, #tpu.memory_space<vmem>>, vector<16xf32>,
    %broadcast_in_dim3A_58 = arith.constant 0.000000e+00 : f32
    %broadcast_in_dim3A_59 = vector.broadcast %broadcast_in_dim3A_58 : f32 to vector<16xf32>
    %swap3A_60 = arith.constant 16 : index
    %swap3A_61 = tpu.vector_load %arg6[%swap3A_60] {strides = array<i32>} : memref<624xf32, #tpu.memory_space<vmem>>, vector<16xf32>,
    %swap3A_62 = vector.shape_cast %swap3A_61 : vector<16xf32> to vector<16xf32>
    %swap3A_63 = vector.shape_cast %broadcast_in_dim3A_59 : vector<16xf32> to vector<16xf32>
    tpu.vector_store %arg6[%swap3A_60], %swap3A_63 {strides = array<i32>} : memref<624xf32, #tpu.memory_space<vmem>>, vector<16xf32>,
    %broadcast_in_dim3A_64 = arith.constant 0.000000e+00 : f32
    %broadcast_in_dim3A_65 = vector.broadcast %broadcast_in_dim3A_64 : f32 to vector<16xf32>
    %swap3A_66 = arith.constant 32 : index
    %swap3A_67 = tpu.vector_load %arg6[%swap3A_66] {strides = array<i32>} : memref<624xf32, #tpu.memory_space<vmem>>, vector<16xf32>,
    %swap3A_68 = vector.shape_cast %swap3A_67 : vector<16xf32> to vector<16xf32>
    %swap3A_69 = vector.shape_cast %broadcast_in_dim3A_65 : vector<16xf32> to vector<16xf32>
    tpu.vector_store %arg6[%swap3A_66], %swap3A_69 {strides = array<i32>} : memref<624xf32, #tpu.memory_space<vmem>>, vector<16xf32>,
    %broadcast_in_dim3A_70 = arith.constant 0.000000e+00 : f32
    %broadcast_in_dim3A_71 = vector.broadcast %broadcast_in_dim3A_70 : f32 to vector<16xf32>
    %swap3A_72 = arith.constant 48 : index
    %swap3A_73 = tpu.vector_load %arg6[%swap3A_72] {strides = array<i32>} : memref<624xf32, #tpu.memory_space<vmem>>, vector<16xf32>,
    %swap3A_74 = vector.shape_cast %swap3A_73 : vector<16xf32> to vector<16xf32>
    %swap3A_75 = vector.shape_cast %broadcast_in_dim3A_71 : vector<16xf32> to vector<16xf32>
    tpu.vector_store %arg6[%swap3A_72], %swap3A_75 {strides = array<i32>} : memref<624xf32, #tpu.memory_space<vmem>>, vector<16xf32>,
    %broadcast_in_dim3A_76 = arith.constant 0.000000e+00 : f32
    %broadcast_in_dim3A_77 = vector.broadcast %broadcast_in_dim3A_76 : f32 to vector<16xf32>
    %swap3A_78 = arith.constant 64 : index
    %swap3A_79 = tpu.vector_load %arg6[%swap3A_78] {strides = array<i32>} : memref<624xf32, #tpu.memory_space<vmem>>, vector<16xf32>,
    %swap3A_80 = vector.shape_cast %swap3A_79 : vector<16xf32> to vector<16xf32>
    %swap3A_81 = vector.shape_cast %broadcast_in_dim3A_77 : vector<16xf32> to vector<16xf32>
    tpu.vector_store %arg6[%swap3A_78], %swap3A_81 {strides = array<i32>} : memref<624xf32, #tpu.memory_space<vmem>>, vector<16xf32>,
    %broadcast_in_dim3A_82 = arith.constant 0.000000e+00 : f32
    %broadcast_in_dim3A_83 = vector.broadcast %broadcast_in_dim3A_82 : f32 to vector<16xf32>
    %swap3A_84 = arith.constant 80 : index
    %swap3A_85 = tpu.vector_load %arg6[%swap3A_84] {strides = array<i32>} : memref<624xf32, #tpu.memory_space<vmem>>, vector<16xf32>,
    %swap3A_86 = vector.shape_cast %swap3A_85 : vector<16xf32> to vector<16xf32>
    %swap3A_87 = vector.shape_cast %broadcast_in_dim3A_83 : vector<16xf32> to vector<16xf32>
    tpu.vector_store %arg6[%swap3A_84], %swap3A_87 {strides = array<i32>} : memref<624xf32, #tpu.memory_space<vmem>>, vector<16xf32>,
    %broadcast_in_dim3A_88 = arith.constant 0.000000e+00 : f32
    %broadcast_in_dim3A_89 = vector.broadcast %broadcast_in_dim3A_88 : f32 to vector<16xf32>
    %swap3A_90 = arith.constant 96 : index
    %swap3A_91 = tpu.vector_load %arg6[%swap3A_90] {strides = array<i32>} : memref<624xf32, #tpu.memory_space<vmem>>, vector<16xf32>,
    %swap3A_92 = vector.shape_cast %swap3A_91 : vector<16xf32> to vector<16xf32>
    %swap3A_93 = vector.shape_cast %broadcast_in_dim3A_89 : vector<16xf32> to vector<16xf32>
    tpu.vector_store %arg6[%swap3A_90], %swap3A_93 {strides = array<i32>} : memref<624xf32, #tpu.memory_space<vmem>>, vector<16xf32>,
    %broadcast_in_dim3A_94 = arith.constant 0.000000e+00 : f32
    %broadcast_in_dim3A_95 = vector.broadcast %broadcast_in_dim3A_94 : f32 to vector<16xf32>
    %swap3A_96 = arith.constant 112 : index
    %swap3A_97 = tpu.vector_load %arg6[%swap3A_96] {strides = array<i32>} : memref<624xf32, #tpu.memory_space<vmem>>, vector<16xf32>,
    %swap3A_98 = vector.shape_cast %swap3A_97 : vector<16xf32> to vector<16xf32>
    %swap3A_99 = vector.shape_cast %broadcast_in_dim3A_95 : vector<16xf32> to vector<16xf32>
    tpu.vector_store %arg6[%swap3A_96], %swap3A_99 {strides = array<i32>} : memref<624xf32, #tpu.memory_space<vmem>>, vector<16xf32>,
    %broadcast_in_dim3A_100 = arith.constant 0.000000e+00 : f32
    %broadcast_in_dim3A_101 = vector.broadcast %broadcast_in_dim3A_100 : f32 to vector<16xf32>
    %swap3A_102 = arith.constant 128 : index
    %swap3A_103 = tpu.vector_load %arg6[%swap3A_102] {strides = array<i32>} : memref<624xf32, #tpu.memory_space<vmem>>, vector<16xf32>,
    %swap3A_104 = vector.shape_cast %swap3A_103 : vector<16xf32> to vector<16xf32>
    %swap3A_105 = vector.shape_cast %broadcast_in_dim3A_101 : vector<16xf32> to vector<16xf32>
    tpu.vector_store %arg6[%swap3A_102], %swap3A_105 {strides = array<i32>} : memref<624xf32, #tpu.memory_space<vmem>>, vector<16xf32>,
    %broadcast_in_dim3A_106 = arith.constant 0.000000e+00 : f32
    %broadcast_in_dim3A_107 = vector.broadcast %broadcast_in_dim3A_106 : f32 to vector<16xf32>
    %swap3A_108 = arith.constant 144 : index
    %swap3A_109 = tpu.vector_load %arg6[%swap3A_108] {strides = array<i32>} : memref<624xf32, #tpu.memory_space<vmem>>, vector<16xf32>,
    %swap3A_110 = vector.shape_cast %swap3A_109 : vector<16xf32> to vector<16xf32>
    %swap3A_111 = vector.shape_cast %broadcast_in_dim3A_107 : vector<16xf32> to vector<16xf32>
    tpu.vector_store %arg6[%swap3A_108], %swap3A_111 {strides = array<i32>} : memref<624xf32, #tpu.memory_space<vmem>>, vector<16xf32>,
    %broadcast_in_dim3A_112 = arith.constant 0.000000e+00 : f32
    %broadcast_in_dim3A_113 = vector.broadcast %broadcast_in_dim3A_112 : f32 to vector<16xf32>
    %swap3A_114 = arith.constant 160 : index
    %swap3A_115 = tpu.vector_load %arg6[%swap3A_114] {strides = array<i32>} : memref<624xf32, #tpu.memory_space<vmem>>, vector<16xf32>,
    %swap3A_116 = vector.shape_cast %swap3A_115 : vector<16xf32> to vector<16xf32>
    %swap3A_117 = vector.shape_cast %broadcast_in_dim3A_113 : vector<16xf32> to vector<16xf32>
    tpu.vector_store %arg6[%swap3A_114], %swap3A_117 {strides = array<i32>} : memref<624xf32, #tpu.memory_space<vmem>>, vector<16xf32>,
    %broadcast_in_dim3A_118 = arith.constant 0.000000e+00 : f32
    %broadcast_in_dim3A_119 = vector.broadcast %broadcast_in_dim3A_118 : f32 to vector<16xf32>
    %swap3A_120 = arith.constant 176 : index
    %swap3A_121 = tpu.vector_load %arg6[%swap3A_120] {strides = array<i32>} : memref<624xf32, #tpu.memory_space<vmem>>, vector<16xf32>,
    %swap3A_122 = vector.shape_cast %swap3A_121 : vector<16xf32> to vector<16xf32>
    %swap3A_123 = vector.shape_cast %broadcast_in_dim3A_119 : vector<16xf32> to vector<16xf32>
    tpu.vector_store %arg6[%swap3A_120], %swap3A_123 {strides = array<i32>} : memref<624xf32, #tpu.memory_space<vmem>>, vector<16xf32>,
    %broadcast_in_dim3A_124 = arith.constant 0.000000e+00 : f32
    %broadcast_in_dim3A_125 = vector.broadcast %broadcast_in_dim3A_124 : f32 to vector<16xf32>
    %swap3A_126 = arith.constant 192 : index
    %swap3A_127 = tpu.vector_load %arg6[%swap3A_126] {strides = array<i32>} : memref<624xf32, #tpu.memory_space<vmem>>, vector<16xf32>,
    %swap3A_128 = vector.shape_cast %swap3A_127 : vector<16xf32> to vector<16xf32>
    %swap3A_129 = vector.shape_cast %broadcast_in_dim3A_125 : vector<16xf32> to vector<16xf32>
    tpu.vector_store %arg6[%swap3A_126], %swap3A_129 {strides = array<i32>} : memref<624xf32, #tpu.memory_space<vmem>>, vector<16xf32>,
    %broadcast_in_dim3A_130 = arith.constant 0.000000e+00 : f32
    %broadcast_in_dim3A_131 = vector.broadcast %broadcast_in_dim3A_130 : f32 to vector<16xf32>
    %swap3A_132 = arith.constant 208 : index
    %swap3A_133 = tpu.vector_load %arg6[%swap3A_132] {strides = array<i32>} : memref<624xf32, #tpu.memory_space<vmem>>, vector<16xf32>,
    %swap3A_134 = vector.shape_cast %swap3A_133 : vector<16xf32> to vector<16xf32>
    %swap3A_135 = vector.shape_cast %broadcast_in_dim3A_131 : vector<16xf32> to vector<16xf32>
    tpu.vector_store %arg6[%swap3A_132], %swap3A_135 {strides = array<i32>} : memref<624xf32, #tpu.memory_space<vmem>>, vector<16xf32>,
    %broadcast_in_dim3A_136 = arith.constant 0.000000e+00 : f32
    %broadcast_in_dim3A_137 = vector.broadcast %broadcast_in_dim3A_136 : f32 to vector<16xf32>
    %swap3A_138 = arith.constant 224 : index
    %swap3A_139 = tpu.vector_load %arg6[%swap3A_138] {strides = array<i32>} : memref<624xf32, #tpu.memory_space<vmem>>, vector<16xf32>,
    %swap3A_140 = vector.shape_cast %swap3A_139 : vector<16xf32> to vector<16xf32>
    %swap3A_141 = vector.shape_cast %broadcast_in_dim3A_137 : vector<16xf32> to vector<16xf32>
    tpu.vector_store %arg6[%swap3A_138], %swap3A_141 {strides = array<i32>} : memref<624xf32, #tpu.memory_space<vmem>>, vector<16xf32>,
    %broadcast_in_dim3A_142 = arith.constant 0.000000e+00 : f32
    %broadcast_in_dim3A_143 = vector.broadcast %broadcast_in_dim3A_142 : f32 to vector<16xf32>
    %swap3A_144 = arith.constant 240 : index
    %swap3A_145 = tpu.vector_load %arg6[%swap3A_144] {strides = array<i32>} : memref<624xf32, #tpu.memory_space<vmem>>, vector<16xf32>,
    %swap3A_146 = vector.shape_cast %swap3A_145 : vector<16xf32> to vector<16xf32>
    %swap3A_147 = vector.shape_cast %broadcast_in_dim3A_143 : vector<16xf32> to vector<16xf32>
    tpu.vector_store %arg6[%swap3A_144], %swap3A_147 {strides = array<i32>} : memref<624xf32, #tpu.memory_space<vmem>>, vector<16xf32>,
    %broadcast_in_dim3A_148 = arith.constant 0.000000e+00 : f32
    %broadcast_in_dim3A_149 = vector.broadcast %broadcast_in_dim3A_148 : f32 to vector<16xf32>
    %swap3A_150 = arith.constant 256 : index
    %swap3A_151 = tpu.vector_load %arg6[%swap3A_150] {strides = array<i32>} : memref<624xf32, #tpu.memory_space<vmem>>, vector<16xf32>,
    %swap3A_152 = vector.shape_cast %swap3A_151 : vector<16xf32> to vector<16xf32>
    %swap3A_153 = vector.shape_cast %broadcast_in_dim3A_149 : vector<16xf32> to vector<16xf32>
    tpu.vector_store %arg6[%swap3A_150], %swap3A_153 {strides = array<i32>} : memref<624xf32, #tpu.memory_space<vmem>>, vector<16xf32>,
    %broadcast_in_dim3A_154 = arith.constant 0.000000e+00 : f32
    %broadcast_in_dim3A_155 = vector.broadcast %broadcast_in_dim3A_154 : f32 to vector<16xf32>
    %swap3A_156 = arith.constant 272 : index
    %swap3A_157 = tpu.vector_load %arg6[%swap3A_156] {strides = array<i32>} : memref<624xf32, #tpu.memory_space<vmem>>, vector<16xf32>,
    %swap3A_158 = vector.shape_cast %swap3A_157 : vector<16xf32> to vector<16xf32>
    %swap3A_159 = vector.shape_cast %broadcast_in_dim3A_155 : vector<16xf32> to vector<16xf32>
    tpu.vector_store %arg6[%swap3A_156], %swap3A_159 {strides = array<i32>} : memref<624xf32, #tpu.memory_space<vmem>>, vector<16xf32>,
    %broadcast_in_dim3A_160 = arith.constant 0.000000e+00 : f32
    %broadcast_in_dim3A_161 = vector.broadcast %broadcast_in_dim3A_160 : f32 to vector<16xf32>
    %swap3A_162 = arith.constant 288 : index
    %swap3A_163 = tpu.vector_load %arg6[%swap3A_162] {strides = array<i32>} : memref<624xf32, #tpu.memory_space<vmem>>, vector<16xf32>,
    %swap3A_164 = vector.shape_cast %swap3A_163 : vector<16xf32> to vector<16xf32>
    %swap3A_165 = vector.shape_cast %broadcast_in_dim3A_161 : vector<16xf32> to vector<16xf32>
    tpu.vector_store %arg6[%swap3A_162], %swap3A_165 {strides = array<i32>} : memref<624xf32, #tpu.memory_space<vmem>>, vector<16xf32>,
    %broadcast_in_dim3A_166 = arith.constant 0.000000e+00 : f32
    %broadcast_in_dim3A_167 = vector.broadcast %broadcast_in_dim3A_166 : f32 to vector<16xf32>
    %swap3A_168 = arith.constant 304 : index
    %swap3A_169 = tpu.vector_load %arg6[%swap3A_168] {strides = array<i32>} : memref<624xf32, #tpu.memory_space<vmem>>, vector<16xf32>,
    %swap3A_170 = vector.shape_cast %swap3A_169 : vector<16xf32> to vector<16xf32>
    %swap3A_171 = vector.shape_cast %broadcast_in_dim3A_167 : vector<16xf32> to vector<16xf32>
    tpu.vector_store %arg6[%swap3A_168], %swap3A_171 {strides = array<i32>} : memref<624xf32, #tpu.memory_space<vmem>>, vector<16xf32>,
    %broadcast_in_dim3A_172 = arith.constant 0.000000e+00 : f32
    %broadcast_in_dim3A_173 = vector.broadcast %broadcast_in_dim3A_172 : f32 to vector<16xf32>
    %swap3A_174 = arith.constant 320 : index
    %swap3A_175 = tpu.vector_load %arg6[%swap3A_174] {strides = array<i32>} : memref<624xf32, #tpu.memory_space<vmem>>, vector<16xf32>,
    %swap3A_176 = vector.shape_cast %swap3A_175 : vector<16xf32> to vector<16xf32>
    %swap3A_177 = vector.shape_cast %broadcast_in_dim3A_173 : vector<16xf32> to vector<16xf32>
    tpu.vector_store %arg6[%swap3A_174], %swap3A_177 {strides = array<i32>} : memref<624xf32, #tpu.memory_space<vmem>>, vector<16xf32>,
    %broadcast_in_dim3A_178 = arith.constant 0.000000e+00 : f32
    %broadcast_in_dim3A_179 = vector.broadcast %broadcast_in_dim3A_178 : f32 to vector<16xf32>
    %swap3A_180 = arith.constant 336 : index
    %swap3A_181 = tpu.vector_load %arg6[%swap3A_180] {strides = array<i32>} : memref<624xf32, #tpu.memory_space<vmem>>, vector<16xf32>,
    %swap3A_182 = vector.shape_cast %swap3A_181 : vector<16xf32> to vector<16xf32>
    %swap3A_183 = vector.shape_cast %broadcast_in_dim3A_179 : vector<16xf32> to vector<16xf32>
    tpu.vector_store %arg6[%swap3A_180], %swap3A_183 {strides = array<i32>} : memref<624xf32, #tpu.memory_space<vmem>>, vector<16xf32>,
    %broadcast_in_dim3A_184 = arith.constant 0.000000e+00 : f32
    %broadcast_in_dim3A_185 = vector.broadcast %broadcast_in_dim3A_184 : f32 to vector<16xf32>
    %swap3A_186 = arith.constant 352 : index
    %swap3A_187 = tpu.vector_load %arg6[%swap3A_186] {strides = array<i32>} : memref<624xf32, #tpu.memory_space<vmem>>, vector<16xf32>,
    %swap3A_188 = vector.shape_cast %swap3A_187 : vector<16xf32> to vector<16xf32>
    %swap3A_189 = vector.shape_cast %broadcast_in_dim3A_185 : vector<16xf32> to vector<16xf32>
    tpu.vector_store %arg6[%swap3A_186], %swap3A_189 {strides = array<i32>} : memref<624xf32, #tpu.memory_space<vmem>>, vector<16xf32>,
    %broadcast_in_dim3A_190 = arith.constant 0.000000e+00 : f32
    %broadcast_in_dim3A_191 = vector.broadcast %broadcast_in_dim3A_190 : f32 to vector<16xf32>
    %swap3A_192 = arith.constant 368 : index
    %swap3A_193 = tpu.vector_load %arg6[%swap3A_192] {strides = array<i32>} : memref<624xf32, #tpu.memory_space<vmem>>, vector<16xf32>,
    %swap3A_194 = vector.shape_cast %swap3A_193 : vector<16xf32> to vector<16xf32>
    %swap3A_195 = vector.shape_cast %broadcast_in_dim3A_191 : vector<16xf32> to vector<16xf32>
    tpu.vector_store %arg6[%swap3A_192], %swap3A_195 {strides = array<i32>} : memref<624xf32, #tpu.memory_space<vmem>>, vector<16xf32>,
    %broadcast_in_dim3A_196 = arith.constant 0.000000e+00 : f32
    %broadcast_in_dim3A_197 = vector.broadcast %broadcast_in_dim3A_196 : f32 to vector<16xf32>
    %swap3A_198 = arith.constant 384 : index
    %swap3A_199 = tpu.vector_load %arg6[%swap3A_198] {strides = array<i32>} : memref<624xf32, #tpu.memory_space<vmem>>, vector<16xf32>,
    %swap3A_200 = vector.shape_cast %swap3A_199 : vector<16xf32> to vector<16xf32>
    %swap3A_201 = vector.shape_cast %broadcast_in_dim3A_197 : vector<16xf32> to vector<16xf32>
    tpu.vector_store %arg6[%swap3A_198], %swap3A_201 {strides = array<i32>} : memref<624xf32, #tpu.memory_space<vmem>>, vector<16xf32>,
    %broadcast_in_dim3A_202 = arith.constant 0.000000e+00 : f32
    %broadcast_in_dim3A_203 = vector.broadcast %broadcast_in_dim3A_202 : f32 to vector<16xf32>
    %swap3A_204 = arith.constant 400 : index
    %swap3A_205 = tpu.vector_load %arg6[%swap3A_204] {strides = array<i32>} : memref<624xf32, #tpu.memory_space<vmem>>, vector<16xf32>,
    %swap3A_206 = vector.shape_cast %swap3A_205 : vector<16xf32> to vector<16xf32>
    %swap3A_207 = vector.shape_cast %broadcast_in_dim3A_203 : vector<16xf32> to vector<16xf32>
    tpu.vector_store %arg6[%swap3A_204], %swap3A_207 {strides = array<i32>} : memref<624xf32, #tpu.memory_space<vmem>>, vector<16xf32>,
    %broadcast_in_dim3A_208 = arith.constant 0.000000e+00 : f32
    %broadcast_in_dim3A_209 = vector.broadcast %broadcast_in_dim3A_208 : f32 to vector<16xf32>
    %swap3A_210 = arith.constant 416 : index
    %swap3A_211 = tpu.vector_load %arg6[%swap3A_210] {strides = array<i32>} : memref<624xf32, #tpu.memory_space<vmem>>, vector<16xf32>,
    %swap3A_212 = vector.shape_cast %swap3A_211 : vector<16xf32> to vector<16xf32>
    %swap3A_213 = vector.shape_cast %broadcast_in_dim3A_209 : vector<16xf32> to vector<16xf32>
    tpu.vector_store %arg6[%swap3A_210], %swap3A_213 {strides = array<i32>} : memref<624xf32, #tpu.memory_space<vmem>>, vector<16xf32>,
    %broadcast_in_dim3A_214 = arith.constant 0.000000e+00 : f32
    %broadcast_in_dim3A_215 = vector.broadcast %broadcast_in_dim3A_214 : f32 to vector<16xf32>
    %swap3A_216 = arith.constant 432 : index
    %swap3A_217 = tpu.vector_load %arg6[%swap3A_216] {strides = array<i32>} : memref<624xf32, #tpu.memory_space<vmem>>, vector<16xf32>,
    %swap3A_218 = vector.shape_cast %swap3A_217 : vector<16xf32> to vector<16xf32>
    %swap3A_219 = vector.shape_cast %broadcast_in_dim3A_215 : vector<16xf32> to vector<16xf32>
    tpu.vector_store %arg6[%swap3A_216], %swap3A_219 {strides = array<i32>} : memref<624xf32, #tpu.memory_space<vmem>>, vector<16xf32>,
    %broadcast_in_dim3A_220 = arith.constant 0.000000e+00 : f32
    %broadcast_in_dim3A_221 = vector.broadcast %broadcast_in_dim3A_220 : f32 to vector<16xf32>
    %swap3A_222 = arith.constant 448 : index
    %swap3A_223 = tpu.vector_load %arg6[%swap3A_222] {strides = array<i32>} : memref<624xf32, #tpu.memory_space<vmem>>, vector<16xf32>,
    %swap3A_224 = vector.shape_cast %swap3A_223 : vector<16xf32> to vector<16xf32>
    %swap3A_225 = vector.shape_cast %broadcast_in_dim3A_221 : vector<16xf32> to vector<16xf32>
    tpu.vector_store %arg6[%swap3A_222], %swap3A_225 {strides = array<i32>} : memref<624xf32, #tpu.memory_space<vmem>>, vector<16xf32>,
    %broadcast_in_dim3A_226 = arith.constant 0.000000e+00 : f32
    %broadcast_in_dim3A_227 = vector.broadcast %broadcast_in_dim3A_226 : f32 to vector<16xf32>
    %swap3A_228 = arith.constant 464 : index
    %swap3A_229 = tpu.vector_load %arg6[%swap3A_228] {strides = array<i32>} : memref<624xf32, #tpu.memory_space<vmem>>, vector<16xf32>,
    %swap3A_230 = vector.shape_cast %swap3A_229 : vector<16xf32> to vector<16xf32>
    %swap3A_231 = vector.shape_cast %broadcast_in_dim3A_227 : vector<16xf32> to vector<16xf32>
    tpu.vector_store %arg6[%swap3A_228], %swap3A_231 {strides = array<i32>} : memref<624xf32, #tpu.memory_space<vmem>>, vector<16xf32>,
    %broadcast_in_dim3A_232 = arith.constant 0.000000e+00 : f32
    %broadcast_in_dim3A_233 = vector.broadcast %broadcast_in_dim3A_232 : f32 to vector<16xf32>
    %swap3A_234 = arith.constant 480 : index
    %swap3A_235 = tpu.vector_load %arg6[%swap3A_234] {strides = array<i32>} : memref<624xf32, #tpu.memory_space<vmem>>, vector<16xf32>,
    %swap3A_236 = vector.shape_cast %swap3A_235 : vector<16xf32> to vector<16xf32>
    %swap3A_237 = vector.shape_cast %broadcast_in_dim3A_233 : vector<16xf32> to vector<16xf32>
    tpu.vector_store %arg6[%swap3A_234], %swap3A_237 {strides = array<i32>} : memref<624xf32, #tpu.memory_space<vmem>>, vector<16xf32>,
    %broadcast_in_dim3A_238 = arith.constant 0.000000e+00 : f32
    %broadcast_in_dim3A_239 = vector.broadcast %broadcast_in_dim3A_238 : f32 to vector<16xf32>
    %swap3A_240 = arith.constant 496 : index
    %swap3A_241 = tpu.vector_load %arg6[%swap3A_240] {strides = array<i32>} : memref<624xf32, #tpu.memory_space<vmem>>, vector<16xf32>,
    %swap3A_242 = vector.shape_cast %swap3A_241 : vector<16xf32> to vector<16xf32>
    %swap3A_243 = vector.shape_cast %broadcast_in_dim3A_239 : vector<16xf32> to vector<16xf32>
    tpu.vector_store %arg6[%swap3A_240], %swap3A_243 {strides = array<i32>} : memref<624xf32, #tpu.memory_space<vmem>>, vector<16xf32>,
    %broadcast_in_dim3A_244 = arith.constant 0.000000e+00 : f32
    %broadcast_in_dim3A_245 = vector.broadcast %broadcast_in_dim3A_244 : f32 to vector<16xf32>
    %swap3A_246 = arith.constant 512 : index
    %swap3A_247 = tpu.vector_load %arg6[%swap3A_246] {strides = array<i32>} : memref<624xf32, #tpu.memory_space<vmem>>, vector<16xf32>,
    %swap3A_248 = vector.shape_cast %swap3A_247 : vector<16xf32> to vector<16xf32>
    %swap3A_249 = vector.shape_cast %broadcast_in_dim3A_245 : vector<16xf32> to vector<16xf32>
    tpu.vector_store %arg6[%swap3A_246], %swap3A_249 {strides = array<i32>} : memref<624xf32, #tpu.memory_space<vmem>>, vector<16xf32>,
    %broadcast_in_dim3A_250 = arith.constant 0.000000e+00 : f32
    %broadcast_in_dim3A_251 = vector.broadcast %broadcast_in_dim3A_250 : f32 to vector<16xf32>
    %swap3A_252 = arith.constant 528 : index
    %swap3A_253 = tpu.vector_load %arg6[%swap3A_252] {strides = array<i32>} : memref<624xf32, #tpu.memory_space<vmem>>, vector<16xf32>,
    %swap3A_254 = vector.shape_cast %swap3A_253 : vector<16xf32> to vector<16xf32>
    %swap3A_255 = vector.shape_cast %broadcast_in_dim3A_251 : vector<16xf32> to vector<16xf32>
    tpu.vector_store %arg6[%swap3A_252], %swap3A_255 {strides = array<i32>} : memref<624xf32, #tpu.memory_space<vmem>>, vector<16xf32>,
    %broadcast_in_dim3A_256 = arith.constant 0.000000e+00 : f32
    %broadcast_in_dim3A_257 = vector.broadcast %broadcast_in_dim3A_256 : f32 to vector<16xf32>
    %swap3A_258 = arith.constant 544 : index
    %swap3A_259 = tpu.vector_load %arg6[%swap3A_258] {strides = array<i32>} : memref<624xf32, #tpu.memory_space<vmem>>, vector<16xf32>,
    %swap3A_260 = vector.shape_cast %swap3A_259 : vector<16xf32> to vector<16xf32>
    %swap3A_261 = vector.shape_cast %broadcast_in_dim3A_257 : vector<16xf32> to vector<16xf32>
    tpu.vector_store %arg6[%swap3A_258], %swap3A_261 {strides = array<i32>} : memref<624xf32, #tpu.memory_space<vmem>>, vector<16xf32>,
    %broadcast_in_dim3A_262 = arith.constant 0.000000e+00 : f32
    %broadcast_in_dim3A_263 = vector.broadcast %broadcast_in_dim3A_262 : f32 to vector<16xf32>
    %swap3A_264 = arith.constant 560 : index
    %swap3A_265 = tpu.vector_load %arg6[%swap3A_264] {strides = array<i32>} : memref<624xf32, #tpu.memory_space<vmem>>, vector<16xf32>,
    %swap3A_266 = vector.shape_cast %swap3A_265 : vector<16xf32> to vector<16xf32>
    %swap3A_267 = vector.shape_cast %broadcast_in_dim3A_263 : vector<16xf32> to vector<16xf32>
    tpu.vector_store %arg6[%swap3A_264], %swap3A_267 {strides = array<i32>} : memref<624xf32, #tpu.memory_space<vmem>>, vector<16xf32>,
    %broadcast_in_dim3A_268 = arith.constant 0.000000e+00 : f32
    %broadcast_in_dim3A_269 = vector.broadcast %broadcast_in_dim3A_268 : f32 to vector<16xf32>
    %swap3A_270 = arith.constant 576 : index
    %swap3A_271 = tpu.vector_load %arg6[%swap3A_270] {strides = array<i32>} : memref<624xf32, #tpu.memory_space<vmem>>, vector<16xf32>,
    %swap3A_272 = vector.shape_cast %swap3A_271 : vector<16xf32> to vector<16xf32>
    %swap3A_273 = vector.shape_cast %broadcast_in_dim3A_269 : vector<16xf32> to vector<16xf32>
    tpu.vector_store %arg6[%swap3A_270], %swap3A_273 {strides = array<i32>} : memref<624xf32, #tpu.memory_space<vmem>>, vector<16xf32>,
    %broadcast_in_dim3A_274 = arith.constant 0.000000e+00 : f32
    %broadcast_in_dim3A_275 = vector.broadcast %broadcast_in_dim3A_274 : f32 to vector<16xf32>
    %swap3A_276 = arith.constant 592 : index
    %swap3A_277 = tpu.vector_load %arg6[%swap3A_276] {strides = array<i32>} : memref<624xf32, #tpu.memory_space<vmem>>, vector<16xf32>,
    %swap3A_278 = vector.shape_cast %swap3A_277 : vector<16xf32> to vector<16xf32>
    %swap3A_279 = vector.shape_cast %broadcast_in_dim3A_275 : vector<16xf32> to vector<16xf32>
    tpu.vector_store %arg6[%swap3A_276], %swap3A_279 {strides = array<i32>} : memref<624xf32, #tpu.memory_space<vmem>>, vector<16xf32>,
    %broadcast_in_dim3A_280 = arith.constant 0.000000e+00 : f32
    %broadcast_in_dim3A_281 = vector.broadcast %broadcast_in_dim3A_280 : f32 to vector<16xf32>
    %swap3A_282 = arith.constant 608 : index
    %swap3A_283 = tpu.vector_load %arg6[%swap3A_282] {strides = array<i32>} : memref<624xf32, #tpu.memory_space<vmem>>, vector<16xf32>,
    %swap3A_284 = vector.shape_cast %swap3A_283 : vector<16xf32> to vector<16xf32>
    %swap3A_285 = vector.shape_cast %broadcast_in_dim3A_281 : vector<16xf32> to vector<16xf32>
    tpu.vector_store %arg6[%swap3A_282], %swap3A_285 {strides = array<i32>} : memref<624xf32, #tpu.memory_space<vmem>>, vector<16xf32>,
    %mul3A_286 = arith.constant 624 : i32
    %mul3A_287 = arith.muli %arg1, %mul3A_286 : i32
    "tpu.region"() ({
      %run_scoped3A = tpu.sem_alloc : memref<!tpu.dma_semaphore, #tpu.memory_space<semaphore_mem>>
      %dma_start3A_319 = tpu.memref_slice %arg7[%mul3A_287] : memref<10256xf32, #tpu.memory_space<vmem_shared>> -> memref<624xf32, #tpu.memory_space<vmem_shared>>
      %dma_start3A_320 = tpu.memref_slice %arg7[%mul3A_287] : memref<10256xf32, #tpu.memory_space<vmem_shared>> -> memref<624xf32, #tpu.memory_space<vmem_shared>>
      tpu.enqueue_dma source(%arg6 : memref<624xf32, #tpu.memory_space<vmem>>) target(%dma_start3A_320 : memref<624xf32, #tpu.memory_space<vmem_shared>>) target_semaphore(%run_scoped3A : memref<!tpu.dma_semaphore, #tpu.memory_space<semaphore_mem>>)
      %dma_wait3A_321 = tpu.memref_slice %arg7[%mul3A_287] : memref<10256xf32, #tpu.memory_space<vmem_shared>> -> memref<624xf32, #tpu.memory_space<vmem_shared>>
      %dma_wait3A_322 = tpu.memref_slice %arg7[%mul3A_287] : memref<10256xf32, #tpu.memory_space<vmem_shared>> -> memref<624xf32, #tpu.memory_space<vmem_shared>>
      tpu.wait_dma2 semaphore(%run_scoped3A : memref<!tpu.dma_semaphore, #tpu.memory_space<semaphore_mem>>) src(%arg6 : memref<624xf32, #tpu.memory_space<vmem>>) dst(%dma_wait3A_322 : memref<624xf32, #tpu.memory_space<vmem_shared>>)
      tpu.yield
    }) : () -> ()
    %eq3A = arith.constant 15 : i32
    %eq3A_288 = arith.cmpi eq, %arg1, %eq3A : i32
    %convert_element_type3A = arith.extui %eq3A_288 : i1 to i32
    %cond3A = arith.constant 0 : i32
    %cond3A_289 = arith.cmpi ne, %convert_element_type3A, %cond3A : i32
    scf.if %cond3A_289 {
      "tpu.region"() ({
        %run_scoped3A = tpu.sem_alloc : memref<!tpu.dma_semaphore, #tpu.memory_space<semaphore_mem>>
        %dma_start3A_319 = arith.constant 0 : i32
        %dma_start3A_320 = tpu.memref_slice %arg6[%dma_start3A_319] : memref<624xf32, #tpu.memory_space<vmem>> -> memref<16xf32, #tpu.memory_space<vmem>>
        %dma_start3A_321 = arith.constant 9984 : i32
        %dma_start3A_322 = tpu.memref_slice %arg7[%dma_start3A_321] : memref<10256xf32, #tpu.memory_space<vmem_shared>> -> memref<16xf32, #tpu.memory_space<vmem_shared>>
        %dma_start3A_323 = arith.constant 9984 : i32
        %dma_start3A_324 = tpu.memref_slice %arg7[%dma_start3A_323] : memref<10256xf32, #tpu.memory_space<vmem_shared>> -> memref<16xf32, #tpu.memory_space<vmem_shared>>
        %dma_start3A_325 = arith.constant 0 : i32
        %dma_start3A_326 = tpu.memref_slice %arg6[%dma_start3A_325] : memref<624xf32, #tpu.memory_space<vmem>> -> memref<16xf32, #tpu.memory_space<vmem>>
        tpu.enqueue_dma source(%dma_start3A_326 : memref<16xf32, #tpu.memory_space<vmem>>) target(%dma_start3A_324 : memref<16xf32, #tpu.memory_space<vmem_shared>>) target_semaphore(%run_scoped3A : memref<!tpu.dma_semaphore, #tpu.memory_space<semaphore_mem>>)
        %dma_wait3A_327 = arith.constant 0 : i32
        %dma_wait3A_328 = tpu.memref_slice %arg6[%dma_wait3A_327] : memref<624xf32, #tpu.memory_space<vmem>> -> memref<16xf32, #tpu.memory_space<vmem>>
        %dma_wait3A_329 = arith.constant 9984 : i32
        %dma_wait3A_330 = tpu.memref_slice %arg7[%dma_wait3A_329] : memref<10256xf32, #tpu.memory_space<vmem_shared>> -> memref<16xf32, #tpu.memory_space<vmem_shared>>
        %dma_wait3A_331 = arith.constant 9984 : i32
        %dma_wait3A_332 = tpu.memref_slice %arg7[%dma_wait3A_331] : memref<10256xf32, #tpu.memory_space<vmem_shared>> -> memref<16xf32, #tpu.memory_space<vmem_shared>>
        %dma_wait3A_333 = arith.constant 0 : i32
        %dma_wait3A_334 = tpu.memref_slice %arg6[%dma_wait3A_333] : memref<624xf32, #tpu.memory_space<vmem>> -> memref<16xf32, #tpu.memory_space<vmem>>
        tpu.wait_dma2 semaphore(%run_scoped3A : memref<!tpu.dma_semaphore, #tpu.memory_space<semaphore_mem>>) src(%dma_wait3A_334 : memref<16xf32, #tpu.memory_space<vmem>>) dst(%dma_wait3A_332 : memref<16xf32, #tpu.memory_space<vmem_shared>>)
        tpu.yield
      }) : () -> ()
    } else {
    }
    %mul3A_290 = arith.constant 80 : i32
    %mul3A_291 = arith.muli %add3A, %mul3A_290 : i32
    %dma_wait3A = arith.constant 0 : i32
    %dma_wait3A_292 = tpu.memref_slice %arg2[%mul3A_291, %dma_wait3A] : memref<2560x128xi32, #tpu.memory_space<hbm>> -> memref<80x128xi32, #tpu.memory_space<hbm>>
    %dma_wait3A_293 = arith.constant 0 : i32
    %dma_wait3A_294 = tpu.memref_slice %arg2[%mul3A_291, %dma_wait3A_293] : memref<2560x128xi32, #tpu.memory_space<hbm>> -> memref<80x128xi32, #tpu.memory_space<hbm>>
    tpu.wait_dma2 semaphore(%arg8 : memref<!tpu.dma_semaphore, #tpu.memory_space<semaphore_mem>>) src(%dma_wait3A_294 : memref<80x128xi32, #tpu.memory_space<hbm>>) dst(%arg4 : memref<80x128xi32, #tpu.memory_space<vmem>>)
    %barrier3A = arith.constant 0 : index
    tpu.barrier barrier_id(%barrier3A)
    %scan3A = arith.constant 0 : i32
    %scan3A_295 = arith.constant 0 : i32
    %scan3A_296 = arith.constant 80 : i32
    %scan3A_297 = arith.addi %scan3A_295, %scan3A_296 : i32
    %scan3A_298 = arith.constant 1 : i32
    scf.for %scan3A_319 = %scan3A_295 to %scan3A_297 step %scan3A_298  : i32 {
      %dma_start3A_320 = arith.constant 0 : i32
      %dma_start3A_321 = tpu.memref_slice %arg4[%scan3A_319, %dma_start3A_320] : memref<80x128xi32, #tpu.memory_space<vmem>> -> memref<1x128xi32, #tpu.memory_space<vmem>>
      %dma_start3A_322 = tpu.memref_squeeze %dma_start3A_321 : memref<1x128xi32, #tpu.memory_space<vmem>> -> memref<128xi32, #tpu.memory_space<vmem>>
      %dma_start3A_323 = arith.constant 0 : i32
      %dma_start3A_324 = tpu.memref_slice %arg7[%dma_start3A_323] : memref<10256xf32, #tpu.memory_space<vmem_shared>> -> memref<10256xf32, #tpu.memory_space<vmem_shared>>
      tpu.enqueue_indirect_dma source(%arg5 : memref<128xf32, #tpu.memory_space<vmem>>) target(%dma_start3A_324 : memref<10256xf32, #tpu.memory_space<vmem_shared>>) offsets(%dma_start3A_322 : memref<128xi32, #tpu.memory_space<vmem>>) semaphore(%arg9 : memref<!tpu.dma_semaphore, #tpu.memory_space<semaphore_mem>>) {add = true}
    }
    %scan3A_299 = arith.constant 80 : i32
    %scan3A_300 = arith.constant 0 : i32
    %scan3A_301 = arith.constant 0 : i32
    %scan3A_302 = arith.constant 80 : i32
    %scan3A_303 = arith.addi %scan3A_301, %scan3A_302 : i32
    %scan3A_304 = arith.constant 1 : i32
    scf.for %scan3A_319 = %scan3A_301 to %scan3A_303 step %scan3A_304  : i32 {
      %dma_wait3A_320 = arith.constant 0 : i32
      %dma_wait3A_321 = arith.constant 0 : i32
      %dma_wait3A_322 = tpu.memref_slice %arg4[%dma_wait3A_320, %dma_wait3A_321] : memref<80x128xi32, #tpu.memory_space<vmem>> -> memref<1x128xi32, #tpu.memory_space<vmem>>
      %dma_wait3A_323 = tpu.memref_squeeze %dma_wait3A_322 : memref<1x128xi32, #tpu.memory_space<vmem>> -> memref<128xi32, #tpu.memory_space<vmem>>
      %dma_wait3A_324 = arith.constant 0 : i32
      %dma_wait3A_325 = tpu.memref_slice %arg7[%dma_wait3A_324] : memref<10256xf32, #tpu.memory_space<vmem_shared>> -> memref<10256xf32, #tpu.memory_space<vmem_shared>>
      tpu.wait_indirect_dma semaphore(%arg9 : memref<!tpu.dma_semaphore, #tpu.memory_space<semaphore_mem>>) src(%arg5 : memref<128xf32, #tpu.memory_space<vmem>>) dst(%dma_wait3A_325 : memref<10256xf32, #tpu.memory_space<vmem_shared>>)
    }
    %scan3A_305 = arith.constant 80 : i32
    %barrier3A_306 = arith.constant 0 : index
    tpu.barrier barrier_id(%barrier3A_306)
    %mul3A_307 = arith.constant 624 : i32
    %mul3A_308 = arith.muli %arg1, %mul3A_307 : i32
    "tpu.region"() ({
      %run_scoped3A = tpu.sem_alloc : memref<!tpu.dma_semaphore, #tpu.memory_space<semaphore_mem>>
      %dma_start3A_319 = tpu.memref_slice %arg7[%mul3A_308] : memref<10256xf32, #tpu.memory_space<vmem_shared>> -> memref<624xf32, #tpu.memory_space<vmem_shared>>
      %dma_start3A_320 = tpu.memref_slice %arg7[%mul3A_308] : memref<10256xf32, #tpu.memory_space<vmem_shared>> -> memref<624xf32, #tpu.memory_space<vmem_shared>>
      tpu.enqueue_dma source(%dma_start3A_320 : memref<624xf32, #tpu.memory_space<vmem_shared>>) target(%arg6 : memref<624xf32, #tpu.memory_space<vmem>>) target_semaphore(%run_scoped3A : memref<!tpu.dma_semaphore, #tpu.memory_space<semaphore_mem>>)
      %dma_wait3A_321 = tpu.memref_slice %arg7[%mul3A_308] : memref<10256xf32, #tpu.memory_space<vmem_shared>> -> memref<624xf32, #tpu.memory_space<vmem_shared>>
      %dma_wait3A_322 = tpu.memref_slice %arg7[%mul3A_308] : memref<10256xf32, #tpu.memory_space<vmem_shared>> -> memref<624xf32, #tpu.memory_space<vmem_shared>>
      tpu.wait_dma2 semaphore(%run_scoped3A : memref<!tpu.dma_semaphore, #tpu.memory_space<semaphore_mem>>) src(%dma_wait3A_322 : memref<624xf32, #tpu.memory_space<vmem_shared>>) dst(%arg6 : memref<624xf32, #tpu.memory_space<vmem>>)
      tpu.yield
    }) : () -> ()
    %mul3A_309 = arith.constant 10000 : i32
    %mul3A_310 = arith.muli %arg0, %mul3A_309 : i32
    %mul3A_311 = arith.constant 624 : i32
    %mul3A_312 = arith.muli %arg1, %mul3A_311 : i32
    %add3A_313 = arith.addi %mul3A_310, %mul3A_312 : i32
    "tpu.region"() ({
      %run_scoped3A = tpu.sem_alloc : memref<!tpu.dma_semaphore, #tpu.memory_space<semaphore_mem>>
      %dma_start3A_319 = tpu.memref_slice %arg3[%add3A_313] : memref<20000xf32, #tpu.memory_space<hbm>> -> memref<624xf32, #tpu.memory_space<hbm>>
      %dma_start3A_320 = tpu.memref_slice %arg3[%add3A_313] : memref<20000xf32, #tpu.memory_space<hbm>> -> memref<624xf32, #tpu.memory_space<hbm>>
      tpu.enqueue_dma source(%arg6 : memref<624xf32, #tpu.memory_space<vmem>>) target(%dma_start3A_320 : memref<624xf32, #tpu.memory_space<hbm>>) target_semaphore(%run_scoped3A : memref<!tpu.dma_semaphore, #tpu.memory_space<semaphore_mem>>)
      %dma_wait3A_321 = tpu.memref_slice %arg3[%add3A_313] : memref<20000xf32, #tpu.memory_space<hbm>> -> memref<624xf32, #tpu.memory_space<hbm>>
      %dma_wait3A_322 = tpu.memref_slice %arg3[%add3A_313] : memref<20000xf32, #tpu.memory_space<hbm>> -> memref<624xf32, #tpu.memory_space<hbm>>
      tpu.wait_dma2 semaphore(%run_scoped3A : memref<!tpu.dma_semaphore, #tpu.memory_space<semaphore_mem>>) src(%arg6 : memref<624xf32, #tpu.memory_space<vmem>>) dst(%dma_wait3A_322 : memref<624xf32, #tpu.memory_space<hbm>>)
      tpu.yield
    }) : () -> ()
    %eq3A_314 = arith.constant 15 : i32
    %eq3A_315 = arith.cmpi eq, %arg1, %eq3A_314 : i32
    %convert_element_type3A_316 = arith.extui %eq3A_315 : i1 to i32
    %cond3A_317 = arith.constant 0 : i32
    %cond3A_318 = arith.cmpi ne, %convert_element_type3A_316, %cond3A_317 : i32
    scf.if %cond3A_318 {
      "tpu.region"() ({
        %run_scoped3A = tpu.sem_alloc : memref<!tpu.dma_semaphore, #tpu.memory_space<semaphore_mem>>
        %dma_start3A_323 = arith.constant 0 : i32
        %dma_start3A_324 = tpu.memref_slice %arg6[%dma_start3A_323] : memref<624xf32, #tpu.memory_space<vmem>> -> memref<16xf32, #tpu.memory_space<vmem>>
        %dma_start3A_325 = arith.constant 9984 : i32
        %dma_start3A_326 = tpu.memref_slice %arg7[%dma_start3A_325] : memref<10256xf32, #tpu.memory_space<vmem_shared>> -> memref<16xf32, #tpu.memory_space<vmem_shared>>
        %dma_start3A_327 = arith.constant 0 : i32
        %dma_start3A_328 = tpu.memref_slice %arg6[%dma_start3A_327] : memref<624xf32, #tpu.memory_space<vmem>> -> memref<16xf32, #tpu.memory_space<vmem>>
        %dma_start3A_329 = arith.constant 9984 : i32
        %dma_start3A_330 = tpu.memref_slice %arg7[%dma_start3A_329] : memref<10256xf32, #tpu.memory_space<vmem_shared>> -> memref<16xf32, #tpu.memory_space<vmem_shared>>
        tpu.enqueue_dma source(%dma_start3A_330 : memref<16xf32, #tpu.memory_space<vmem_shared>>) target(%dma_start3A_328 : memref<16xf32, #tpu.memory_space<vmem>>) target_semaphore(%run_scoped3A : memref<!tpu.dma_semaphore, #tpu.memory_space<semaphore_mem>>)
        %dma_wait3A_331 = arith.constant 0 : i32
        %dma_wait3A_332 = tpu.memref_slice %arg6[%dma_wait3A_331] : memref<624xf32, #tpu.memory_space<vmem>> -> memref<16xf32, #tpu.memory_space<vmem>>
        %dma_wait3A_333 = arith.constant 9984 : i32
        %dma_wait3A_334 = tpu.memref_slice %arg7[%dma_wait3A_333] : memref<10256xf32, #tpu.memory_space<vmem_shared>> -> memref<16xf32, #tpu.memory_space<vmem_shared>>
        %dma_wait3A_335 = arith.constant 0 : i32
        %dma_wait3A_336 = tpu.memref_slice %arg6[%dma_wait3A_335] : memref<624xf32, #tpu.memory_space<vmem>> -> memref<16xf32, #tpu.memory_space<vmem>>
        %dma_wait3A_337 = arith.constant 9984 : i32
        %dma_wait3A_338 = tpu.memref_slice %arg7[%dma_wait3A_337] : memref<10256xf32, #tpu.memory_space<vmem_shared>> -> memref<16xf32, #tpu.memory_space<vmem_shared>>
        tpu.wait_dma2 semaphore(%run_scoped3A : memref<!tpu.dma_semaphore, #tpu.memory_space<semaphore_mem>>) src(%dma_wait3A_338 : memref<16xf32, #tpu.memory_space<vmem_shared>>) dst(%dma_wait3A_336 : memref<16xf32, #tpu.memory_space<vmem>>)
        tpu.yield
      }) : () -> ()
      %mul3A_319 = arith.constant 10000 : i32
      %mul3A_320 = arith.muli %arg0, %mul3A_319 : i32
      %add3A_321 = arith.constant 9984 : i32
      %add3A_322 = arith.addi %mul3A_320, %add3A_321 : i32
      "tpu.region"() ({
        %run_scoped3A = tpu.sem_alloc : memref<!tpu.dma_semaphore, #tpu.memory_space<semaphore_mem>>
        %dma_start3A_323 = arith.constant 0 : i32
        %dma_start3A_324 = tpu.memref_slice %arg6[%dma_start3A_323] : memref<624xf32, #tpu.memory_space<vmem>> -> memref<16xf32, #tpu.memory_space<vmem>>
        %dma_start3A_325 = tpu.memref_slice %arg3[%add3A_322] : memref<20000xf32, #tpu.memory_space<hbm>> -> memref<16xf32, #tpu.memory_space<hbm>>
        %dma_start3A_326 = tpu.memref_slice %arg3[%add3A_322] : memref<20000xf32, #tpu.memory_space<hbm>> -> memref<16xf32, #tpu.memory_space<hbm>>
        %dma_start3A_327 = arith.constant 0 : i32
        %dma_start3A_328 = tpu.memref_slice %arg6[%dma_start3A_327] : memref<624xf32, #tpu.memory_space<vmem>> -> memref<16xf32, #tpu.memory_space<vmem>>
        tpu.enqueue_dma source(%dma_start3A_328 : memref<16xf32, #tpu.memory_space<vmem>>) target(%dma_start3A_326 : memref<16xf32, #tpu.memory_space<hbm>>) target_semaphore(%run_scoped3A : memref<!tpu.dma_semaphore, #tpu.memory_space<semaphore_mem>>)
        %dma_wait3A_329 = arith.constant 0 : i32
        %dma_wait3A_330 = tpu.memref_slice %arg6[%dma_wait3A_329] : memref<624xf32, #tpu.memory_space<vmem>> -> memref<16xf32, #tpu.memory_space<vmem>>
        %dma_wait3A_331 = tpu.memref_slice %arg3[%add3A_322] : memref<20000xf32, #tpu.memory_space<hbm>> -> memref<16xf32, #tpu.memory_space<hbm>>
        %dma_wait3A_332 = tpu.memref_slice %arg3[%add3A_322] : memref<20000xf32, #tpu.memory_space<hbm>> -> memref<16xf32, #tpu.memory_space<hbm>>
        %dma_wait3A_333 = arith.constant 0 : i32
        %dma_wait3A_334 = tpu.memref_slice %arg6[%dma_wait3A_333] : memref<624xf32, #tpu.memory_space<vmem>> -> memref<16xf32, #tpu.memory_space<vmem>>
        tpu.wait_dma2 semaphore(%run_scoped3A : memref<!tpu.dma_semaphore, #tpu.memory_space<semaphore_mem>>) src(%dma_wait3A_334 : memref<16xf32, #tpu.memory_space<vmem>>) dst(%dma_wait3A_332 : memref<16xf32, #tpu.memory_space<hbm>>)
        tpu.yield
      }) : () -> ()
    } else {
    }
    return
  }
}

#map = affine_map<(d0, d1) -> (0, 0)>
#map1 = affine_map<(d0, d1) -> (0)>
#map2 = affine_map<(d0, d1) -> (0, 0, 0)>
module attributes {stable_mosaic.version = 14 : i64} {
  func.func @_hop_kernel(%arg0: i32, %arg1: i32, %arg2: memref<10000x128xf32, #tpu.memory_space<hbm>>, %arg3: memref<327680xi32, #tpu.memory_space<hbm>>, %arg4: memref<2560x128xi32, #tpu.memory_space<hbm>>, %arg5: memref<2x10000x128xf32, #tpu.memory_space<hbm>>, %arg6: memref<128xi32, #tpu.memory_space<vmem>>, %arg7: memref<128xi32, #tpu.memory_space<vmem>>, %arg8: memref<80x128xi32, #tpu.memory_space<vmem>>, %arg9: memref<128x128xf32, #tpu.memory_space<vmem>>, %arg10: memref<128x128xf32, #tpu.memory_space<vmem>>, %arg11: memref<10256x128xf32, #tpu.memory_space<vmem_shared>>, %arg12: memref<!tpu.dma_semaphore, #tpu.memory_space<semaphore_mem>>, %arg13: memref<!tpu.dma_semaphore, #tpu.memory_space<semaphore_mem>>, %arg14: memref<!tpu.dma_semaphore, #tpu.memory_space<semaphore_mem>>, %arg15: memref<!tpu.dma_semaphore, #tpu.memory_space<semaphore_mem>>, %arg16: memref<!tpu.dma_semaphore, #tpu.memory_space<semaphore_mem>>, %arg17: memref<!tpu.dma_semaphore, #tpu.memory_space<semaphore_mem>>, %arg18: memref<!tpu.dma_semaphore, #tpu.memory_space<semaphore_mem>>) attributes {dimension_semantics = [#tpu.dimension_semantics<core_parallel>, #tpu.dimension_semantics<subcore_parallel>], iteration_bounds = array<i64: 2, 16>, scalar_prefetch = 0 : i64, scratch_operands = 13 : i64, tpu.core_type = #tpu.core_type<sc_vector_subcore>, window_params = [{transform_indices = #map}, {transform_indices = #map1}, {transform_indices = #map}, {transform_indices = #map2}]} {
    %mul3A = arith.constant 16 : i32
    %mul3A_0 = arith.muli %arg0, %mul3A : i32
    %add3A = arith.addi %mul3A_0, %arg1 : i32
    %mul3A_1 = arith.constant 80 : i32
    %mul3A_2 = arith.muli %add3A, %mul3A_1 : i32
    %mul3A_3 = arith.constant 128 : i32
    %mul3A_4 = arith.muli %mul3A_2, %mul3A_3 : i32
    %mul3A_5 = arith.constant 80 : i32
    %mul3A_6 = arith.muli %add3A, %mul3A_5 : i32
    %dma_start3A = arith.constant 0 : i32
    %dma_start3A_7 = tpu.memref_slice %arg4[%mul3A_6, %dma_start3A] : memref<2560x128xi32, #tpu.memory_space<hbm>> -> memref<80x128xi32, #tpu.memory_space<hbm>>
    %dma_start3A_8 = arith.constant 0 : i32
    %dma_start3A_9 = tpu.memref_slice %arg4[%mul3A_6, %dma_start3A_8] : memref<2560x128xi32, #tpu.memory_space<hbm>> -> memref<80x128xi32, #tpu.memory_space<hbm>>
    tpu.enqueue_dma source(%dma_start3A_9 : memref<80x128xi32, #tpu.memory_space<hbm>>) target(%arg8 : memref<80x128xi32, #tpu.memory_space<vmem>>) target_semaphore(%arg12 : memref<!tpu.dma_semaphore, #tpu.memory_space<semaphore_mem>>)
    %scan3A = arith.constant 0 : i32
    %scan3A_10 = arith.constant 0 : i32
    %scan3A_11 = arith.constant 128 : i32
    %scan3A_12 = arith.addi %scan3A_10, %scan3A_11 : i32
    %scan3A_13 = arith.constant 1 : i32
    scf.for %scan3A_86 = %scan3A_10 to %scan3A_12 step %scan3A_13  : i32 {
      %broadcast_in_dim3A = arith.constant 0.000000e+00 : f32
      %broadcast_in_dim3A_87 = vector.broadcast %broadcast_in_dim3A : f32 to vector<16xf32>
      %swap3A = arith.index_cast %scan3A_86 : i32 to index
      %swap3A_88 = arith.constant 0 : index
      %swap3A_89 = tpu.vector_load %arg9[%swap3A, %swap3A_88] {strides = array<i32>} : memref<128x128xf32, #tpu.memory_space<vmem>>, vector<1x16xf32>,
      %swap3A_90 = vector.shape_cast %swap3A_89 : vector<1x16xf32> to vector<16xf32>
      %swap3A_91 = vector.shape_cast %broadcast_in_dim3A_87 : vector<16xf32> to vector<1x16xf32>
      tpu.vector_store %arg9[%swap3A, %swap3A_88], %swap3A_91 {strides = array<i32>} : memref<128x128xf32, #tpu.memory_space<vmem>>, vector<1x16xf32>,
      %broadcast_in_dim3A_92 = arith.constant 0.000000e+00 : f32
      %broadcast_in_dim3A_93 = vector.broadcast %broadcast_in_dim3A_92 : f32 to vector<16xf32>
      %swap3A_94 = arith.index_cast %scan3A_86 : i32 to index
      %swap3A_95 = arith.constant 16 : index
      %swap3A_96 = tpu.vector_load %arg9[%swap3A_94, %swap3A_95] {strides = array<i32>} : memref<128x128xf32, #tpu.memory_space<vmem>>, vector<1x16xf32>,
      %swap3A_97 = vector.shape_cast %swap3A_96 : vector<1x16xf32> to vector<16xf32>
      %swap3A_98 = vector.shape_cast %broadcast_in_dim3A_93 : vector<16xf32> to vector<1x16xf32>
      tpu.vector_store %arg9[%swap3A_94, %swap3A_95], %swap3A_98 {strides = array<i32>} : memref<128x128xf32, #tpu.memory_space<vmem>>, vector<1x16xf32>,
      %broadcast_in_dim3A_99 = arith.constant 0.000000e+00 : f32
      %broadcast_in_dim3A_100 = vector.broadcast %broadcast_in_dim3A_99 : f32 to vector<16xf32>
      %swap3A_101 = arith.index_cast %scan3A_86 : i32 to index
      %swap3A_102 = arith.constant 32 : index
      %swap3A_103 = tpu.vector_load %arg9[%swap3A_101, %swap3A_102] {strides = array<i32>} : memref<128x128xf32, #tpu.memory_space<vmem>>, vector<1x16xf32>,
      %swap3A_104 = vector.shape_cast %swap3A_103 : vector<1x16xf32> to vector<16xf32>
      %swap3A_105 = vector.shape_cast %broadcast_in_dim3A_100 : vector<16xf32> to vector<1x16xf32>
      tpu.vector_store %arg9[%swap3A_101, %swap3A_102], %swap3A_105 {strides = array<i32>} : memref<128x128xf32, #tpu.memory_space<vmem>>, vector<1x16xf32>,
      %broadcast_in_dim3A_106 = arith.constant 0.000000e+00 : f32
      %broadcast_in_dim3A_107 = vector.broadcast %broadcast_in_dim3A_106 : f32 to vector<16xf32>
      %swap3A_108 = arith.index_cast %scan3A_86 : i32 to index
      %swap3A_109 = arith.constant 48 : index
      %swap3A_110 = tpu.vector_load %arg9[%swap3A_108, %swap3A_109] {strides = array<i32>} : memref<128x128xf32, #tpu.memory_space<vmem>>, vector<1x16xf32>,
      %swap3A_111 = vector.shape_cast %swap3A_110 : vector<1x16xf32> to vector<16xf32>
      %swap3A_112 = vector.shape_cast %broadcast_in_dim3A_107 : vector<16xf32> to vector<1x16xf32>
      tpu.vector_store %arg9[%swap3A_108, %swap3A_109], %swap3A_112 {strides = array<i32>} : memref<128x128xf32, #tpu.memory_space<vmem>>, vector<1x16xf32>,
      %broadcast_in_dim3A_113 = arith.constant 0.000000e+00 : f32
      %broadcast_in_dim3A_114 = vector.broadcast %broadcast_in_dim3A_113 : f32 to vector<16xf32>
      %swap3A_115 = arith.index_cast %scan3A_86 : i32 to index
      %swap3A_116 = arith.constant 64 : index
      %swap3A_117 = tpu.vector_load %arg9[%swap3A_115, %swap3A_116] {strides = array<i32>} : memref<128x128xf32, #tpu.memory_space<vmem>>, vector<1x16xf32>,
      %swap3A_118 = vector.shape_cast %swap3A_117 : vector<1x16xf32> to vector<16xf32>
      %swap3A_119 = vector.shape_cast %broadcast_in_dim3A_114 : vector<16xf32> to vector<1x16xf32>
      tpu.vector_store %arg9[%swap3A_115, %swap3A_116], %swap3A_119 {strides = array<i32>} : memref<128x128xf32, #tpu.memory_space<vmem>>, vector<1x16xf32>,
      %broadcast_in_dim3A_120 = arith.constant 0.000000e+00 : f32
      %broadcast_in_dim3A_121 = vector.broadcast %broadcast_in_dim3A_120 : f32 to vector<16xf32>
      %swap3A_122 = arith.index_cast %scan3A_86 : i32 to index
      %swap3A_123 = arith.constant 80 : index
      %swap3A_124 = tpu.vector_load %arg9[%swap3A_122, %swap3A_123] {strides = array<i32>} : memref<128x128xf32, #tpu.memory_space<vmem>>, vector<1x16xf32>,
      %swap3A_125 = vector.shape_cast %swap3A_124 : vector<1x16xf32> to vector<16xf32>
      %swap3A_126 = vector.shape_cast %broadcast_in_dim3A_121 : vector<16xf32> to vector<1x16xf32>
      tpu.vector_store %arg9[%swap3A_122, %swap3A_123], %swap3A_126 {strides = array<i32>} : memref<128x128xf32, #tpu.memory_space<vmem>>, vector<1x16xf32>,
      %broadcast_in_dim3A_127 = arith.constant 0.000000e+00 : f32
      %broadcast_in_dim3A_128 = vector.broadcast %broadcast_in_dim3A_127 : f32 to vector<16xf32>
      %swap3A_129 = arith.index_cast %scan3A_86 : i32 to index
      %swap3A_130 = arith.constant 96 : index
      %swap3A_131 = tpu.vector_load %arg9[%swap3A_129, %swap3A_130] {strides = array<i32>} : memref<128x128xf32, #tpu.memory_space<vmem>>, vector<1x16xf32>,
      %swap3A_132 = vector.shape_cast %swap3A_131 : vector<1x16xf32> to vector<16xf32>
      %swap3A_133 = vector.shape_cast %broadcast_in_dim3A_128 : vector<16xf32> to vector<1x16xf32>
      tpu.vector_store %arg9[%swap3A_129, %swap3A_130], %swap3A_133 {strides = array<i32>} : memref<128x128xf32, #tpu.memory_space<vmem>>, vector<1x16xf32>,
      %broadcast_in_dim3A_134 = arith.constant 0.000000e+00 : f32
      %broadcast_in_dim3A_135 = vector.broadcast %broadcast_in_dim3A_134 : f32 to vector<16xf32>
      %swap3A_136 = arith.index_cast %scan3A_86 : i32 to index
      %swap3A_137 = arith.constant 112 : index
      %swap3A_138 = tpu.vector_load %arg9[%swap3A_136, %swap3A_137] {strides = array<i32>} : memref<128x128xf32, #tpu.memory_space<vmem>>, vector<1x16xf32>,
      %swap3A_139 = vector.shape_cast %swap3A_138 : vector<1x16xf32> to vector<16xf32>
      %swap3A_140 = vector.shape_cast %broadcast_in_dim3A_135 : vector<16xf32> to vector<1x16xf32>
      tpu.vector_store %arg9[%swap3A_136, %swap3A_137], %swap3A_140 {strides = array<i32>} : memref<128x128xf32, #tpu.memory_space<vmem>>, vector<1x16xf32>,
    }
    %scan3A_14 = arith.constant 128 : i32
    %mul3A_15 = arith.constant 624 : i32
    %mul3A_16 = arith.muli %arg1, %mul3A_15 : i32
    %add3A_17 = arith.constant 0 : i32
    %add3A_18 = arith.addi %mul3A_16, %add3A_17 : i32
    "tpu.region"() ({
      %run_scoped3A = tpu.sem_alloc : memref<!tpu.dma_semaphore, #tpu.memory_space<semaphore_mem>>
      %dma_start3A_86 = arith.constant 0 : i32
      %dma_start3A_87 = tpu.memref_slice %arg11[%add3A_18, %dma_start3A_86] : memref<10256x128xf32, #tpu.memory_space<vmem_shared>> -> memref<128x128xf32, #tpu.memory_space<vmem_shared>>
      %dma_start3A_88 = arith.constant 0 : i32
      %dma_start3A_89 = tpu.memref_slice %arg11[%add3A_18, %dma_start3A_88] : memref<10256x128xf32, #tpu.memory_space<vmem_shared>> -> memref<128x128xf32, #tpu.memory_space<vmem_shared>>
      tpu.enqueue_dma source(%arg9 : memref<128x128xf32, #tpu.memory_space<vmem>>) target(%dma_start3A_89 : memref<128x128xf32, #tpu.memory_space<vmem_shared>>) target_semaphore(%run_scoped3A : memref<!tpu.dma_semaphore, #tpu.memory_space<semaphore_mem>>)
      %dma_wait3A_90 = arith.constant 0 : i32
      %dma_wait3A_91 = tpu.memref_slice %arg11[%add3A_18, %dma_wait3A_90] : memref<10256x128xf32, #tpu.memory_space<vmem_shared>> -> memref<128x128xf32, #tpu.memory_space<vmem_shared>>
      %dma_wait3A_92 = arith.constant 0 : i32
      %dma_wait3A_93 = tpu.memref_slice %arg11[%add3A_18, %dma_wait3A_92] : memref<10256x128xf32, #tpu.memory_space<vmem_shared>> -> memref<128x128xf32, #tpu.memory_space<vmem_shared>>
      tpu.wait_dma2 semaphore(%run_scoped3A : memref<!tpu.dma_semaphore, #tpu.memory_space<semaphore_mem>>) src(%arg9 : memref<128x128xf32, #tpu.memory_space<vmem>>) dst(%dma_wait3A_93 : memref<128x128xf32, #tpu.memory_space<vmem_shared>>)
      tpu.yield
    }) : () -> ()
    %add3A_19 = arith.constant 128 : i32
    %add3A_20 = arith.addi %mul3A_16, %add3A_19 : i32
    "tpu.region"() ({
      %run_scoped3A = tpu.sem_alloc : memref<!tpu.dma_semaphore, #tpu.memory_space<semaphore_mem>>
      %dma_start3A_86 = arith.constant 0 : i32
      %dma_start3A_87 = tpu.memref_slice %arg11[%add3A_20, %dma_start3A_86] : memref<10256x128xf32, #tpu.memory_space<vmem_shared>> -> memref<128x128xf32, #tpu.memory_space<vmem_shared>>
      %dma_start3A_88 = arith.constant 0 : i32
      %dma_start3A_89 = tpu.memref_slice %arg11[%add3A_20, %dma_start3A_88] : memref<10256x128xf32, #tpu.memory_space<vmem_shared>> -> memref<128x128xf32, #tpu.memory_space<vmem_shared>>
      tpu.enqueue_dma source(%arg9 : memref<128x128xf32, #tpu.memory_space<vmem>>) target(%dma_start3A_89 : memref<128x128xf32, #tpu.memory_space<vmem_shared>>) target_semaphore(%run_scoped3A : memref<!tpu.dma_semaphore, #tpu.memory_space<semaphore_mem>>)
      %dma_wait3A_90 = arith.constant 0 : i32
      %dma_wait3A_91 = tpu.memref_slice %arg11[%add3A_20, %dma_wait3A_90] : memref<10256x128xf32, #tpu.memory_space<vmem_shared>> -> memref<128x128xf32, #tpu.memory_space<vmem_shared>>
      %dma_wait3A_92 = arith.constant 0 : i32
      %dma_wait3A_93 = tpu.memref_slice %arg11[%add3A_20, %dma_wait3A_92] : memref<10256x128xf32, #tpu.memory_space<vmem_shared>> -> memref<128x128xf32, #tpu.memory_space<vmem_shared>>
      tpu.wait_dma2 semaphore(%run_scoped3A : memref<!tpu.dma_semaphore, #tpu.memory_space<semaphore_mem>>) src(%arg9 : memref<128x128xf32, #tpu.memory_space<vmem>>) dst(%dma_wait3A_93 : memref<128x128xf32, #tpu.memory_space<vmem_shared>>)
      tpu.yield
    }) : () -> ()
    %add3A_21 = arith.constant 256 : i32
    %add3A_22 = arith.addi %mul3A_16, %add3A_21 : i32
    "tpu.region"() ({
      %run_scoped3A = tpu.sem_alloc : memref<!tpu.dma_semaphore, #tpu.memory_space<semaphore_mem>>
      %dma_start3A_86 = arith.constant 0 : i32
      %dma_start3A_87 = tpu.memref_slice %arg11[%add3A_22, %dma_start3A_86] : memref<10256x128xf32, #tpu.memory_space<vmem_shared>> -> memref<128x128xf32, #tpu.memory_space<vmem_shared>>
      %dma_start3A_88 = arith.constant 0 : i32
      %dma_start3A_89 = tpu.memref_slice %arg11[%add3A_22, %dma_start3A_88] : memref<10256x128xf32, #tpu.memory_space<vmem_shared>> -> memref<128x128xf32, #tpu.memory_space<vmem_shared>>
      tpu.enqueue_dma source(%arg9 : memref<128x128xf32, #tpu.memory_space<vmem>>) target(%dma_start3A_89 : memref<128x128xf32, #tpu.memory_space<vmem_shared>>) target_semaphore(%run_scoped3A : memref<!tpu.dma_semaphore, #tpu.memory_space<semaphore_mem>>)
      %dma_wait3A_90 = arith.constant 0 : i32
      %dma_wait3A_91 = tpu.memref_slice %arg11[%add3A_22, %dma_wait3A_90] : memref<10256x128xf32, #tpu.memory_space<vmem_shared>> -> memref<128x128xf32, #tpu.memory_space<vmem_shared>>
      %dma_wait3A_92 = arith.constant 0 : i32
      %dma_wait3A_93 = tpu.memref_slice %arg11[%add3A_22, %dma_wait3A_92] : memref<10256x128xf32, #tpu.memory_space<vmem_shared>> -> memref<128x128xf32, #tpu.memory_space<vmem_shared>>
      tpu.wait_dma2 semaphore(%run_scoped3A : memref<!tpu.dma_semaphore, #tpu.memory_space<semaphore_mem>>) src(%arg9 : memref<128x128xf32, #tpu.memory_space<vmem>>) dst(%dma_wait3A_93 : memref<128x128xf32, #tpu.memory_space<vmem_shared>>)
      tpu.yield
    }) : () -> ()
    %add3A_23 = arith.constant 384 : i32
    %add3A_24 = arith.addi %mul3A_16, %add3A_23 : i32
    "tpu.region"() ({
      %run_scoped3A = tpu.sem_alloc : memref<!tpu.dma_semaphore, #tpu.memory_space<semaphore_mem>>
      %dma_start3A_86 = arith.constant 0 : i32
      %dma_start3A_87 = tpu.memref_slice %arg11[%add3A_24, %dma_start3A_86] : memref<10256x128xf32, #tpu.memory_space<vmem_shared>> -> memref<128x128xf32, #tpu.memory_space<vmem_shared>>
      %dma_start3A_88 = arith.constant 0 : i32
      %dma_start3A_89 = tpu.memref_slice %arg11[%add3A_24, %dma_start3A_88] : memref<10256x128xf32, #tpu.memory_space<vmem_shared>> -> memref<128x128xf32, #tpu.memory_space<vmem_shared>>
      tpu.enqueue_dma source(%arg9 : memref<128x128xf32, #tpu.memory_space<vmem>>) target(%dma_start3A_89 : memref<128x128xf32, #tpu.memory_space<vmem_shared>>) target_semaphore(%run_scoped3A : memref<!tpu.dma_semaphore, #tpu.memory_space<semaphore_mem>>)
      %dma_wait3A_90 = arith.constant 0 : i32
      %dma_wait3A_91 = tpu.memref_slice %arg11[%add3A_24, %dma_wait3A_90] : memref<10256x128xf32, #tpu.memory_space<vmem_shared>> -> memref<128x128xf32, #tpu.memory_space<vmem_shared>>
      %dma_wait3A_92 = arith.constant 0 : i32
      %dma_wait3A_93 = tpu.memref_slice %arg11[%add3A_24, %dma_wait3A_92] : memref<10256x128xf32, #tpu.memory_space<vmem_shared>> -> memref<128x128xf32, #tpu.memory_space<vmem_shared>>
      tpu.wait_dma2 semaphore(%run_scoped3A : memref<!tpu.dma_semaphore, #tpu.memory_space<semaphore_mem>>) src(%arg9 : memref<128x128xf32, #tpu.memory_space<vmem>>) dst(%dma_wait3A_93 : memref<128x128xf32, #tpu.memory_space<vmem_shared>>)
      tpu.yield
    }) : () -> ()
    %add3A_25 = arith.constant 512 : i32
    %add3A_26 = arith.addi %mul3A_16, %add3A_25 : i32
    "tpu.region"() ({
      %run_scoped3A = tpu.sem_alloc : memref<!tpu.dma_semaphore, #tpu.memory_space<semaphore_mem>>
      %dma_start3A_86 = arith.constant 0 : i32
      %dma_start3A_87 = arith.constant 0 : i32
      %dma_start3A_88 = tpu.memref_slice %arg9[%dma_start3A_86, %dma_start3A_87] : memref<128x128xf32, #tpu.memory_space<vmem>> -> memref<112x128xf32, #tpu.memory_space<vmem>>
      %dma_start3A_89 = arith.constant 0 : i32
      %dma_start3A_90 = tpu.memref_slice %arg11[%add3A_26, %dma_start3A_89] : memref<10256x128xf32, #tpu.memory_space<vmem_shared>> -> memref<112x128xf32, #tpu.memory_space<vmem_shared>>
      %dma_start3A_91 = arith.constant 0 : i32
      %dma_start3A_92 = tpu.memref_slice %arg11[%add3A_26, %dma_start3A_91] : memref<10256x128xf32, #tpu.memory_space<vmem_shared>> -> memref<112x128xf32, #tpu.memory_space<vmem_shared>>
      %dma_start3A_93 = arith.constant 0 : i32
      %dma_start3A_94 = arith.constant 0 : i32
      %dma_start3A_95 = tpu.memref_slice %arg9[%dma_start3A_93, %dma_start3A_94] : memref<128x128xf32, #tpu.memory_space<vmem>> -> memref<112x128xf32, #tpu.memory_space<vmem>>
      tpu.enqueue_dma source(%dma_start3A_95 : memref<112x128xf32, #tpu.memory_space<vmem>>) target(%dma_start3A_92 : memref<112x128xf32, #tpu.memory_space<vmem_shared>>) target_semaphore(%run_scoped3A : memref<!tpu.dma_semaphore, #tpu.memory_space<semaphore_mem>>)
      %dma_wait3A_96 = arith.constant 0 : i32
      %dma_wait3A_97 = arith.constant 0 : i32
      %dma_wait3A_98 = tpu.memref_slice %arg9[%dma_wait3A_96, %dma_wait3A_97] : memref<128x128xf32, #tpu.memory_space<vmem>> -> memref<112x128xf32, #tpu.memory_space<vmem>>
      %dma_wait3A_99 = arith.constant 0 : i32
      %dma_wait3A_100 = tpu.memref_slice %arg11[%add3A_26, %dma_wait3A_99] : memref<10256x128xf32, #tpu.memory_space<vmem_shared>> -> memref<112x128xf32, #tpu.memory_space<vmem_shared>>
      %dma_wait3A_101 = arith.constant 0 : i32
      %dma_wait3A_102 = tpu.memref_slice %arg11[%add3A_26, %dma_wait3A_101] : memref<10256x128xf32, #tpu.memory_space<vmem_shared>> -> memref<112x128xf32, #tpu.memory_space<vmem_shared>>
      %dma_wait3A_103 = arith.constant 0 : i32
      %dma_wait3A_104 = arith.constant 0 : i32
      %dma_wait3A_105 = tpu.memref_slice %arg9[%dma_wait3A_103, %dma_wait3A_104] : memref<128x128xf32, #tpu.memory_space<vmem>> -> memref<112x128xf32, #tpu.memory_space<vmem>>
      tpu.wait_dma2 semaphore(%run_scoped3A : memref<!tpu.dma_semaphore, #tpu.memory_space<semaphore_mem>>) src(%dma_wait3A_105 : memref<112x128xf32, #tpu.memory_space<vmem>>) dst(%dma_wait3A_102 : memref<112x128xf32, #tpu.memory_space<vmem_shared>>)
      tpu.yield
    }) : () -> ()
    %eq3A = arith.constant 15 : i32
    %eq3A_27 = arith.cmpi eq, %arg1, %eq3A : i32
    %convert_element_type3A = arith.extui %eq3A_27 : i1 to i32
    %cond3A = arith.constant 0 : i32
    %cond3A_28 = arith.cmpi ne, %convert_element_type3A, %cond3A : i32
    scf.if %cond3A_28 {
      "tpu.region"() ({
        %run_scoped3A = tpu.sem_alloc : memref<!tpu.dma_semaphore, #tpu.memory_space<semaphore_mem>>
        %dma_start3A_86 = arith.constant 0 : i32
        %dma_start3A_87 = arith.constant 0 : i32
        %dma_start3A_88 = tpu.memref_slice %arg9[%dma_start3A_86, %dma_start3A_87] : memref<128x128xf32, #tpu.memory_space<vmem>> -> memref<16x128xf32, #tpu.memory_space<vmem>>
        %dma_start3A_89 = arith.constant 9984 : i32
        %dma_start3A_90 = arith.constant 0 : i32
        %dma_start3A_91 = tpu.memref_slice %arg11[%dma_start3A_89, %dma_start3A_90] : memref<10256x128xf32, #tpu.memory_space<vmem_shared>> -> memref<16x128xf32, #tpu.memory_space<vmem_shared>>
        %dma_start3A_92 = arith.constant 9984 : i32
        %dma_start3A_93 = arith.constant 0 : i32
        %dma_start3A_94 = tpu.memref_slice %arg11[%dma_start3A_92, %dma_start3A_93] : memref<10256x128xf32, #tpu.memory_space<vmem_shared>> -> memref<16x128xf32, #tpu.memory_space<vmem_shared>>
        %dma_start3A_95 = arith.constant 0 : i32
        %dma_start3A_96 = arith.constant 0 : i32
        %dma_start3A_97 = tpu.memref_slice %arg9[%dma_start3A_95, %dma_start3A_96] : memref<128x128xf32, #tpu.memory_space<vmem>> -> memref<16x128xf32, #tpu.memory_space<vmem>>
        tpu.enqueue_dma source(%dma_start3A_97 : memref<16x128xf32, #tpu.memory_space<vmem>>) target(%dma_start3A_94 : memref<16x128xf32, #tpu.memory_space<vmem_shared>>) target_semaphore(%run_scoped3A : memref<!tpu.dma_semaphore, #tpu.memory_space<semaphore_mem>>)
        %dma_wait3A_98 = arith.constant 0 : i32
        %dma_wait3A_99 = arith.constant 0 : i32
        %dma_wait3A_100 = tpu.memref_slice %arg9[%dma_wait3A_98, %dma_wait3A_99] : memref<128x128xf32, #tpu.memory_space<vmem>> -> memref<16x128xf32, #tpu.memory_space<vmem>>
        %dma_wait3A_101 = arith.constant 9984 : i32
        %dma_wait3A_102 = arith.constant 0 : i32
        %dma_wait3A_103 = tpu.memref_slice %arg11[%dma_wait3A_101, %dma_wait3A_102] : memref<10256x128xf32, #tpu.memory_space<vmem_shared>> -> memref<16x128xf32, #tpu.memory_space<vmem_shared>>
        %dma_wait3A_104 = arith.constant 9984 : i32
        %dma_wait3A_105 = arith.constant 0 : i32
        %dma_wait3A_106 = tpu.memref_slice %arg11[%dma_wait3A_104, %dma_wait3A_105] : memref<10256x128xf32, #tpu.memory_space<vmem_shared>> -> memref<16x128xf32, #tpu.memory_space<vmem_shared>>
        %dma_wait3A_107 = arith.constant 0 : i32
        %dma_wait3A_108 = arith.constant 0 : i32
        %dma_wait3A_109 = tpu.memref_slice %arg9[%dma_wait3A_107, %dma_wait3A_108] : memref<128x128xf32, #tpu.memory_space<vmem>> -> memref<16x128xf32, #tpu.memory_space<vmem>>
        tpu.wait_dma2 semaphore(%run_scoped3A : memref<!tpu.dma_semaphore, #tpu.memory_space<semaphore_mem>>) src(%dma_wait3A_109 : memref<16x128xf32, #tpu.memory_space<vmem>>) dst(%dma_wait3A_106 : memref<16x128xf32, #tpu.memory_space<vmem_shared>>)
        tpu.yield
      }) : () -> ()
    } else {
    }
    %mul3A_29 = arith.constant 80 : i32
    %mul3A_30 = arith.muli %add3A, %mul3A_29 : i32
    %dma_wait3A = arith.constant 0 : i32
    %dma_wait3A_31 = tpu.memref_slice %arg4[%mul3A_30, %dma_wait3A] : memref<2560x128xi32, #tpu.memory_space<hbm>> -> memref<80x128xi32, #tpu.memory_space<hbm>>
    %dma_wait3A_32 = arith.constant 0 : i32
    %dma_wait3A_33 = tpu.memref_slice %arg4[%mul3A_30, %dma_wait3A_32] : memref<2560x128xi32, #tpu.memory_space<hbm>> -> memref<80x128xi32, #tpu.memory_space<hbm>>
    tpu.wait_dma2 semaphore(%arg12 : memref<!tpu.dma_semaphore, #tpu.memory_space<semaphore_mem>>) src(%dma_wait3A_33 : memref<80x128xi32, #tpu.memory_space<hbm>>) dst(%arg8 : memref<80x128xi32, #tpu.memory_space<vmem>>)
    %barrier3A = arith.constant 0 : index
    tpu.barrier barrier_id(%barrier3A)
    %add3A_34 = arith.constant 0 : i32
    %add3A_35 = arith.addi %mul3A_4, %add3A_34 : i32
    %dma_start3A_36 = tpu.memref_slice %arg3[%add3A_35] : memref<327680xi32, #tpu.memory_space<hbm>> -> memref<128xi32, #tpu.memory_space<hbm>>
    %dma_start3A_37 = tpu.memref_slice %arg3[%add3A_35] : memref<327680xi32, #tpu.memory_space<hbm>> -> memref<128xi32, #tpu.memory_space<hbm>>
    tpu.enqueue_dma source(%dma_start3A_37 : memref<128xi32, #tpu.memory_space<hbm>>) target(%arg6 : memref<128xi32, #tpu.memory_space<vmem>>) target_semaphore(%arg13 : memref<!tpu.dma_semaphore, #tpu.memory_space<semaphore_mem>>)
    %dma_wait3A_38 = tpu.memref_slice %arg3[%mul3A_4] : memref<327680xi32, #tpu.memory_space<hbm>> -> memref<128xi32, #tpu.memory_space<hbm>>
    %dma_wait3A_39 = tpu.memref_slice %arg3[%mul3A_4] : memref<327680xi32, #tpu.memory_space<hbm>> -> memref<128xi32, #tpu.memory_space<hbm>>
    tpu.wait_dma2 semaphore(%arg13 : memref<!tpu.dma_semaphore, #tpu.memory_space<semaphore_mem>>) src(%dma_wait3A_39 : memref<128xi32, #tpu.memory_space<hbm>>) dst(%arg6 : memref<128xi32, #tpu.memory_space<vmem>>)
    %dma_start3A_40 = arith.constant 0 : i32
    %dma_start3A_41 = arith.constant 0 : i32
    %dma_start3A_42 = tpu.memref_slice %arg2[%dma_start3A_40, %dma_start3A_41] : memref<10000x128xf32, #tpu.memory_space<hbm>> -> memref<10000x128xf32, #tpu.memory_space<hbm>>
    tpu.enqueue_indirect_dma source(%dma_start3A_42 : memref<10000x128xf32, #tpu.memory_space<hbm>>) target(%arg9 : memref<128x128xf32, #tpu.memory_space<vmem>>) offsets(%arg6 : memref<128xi32, #tpu.memory_space<vmem>>) semaphore(%arg15 : memref<!tpu.dma_semaphore, #tpu.memory_space<semaphore_mem>>)
    %add3A_43 = arith.constant 128 : i32
    %add3A_44 = arith.addi %mul3A_4, %add3A_43 : i32
    %dma_start3A_45 = tpu.memref_slice %arg3[%add3A_44] : memref<327680xi32, #tpu.memory_space<hbm>> -> memref<128xi32, #tpu.memory_space<hbm>>
    %dma_start3A_46 = tpu.memref_slice %arg3[%add3A_44] : memref<327680xi32, #tpu.memory_space<hbm>> -> memref<128xi32, #tpu.memory_space<hbm>>
    tpu.enqueue_dma source(%dma_start3A_46 : memref<128xi32, #tpu.memory_space<hbm>>) target(%arg7 : memref<128xi32, #tpu.memory_space<vmem>>) target_semaphore(%arg14 : memref<!tpu.dma_semaphore, #tpu.memory_space<semaphore_mem>>)
    %scan3A_47 = arith.constant 0 : i32
    %scan3A_48 = arith.constant 0 : i32
    %scan3A_49 = arith.constant 40 : i32
    %scan3A_50 = arith.addi %scan3A_48, %scan3A_49 : i32
    %scan3A_51 = arith.constant 1 : i32
    scf.for %scan3A_86 = %scan3A_48 to %scan3A_50 step %scan3A_51  : i32 {
      %mul3A_87 = arith.constant 2 : i32
      %mul3A_88 = arith.muli %mul3A_87, %scan3A_86 : i32
      %dma_wait3A_89 = tpu.memref_slice %arg3[%mul3A_4] : memref<327680xi32, #tpu.memory_space<hbm>> -> memref<128xi32, #tpu.memory_space<hbm>>
      %dma_wait3A_90 = tpu.memref_slice %arg3[%mul3A_4] : memref<327680xi32, #tpu.memory_space<hbm>> -> memref<128xi32, #tpu.memory_space<hbm>>
      tpu.wait_dma2 semaphore(%arg14 : memref<!tpu.dma_semaphore, #tpu.memory_space<semaphore_mem>>) src(%dma_wait3A_90 : memref<128xi32, #tpu.memory_space<hbm>>) dst(%arg7 : memref<128xi32, #tpu.memory_space<vmem>>)
      %dma_start3A_91 = arith.constant 0 : i32
      %dma_start3A_92 = arith.constant 0 : i32
      %dma_start3A_93 = tpu.memref_slice %arg2[%dma_start3A_91, %dma_start3A_92] : memref<10000x128xf32, #tpu.memory_space<hbm>> -> memref<10000x128xf32, #tpu.memory_space<hbm>>
      tpu.enqueue_indirect_dma source(%dma_start3A_93 : memref<10000x128xf32, #tpu.memory_space<hbm>>) target(%arg10 : memref<128x128xf32, #tpu.memory_space<vmem>>) offsets(%arg7 : memref<128xi32, #tpu.memory_space<vmem>>) semaphore(%arg16 : memref<!tpu.dma_semaphore, #tpu.memory_space<semaphore_mem>>)
      %dma_wait3A_94 = arith.constant 0 : i32
      %dma_wait3A_95 = arith.constant 0 : i32
      %dma_wait3A_96 = tpu.memref_slice %arg2[%dma_wait3A_94, %dma_wait3A_95] : memref<10000x128xf32, #tpu.memory_space<hbm>> -> memref<10000x128xf32, #tpu.memory_space<hbm>>
      tpu.wait_indirect_dma semaphore(%arg15 : memref<!tpu.dma_semaphore, #tpu.memory_space<semaphore_mem>>) src(%dma_wait3A_96 : memref<10000x128xf32, #tpu.memory_space<hbm>>) dst(%arg9 : memref<128x128xf32, #tpu.memory_space<vmem>>)
      %dma_start3A_97 = arith.constant 0 : i32
      %dma_start3A_98 = tpu.memref_slice %arg8[%mul3A_88, %dma_start3A_97] : memref<80x128xi32, #tpu.memory_space<vmem>> -> memref<1x128xi32, #tpu.memory_space<vmem>>
      %dma_start3A_99 = tpu.memref_squeeze %dma_start3A_98 : memref<1x128xi32, #tpu.memory_space<vmem>> -> memref<128xi32, #tpu.memory_space<vmem>>
      %dma_start3A_100 = arith.constant 0 : i32
      %dma_start3A_101 = arith.constant 0 : i32
      %dma_start3A_102 = tpu.memref_slice %arg11[%dma_start3A_100, %dma_start3A_101] : memref<10256x128xf32, #tpu.memory_space<vmem_shared>> -> memref<10256x128xf32, #tpu.memory_space<vmem_shared>>
      tpu.enqueue_indirect_dma source(%arg9 : memref<128x128xf32, #tpu.memory_space<vmem>>) target(%dma_start3A_102 : memref<10256x128xf32, #tpu.memory_space<vmem_shared>>) offsets(%dma_start3A_99 : memref<128xi32, #tpu.memory_space<vmem>>) semaphore(%arg17 : memref<!tpu.dma_semaphore, #tpu.memory_space<semaphore_mem>>) {add = true}
      %add3A_103 = arith.constant 2 : i32
      %add3A_104 = arith.addi %mul3A_88, %add3A_103 : i32
      %lt3A = arith.constant 80 : i32
      %lt3A_105 = arith.cmpi slt, %add3A_104, %lt3A : i32
      %convert_element_type3A_106 = arith.extui %lt3A_105 : i1 to i32
      %cond3A_107 = arith.constant 0 : i32
      %cond3A_108 = arith.cmpi ne, %convert_element_type3A_106, %cond3A_107 : i32
      scf.if %cond3A_108 {
        %add3A_141 = arith.constant 2 : i32
        %add3A_142 = arith.addi %mul3A_88, %add3A_141 : i32
        %mul3A_143 = arith.constant 128 : i32
        %mul3A_144 = arith.muli %add3A_142, %mul3A_143 : i32
        %add3A_145 = arith.addi %mul3A_4, %mul3A_144 : i32
        %dma_start3A_146 = tpu.memref_slice %arg3[%add3A_145] : memref<327680xi32, #tpu.memory_space<hbm>> -> memref<128xi32, #tpu.memory_space<hbm>>
        %dma_start3A_147 = tpu.memref_slice %arg3[%add3A_145] : memref<327680xi32, #tpu.memory_space<hbm>> -> memref<128xi32, #tpu.memory_space<hbm>>
        tpu.enqueue_dma source(%dma_start3A_147 : memref<128xi32, #tpu.memory_space<hbm>>) target(%arg6 : memref<128xi32, #tpu.memory_space<vmem>>) target_semaphore(%arg13 : memref<!tpu.dma_semaphore, #tpu.memory_space<semaphore_mem>>)
      } else {
      }
      %dma_wait3A_109 = arith.constant 0 : i32
      %dma_wait3A_110 = arith.constant 0 : i32
      %dma_wait3A_111 = tpu.memref_slice %arg2[%dma_wait3A_109, %dma_wait3A_110] : memref<10000x128xf32, #tpu.memory_space<hbm>> -> memref<10000x128xf32, #tpu.memory_space<hbm>>
      tpu.wait_indirect_dma semaphore(%arg16 : memref<!tpu.dma_semaphore, #tpu.memory_space<semaphore_mem>>) src(%dma_wait3A_111 : memref<10000x128xf32, #tpu.memory_space<hbm>>) dst(%arg10 : memref<128x128xf32, #tpu.memory_space<vmem>>)
      %add3A_112 = arith.constant 1 : i32
      %add3A_113 = arith.addi %mul3A_88, %add3A_112 : i32
      %dma_start3A_114 = arith.constant 0 : i32
      %dma_start3A_115 = tpu.memref_slice %arg8[%add3A_113, %dma_start3A_114] : memref<80x128xi32, #tpu.memory_space<vmem>> -> memref<1x128xi32, #tpu.memory_space<vmem>>
      %dma_start3A_116 = tpu.memref_squeeze %dma_start3A_115 : memref<1x128xi32, #tpu.memory_space<vmem>> -> memref<128xi32, #tpu.memory_space<vmem>>
      %dma_start3A_117 = arith.constant 0 : i32
      %dma_start3A_118 = arith.constant 0 : i32
      %dma_start3A_119 = tpu.memref_slice %arg11[%dma_start3A_117, %dma_start3A_118] : memref<10256x128xf32, #tpu.memory_space<vmem_shared>> -> memref<10256x128xf32, #tpu.memory_space<vmem_shared>>
      tpu.enqueue_indirect_dma source(%arg10 : memref<128x128xf32, #tpu.memory_space<vmem>>) target(%dma_start3A_119 : memref<10256x128xf32, #tpu.memory_space<vmem_shared>>) offsets(%dma_start3A_116 : memref<128xi32, #tpu.memory_space<vmem>>) semaphore(%arg18 : memref<!tpu.dma_semaphore, #tpu.memory_space<semaphore_mem>>) {add = true}
      %add3A_120 = arith.constant 2 : i32
      %add3A_121 = arith.addi %mul3A_88, %add3A_120 : i32
      %lt3A_122 = arith.constant 80 : i32
      %lt3A_123 = arith.cmpi slt, %add3A_121, %lt3A_122 : i32
      %convert_element_type3A_124 = arith.extui %lt3A_123 : i1 to i32
      %cond3A_125 = arith.constant 0 : i32
      %cond3A_126 = arith.cmpi ne, %convert_element_type3A_124, %cond3A_125 : i32
      scf.if %cond3A_126 {
        %dma_wait3A_141 = arith.constant 0 : i32
        %dma_wait3A_142 = arith.constant 0 : i32
        %dma_wait3A_143 = tpu.memref_slice %arg8[%dma_wait3A_141, %dma_wait3A_142] : memref<80x128xi32, #tpu.memory_space<vmem>> -> memref<1x128xi32, #tpu.memory_space<vmem>>
        %dma_wait3A_144 = tpu.memref_squeeze %dma_wait3A_143 : memref<1x128xi32, #tpu.memory_space<vmem>> -> memref<128xi32, #tpu.memory_space<vmem>>
        %dma_wait3A_145 = arith.constant 0 : i32
        %dma_wait3A_146 = arith.constant 0 : i32
        %dma_wait3A_147 = tpu.memref_slice %arg11[%dma_wait3A_145, %dma_wait3A_146] : memref<10256x128xf32, #tpu.memory_space<vmem_shared>> -> memref<10256x128xf32, #tpu.memory_space<vmem_shared>>
        tpu.wait_indirect_dma semaphore(%arg17 : memref<!tpu.dma_semaphore, #tpu.memory_space<semaphore_mem>>) src(%arg9 : memref<128x128xf32, #tpu.memory_space<vmem>>) dst(%dma_wait3A_147 : memref<10256x128xf32, #tpu.memory_space<vmem_shared>>)
        %dma_wait3A_148 = tpu.memref_slice %arg3[%mul3A_4] : memref<327680xi32, #tpu.memory_space<hbm>> -> memref<128xi32, #tpu.memory_space<hbm>>
        %dma_wait3A_149 = tpu.memref_slice %arg3[%mul3A_4] : memref<327680xi32, #tpu.memory_space<hbm>> -> memref<128xi32, #tpu.memory_space<hbm>>
        tpu.wait_dma2 semaphore(%arg13 : memref<!tpu.dma_semaphore, #tpu.memory_space<semaphore_mem>>) src(%dma_wait3A_149 : memref<128xi32, #tpu.memory_space<hbm>>) dst(%arg6 : memref<128xi32, #tpu.memory_space<vmem>>)
        %dma_start3A_150 = arith.constant 0 : i32
        %dma_start3A_151 = arith.constant 0 : i32
        %dma_start3A_152 = tpu.memref_slice %arg2[%dma_start3A_150, %dma_start3A_151] : memref<10000x128xf32, #tpu.memory_space<hbm>> -> memref<10000x128xf32, #tpu.memory_space<hbm>>
        tpu.enqueue_indirect_dma source(%dma_start3A_152 : memref<10000x128xf32, #tpu.memory_space<hbm>>) target(%arg9 : memref<128x128xf32, #tpu.memory_space<vmem>>) offsets(%arg6 : memref<128xi32, #tpu.memory_space<vmem>>) semaphore(%arg15 : memref<!tpu.dma_semaphore, #tpu.memory_space<semaphore_mem>>)
      } else {
      }
      %add3A_127 = arith.constant 3 : i32
      %add3A_128 = arith.addi %mul3A_88, %add3A_127 : i32
      %lt3A_129 = arith.constant 80 : i32
      %lt3A_130 = arith.cmpi slt, %add3A_128, %lt3A_129 : i32
      %convert_element_type3A_131 = arith.extui %lt3A_130 : i1 to i32
      %cond3A_132 = arith.constant 0 : i32
      %cond3A_133 = arith.cmpi ne, %convert_element_type3A_131, %cond3A_132 : i32
      scf.if %cond3A_133 {
        %add3A_141 = arith.constant 3 : i32
        %add3A_142 = arith.addi %mul3A_88, %add3A_141 : i32
        %mul3A_143 = arith.constant 128 : i32
        %mul3A_144 = arith.muli %add3A_142, %mul3A_143 : i32
        %add3A_145 = arith.addi %mul3A_4, %mul3A_144 : i32
        %dma_start3A_146 = tpu.memref_slice %arg3[%add3A_145] : memref<327680xi32, #tpu.memory_space<hbm>> -> memref<128xi32, #tpu.memory_space<hbm>>
        %dma_start3A_147 = tpu.memref_slice %arg3[%add3A_145] : memref<327680xi32, #tpu.memory_space<hbm>> -> memref<128xi32, #tpu.memory_space<hbm>>
        tpu.enqueue_dma source(%dma_start3A_147 : memref<128xi32, #tpu.memory_space<hbm>>) target(%arg7 : memref<128xi32, #tpu.memory_space<vmem>>) target_semaphore(%arg14 : memref<!tpu.dma_semaphore, #tpu.memory_space<semaphore_mem>>)
      } else {
      }
      %dma_wait3A_134 = arith.constant 0 : i32
      %dma_wait3A_135 = arith.constant 0 : i32
      %dma_wait3A_136 = tpu.memref_slice %arg8[%dma_wait3A_134, %dma_wait3A_135] : memref<80x128xi32, #tpu.memory_space<vmem>> -> memref<1x128xi32, #tpu.memory_space<vmem>>
      %dma_wait3A_137 = tpu.memref_squeeze %dma_wait3A_136 : memref<1x128xi32, #tpu.memory_space<vmem>> -> memref<128xi32, #tpu.memory_space<vmem>>
      %dma_wait3A_138 = arith.constant 0 : i32
      %dma_wait3A_139 = arith.constant 0 : i32
      %dma_wait3A_140 = tpu.memref_slice %arg11[%dma_wait3A_138, %dma_wait3A_139] : memref<10256x128xf32, #tpu.memory_space<vmem_shared>> -> memref<10256x128xf32, #tpu.memory_space<vmem_shared>>
      tpu.wait_indirect_dma semaphore(%arg18 : memref<!tpu.dma_semaphore, #tpu.memory_space<semaphore_mem>>) src(%arg10 : memref<128x128xf32, #tpu.memory_space<vmem>>) dst(%dma_wait3A_140 : memref<10256x128xf32, #tpu.memory_space<vmem_shared>>)
    }
    %scan3A_52 = arith.constant 40 : i32
    %dma_wait3A_53 = arith.constant 0 : i32
    %dma_wait3A_54 = arith.constant 0 : i32
    %dma_wait3A_55 = tpu.memref_slice %arg8[%dma_wait3A_53, %dma_wait3A_54] : memref<80x128xi32, #tpu.memory_space<vmem>> -> memref<1x128xi32, #tpu.memory_space<vmem>>
    %dma_wait3A_56 = tpu.memref_squeeze %dma_wait3A_55 : memref<1x128xi32, #tpu.memory_space<vmem>> -> memref<128xi32, #tpu.memory_space<vmem>>
    %dma_wait3A_57 = arith.constant 0 : i32
    %dma_wait3A_58 = arith.constant 0 : i32
    %dma_wait3A_59 = tpu.memref_slice %arg11[%dma_wait3A_57, %dma_wait3A_58] : memref<10256x128xf32, #tpu.memory_space<vmem_shared>> -> memref<10256x128xf32, #tpu.memory_space<vmem_shared>>
    tpu.wait_indirect_dma semaphore(%arg17 : memref<!tpu.dma_semaphore, #tpu.memory_space<semaphore_mem>>) src(%arg9 : memref<128x128xf32, #tpu.memory_space<vmem>>) dst(%dma_wait3A_59 : memref<10256x128xf32, #tpu.memory_space<vmem_shared>>)
    %barrier3A_60 = arith.constant 0 : index
    tpu.barrier barrier_id(%barrier3A_60)
    %mul3A_61 = arith.constant 624 : i32
    %mul3A_62 = arith.muli %arg1, %mul3A_61 : i32
    %add3A_63 = arith.constant 0 : i32
    %add3A_64 = arith.addi %mul3A_62, %add3A_63 : i32
    "tpu.region"() ({
      %run_scoped3A = tpu.sem_alloc : memref<!tpu.dma_semaphore, #tpu.memory_space<semaphore_mem>>
      %dma_start3A_86 = arith.constant 0 : i32
      %dma_start3A_87 = tpu.memref_slice %arg11[%add3A_64, %dma_start3A_86] : memref<10256x128xf32, #tpu.memory_space<vmem_shared>> -> memref<128x128xf32, #tpu.memory_space<vmem_shared>>
      %dma_start3A_88 = arith.constant 0 : i32
      %dma_start3A_89 = tpu.memref_slice %arg11[%add3A_64, %dma_start3A_88] : memref<10256x128xf32, #tpu.memory_space<vmem_shared>> -> memref<128x128xf32, #tpu.memory_space<vmem_shared>>
      tpu.enqueue_dma source(%dma_start3A_89 : memref<128x128xf32, #tpu.memory_space<vmem_shared>>) target(%arg9 : memref<128x128xf32, #tpu.memory_space<vmem>>) target_semaphore(%run_scoped3A : memref<!tpu.dma_semaphore, #tpu.memory_space<semaphore_mem>>)
      %dma_wait3A_90 = arith.constant 0 : i32
      %dma_wait3A_91 = tpu.memref_slice %arg11[%add3A_64, %dma_wait3A_90] : memref<10256x128xf32, #tpu.memory_space<vmem_shared>> -> memref<128x128xf32, #tpu.memory_space<vmem_shared>>
      %dma_wait3A_92 = arith.constant 0 : i32
      %dma_wait3A_93 = tpu.memref_slice %arg11[%add3A_64, %dma_wait3A_92] : memref<10256x128xf32, #tpu.memory_space<vmem_shared>> -> memref<128x128xf32, #tpu.memory_space<vmem_shared>>
      tpu.wait_dma2 semaphore(%run_scoped3A : memref<!tpu.dma_semaphore, #tpu.memory_space<semaphore_mem>>) src(%dma_wait3A_93 : memref<128x128xf32, #tpu.memory_space<vmem_shared>>) dst(%arg9 : memref<128x128xf32, #tpu.memory_space<vmem>>)
      tpu.yield
    }) : () -> ()
    "tpu.region"() ({
      %run_scoped3A = tpu.sem_alloc : memref<!tpu.dma_semaphore, #tpu.memory_space<semaphore_mem>>
      %dma_start3A_86 = arith.constant 0 : i32
      %dma_start3A_87 = tpu.memref_slice %arg5[%arg0, %add3A_64, %dma_start3A_86] : memref<2x10000x128xf32, #tpu.memory_space<hbm>> -> memref<1x128x128xf32, #tpu.memory_space<hbm>>
      %dma_start3A_88 = tpu.memref_squeeze %dma_start3A_87 : memref<1x128x128xf32, #tpu.memory_space<hbm>> -> memref<128x128xf32, #tpu.memory_space<hbm>>
      %dma_start3A_89 = arith.constant 0 : i32
      %dma_start3A_90 = tpu.memref_slice %arg5[%arg0, %add3A_64, %dma_start3A_89] : memref<2x10000x128xf32, #tpu.memory_space<hbm>> -> memref<1x128x128xf32, #tpu.memory_space<hbm>>
      %dma_start3A_91 = tpu.memref_squeeze %dma_start3A_90 : memref<1x128x128xf32, #tpu.memory_space<hbm>> -> memref<128x128xf32, #tpu.memory_space<hbm>>
      tpu.enqueue_dma source(%arg9 : memref<128x128xf32, #tpu.memory_space<vmem>>) target(%dma_start3A_91 : memref<128x128xf32, #tpu.memory_space<hbm>>) target_semaphore(%run_scoped3A : memref<!tpu.dma_semaphore, #tpu.memory_space<semaphore_mem>>)
      %dma_wait3A_92 = arith.constant 0 : i32
      %dma_wait3A_93 = tpu.memref_slice %arg5[%arg0, %add3A_64, %dma_wait3A_92] : memref<2x10000x128xf32, #tpu.memory_space<hbm>> -> memref<1x128x128xf32, #tpu.memory_space<hbm>>
      %dma_wait3A_94 = tpu.memref_squeeze %dma_wait3A_93 : memref<1x128x128xf32, #tpu.memory_space<hbm>> -> memref<128x128xf32, #tpu.memory_space<hbm>>
      %dma_wait3A_95 = arith.constant 0 : i32
      %dma_wait3A_96 = tpu.memref_slice %arg5[%arg0, %add3A_64, %dma_wait3A_95] : memref<2x10000x128xf32, #tpu.memory_space<hbm>> -> memref<1x128x128xf32, #tpu.memory_space<hbm>>
      %dma_wait3A_97 = tpu.memref_squeeze %dma_wait3A_96 : memref<1x128x128xf32, #tpu.memory_space<hbm>> -> memref<128x128xf32, #tpu.memory_space<hbm>>
      tpu.wait_dma2 semaphore(%run_scoped3A : memref<!tpu.dma_semaphore, #tpu.memory_space<semaphore_mem>>) src(%arg9 : memref<128x128xf32, #tpu.memory_space<vmem>>) dst(%dma_wait3A_97 : memref<128x128xf32, #tpu.memory_space<hbm>>)
      tpu.yield
    }) : () -> ()
    %mul3A_65 = arith.constant 624 : i32
    %mul3A_66 = arith.muli %arg1, %mul3A_65 : i32
    %add3A_67 = arith.constant 128 : i32
    %add3A_68 = arith.addi %mul3A_66, %add3A_67 : i32
    "tpu.region"() ({
      %run_scoped3A = tpu.sem_alloc : memref<!tpu.dma_semaphore, #tpu.memory_space<semaphore_mem>>
      %dma_start3A_86 = arith.constant 0 : i32
      %dma_start3A_87 = tpu.memref_slice %arg11[%add3A_68, %dma_start3A_86] : memref<10256x128xf32, #tpu.memory_space<vmem_shared>> -> memref<128x128xf32, #tpu.memory_space<vmem_shared>>
      %dma_start3A_88 = arith.constant 0 : i32
      %dma_start3A_89 = tpu.memref_slice %arg11[%add3A_68, %dma_start3A_88] : memref<10256x128xf32, #tpu.memory_space<vmem_shared>> -> memref<128x128xf32, #tpu.memory_space<vmem_shared>>
      tpu.enqueue_dma source(%dma_start3A_89 : memref<128x128xf32, #tpu.memory_space<vmem_shared>>) target(%arg9 : memref<128x128xf32, #tpu.memory_space<vmem>>) target_semaphore(%run_scoped3A : memref<!tpu.dma_semaphore, #tpu.memory_space<semaphore_mem>>)
      %dma_wait3A_90 = arith.constant 0 : i32
      %dma_wait3A_91 = tpu.memref_slice %arg11[%add3A_68, %dma_wait3A_90] : memref<10256x128xf32, #tpu.memory_space<vmem_shared>> -> memref<128x128xf32, #tpu.memory_space<vmem_shared>>
      %dma_wait3A_92 = arith.constant 0 : i32
      %dma_wait3A_93 = tpu.memref_slice %arg11[%add3A_68, %dma_wait3A_92] : memref<10256x128xf32, #tpu.memory_space<vmem_shared>> -> memref<128x128xf32, #tpu.memory_space<vmem_shared>>
      tpu.wait_dma2 semaphore(%run_scoped3A : memref<!tpu.dma_semaphore, #tpu.memory_space<semaphore_mem>>) src(%dma_wait3A_93 : memref<128x128xf32, #tpu.memory_space<vmem_shared>>) dst(%arg9 : memref<128x128xf32, #tpu.memory_space<vmem>>)
      tpu.yield
    }) : () -> ()
    "tpu.region"() ({
      %run_scoped3A = tpu.sem_alloc : memref<!tpu.dma_semaphore, #tpu.memory_space<semaphore_mem>>
      %dma_start3A_86 = arith.constant 0 : i32
      %dma_start3A_87 = tpu.memref_slice %arg5[%arg0, %add3A_68, %dma_start3A_86] : memref<2x10000x128xf32, #tpu.memory_space<hbm>> -> memref<1x128x128xf32, #tpu.memory_space<hbm>>
      %dma_start3A_88 = tpu.memref_squeeze %dma_start3A_87 : memref<1x128x128xf32, #tpu.memory_space<hbm>> -> memref<128x128xf32, #tpu.memory_space<hbm>>
      %dma_start3A_89 = arith.constant 0 : i32
      %dma_start3A_90 = tpu.memref_slice %arg5[%arg0, %add3A_68, %dma_start3A_89] : memref<2x10000x128xf32, #tpu.memory_space<hbm>> -> memref<1x128x128xf32, #tpu.memory_space<hbm>>
      %dma_start3A_91 = tpu.memref_squeeze %dma_start3A_90 : memref<1x128x128xf32, #tpu.memory_space<hbm>> -> memref<128x128xf32, #tpu.memory_space<hbm>>
      tpu.enqueue_dma source(%arg9 : memref<128x128xf32, #tpu.memory_space<vmem>>) target(%dma_start3A_91 : memref<128x128xf32, #tpu.memory_space<hbm>>) target_semaphore(%run_scoped3A : memref<!tpu.dma_semaphore, #tpu.memory_space<semaphore_mem>>)
      %dma_wait3A_92 = arith.constant 0 : i32
      %dma_wait3A_93 = tpu.memref_slice %arg5[%arg0, %add3A_68, %dma_wait3A_92] : memref<2x10000x128xf32, #tpu.memory_space<hbm>> -> memref<1x128x128xf32, #tpu.memory_space<hbm>>
      %dma_wait3A_94 = tpu.memref_squeeze %dma_wait3A_93 : memref<1x128x128xf32, #tpu.memory_space<hbm>> -> memref<128x128xf32, #tpu.memory_space<hbm>>
      %dma_wait3A_95 = arith.constant 0 : i32
      %dma_wait3A_96 = tpu.memref_slice %arg5[%arg0, %add3A_68, %dma_wait3A_95] : memref<2x10000x128xf32, #tpu.memory_space<hbm>> -> memref<1x128x128xf32, #tpu.memory_space<hbm>>
      %dma_wait3A_97 = tpu.memref_squeeze %dma_wait3A_96 : memref<1x128x128xf32, #tpu.memory_space<hbm>> -> memref<128x128xf32, #tpu.memory_space<hbm>>
      tpu.wait_dma2 semaphore(%run_scoped3A : memref<!tpu.dma_semaphore, #tpu.memory_space<semaphore_mem>>) src(%arg9 : memref<128x128xf32, #tpu.memory_space<vmem>>) dst(%dma_wait3A_97 : memref<128x128xf32, #tpu.memory_space<hbm>>)
      tpu.yield
    }) : () -> ()
    %mul3A_69 = arith.constant 624 : i32
    %mul3A_70 = arith.muli %arg1, %mul3A_69 : i32
    %add3A_71 = arith.constant 256 : i32
    %add3A_72 = arith.addi %mul3A_70, %add3A_71 : i32
    "tpu.region"() ({
      %run_scoped3A = tpu.sem_alloc : memref<!tpu.dma_semaphore, #tpu.memory_space<semaphore_mem>>
      %dma_start3A_86 = arith.constant 0 : i32
      %dma_start3A_87 = tpu.memref_slice %arg11[%add3A_72, %dma_start3A_86] : memref<10256x128xf32, #tpu.memory_space<vmem_shared>> -> memref<128x128xf32, #tpu.memory_space<vmem_shared>>
      %dma_start3A_88 = arith.constant 0 : i32
      %dma_start3A_89 = tpu.memref_slice %arg11[%add3A_72, %dma_start3A_88] : memref<10256x128xf32, #tpu.memory_space<vmem_shared>> -> memref<128x128xf32, #tpu.memory_space<vmem_shared>>
      tpu.enqueue_dma source(%dma_start3A_89 : memref<128x128xf32, #tpu.memory_space<vmem_shared>>) target(%arg9 : memref<128x128xf32, #tpu.memory_space<vmem>>) target_semaphore(%run_scoped3A : memref<!tpu.dma_semaphore, #tpu.memory_space<semaphore_mem>>)
      %dma_wait3A_90 = arith.constant 0 : i32
      %dma_wait3A_91 = tpu.memref_slice %arg11[%add3A_72, %dma_wait3A_90] : memref<10256x128xf32, #tpu.memory_space<vmem_shared>> -> memref<128x128xf32, #tpu.memory_space<vmem_shared>>
      %dma_wait3A_92 = arith.constant 0 : i32
      %dma_wait3A_93 = tpu.memref_slice %arg11[%add3A_72, %dma_wait3A_92] : memref<10256x128xf32, #tpu.memory_space<vmem_shared>> -> memref<128x128xf32, #tpu.memory_space<vmem_shared>>
      tpu.wait_dma2 semaphore(%run_scoped3A : memref<!tpu.dma_semaphore, #tpu.memory_space<semaphore_mem>>) src(%dma_wait3A_93 : memref<128x128xf32, #tpu.memory_space<vmem_shared>>) dst(%arg9 : memref<128x128xf32, #tpu.memory_space<vmem>>)
      tpu.yield
    }) : () -> ()
    "tpu.region"() ({
      %run_scoped3A = tpu.sem_alloc : memref<!tpu.dma_semaphore, #tpu.memory_space<semaphore_mem>>
      %dma_start3A_86 = arith.constant 0 : i32
      %dma_start3A_87 = tpu.memref_slice %arg5[%arg0, %add3A_72, %dma_start3A_86] : memref<2x10000x128xf32, #tpu.memory_space<hbm>> -> memref<1x128x128xf32, #tpu.memory_space<hbm>>
      %dma_start3A_88 = tpu.memref_squeeze %dma_start3A_87 : memref<1x128x128xf32, #tpu.memory_space<hbm>> -> memref<128x128xf32, #tpu.memory_space<hbm>>
      %dma_start3A_89 = arith.constant 0 : i32
      %dma_start3A_90 = tpu.memref_slice %arg5[%arg0, %add3A_72, %dma_start3A_89] : memref<2x10000x128xf32, #tpu.memory_space<hbm>> -> memref<1x128x128xf32, #tpu.memory_space<hbm>>
      %dma_start3A_91 = tpu.memref_squeeze %dma_start3A_90 : memref<1x128x128xf32, #tpu.memory_space<hbm>> -> memref<128x128xf32, #tpu.memory_space<hbm>>
      tpu.enqueue_dma source(%arg9 : memref<128x128xf32, #tpu.memory_space<vmem>>) target(%dma_start3A_91 : memref<128x128xf32, #tpu.memory_space<hbm>>) target_semaphore(%run_scoped3A : memref<!tpu.dma_semaphore, #tpu.memory_space<semaphore_mem>>)
      %dma_wait3A_92 = arith.constant 0 : i32
      %dma_wait3A_93 = tpu.memref_slice %arg5[%arg0, %add3A_72, %dma_wait3A_92] : memref<2x10000x128xf32, #tpu.memory_space<hbm>> -> memref<1x128x128xf32, #tpu.memory_space<hbm>>
      %dma_wait3A_94 = tpu.memref_squeeze %dma_wait3A_93 : memref<1x128x128xf32, #tpu.memory_space<hbm>> -> memref<128x128xf32, #tpu.memory_space<hbm>>
      %dma_wait3A_95 = arith.constant 0 : i32
      %dma_wait3A_96 = tpu.memref_slice %arg5[%arg0, %add3A_72, %dma_wait3A_95] : memref<2x10000x128xf32, #tpu.memory_space<hbm>> -> memref<1x128x128xf32, #tpu.memory_space<hbm>>
      %dma_wait3A_97 = tpu.memref_squeeze %dma_wait3A_96 : memref<1x128x128xf32, #tpu.memory_space<hbm>> -> memref<128x128xf32, #tpu.memory_space<hbm>>
      tpu.wait_dma2 semaphore(%run_scoped3A : memref<!tpu.dma_semaphore, #tpu.memory_space<semaphore_mem>>) src(%arg9 : memref<128x128xf32, #tpu.memory_space<vmem>>) dst(%dma_wait3A_97 : memref<128x128xf32, #tpu.memory_space<hbm>>)
      tpu.yield
    }) : () -> ()
    %mul3A_73 = arith.constant 624 : i32
    %mul3A_74 = arith.muli %arg1, %mul3A_73 : i32
    %add3A_75 = arith.constant 384 : i32
    %add3A_76 = arith.addi %mul3A_74, %add3A_75 : i32
    "tpu.region"() ({
      %run_scoped3A = tpu.sem_alloc : memref<!tpu.dma_semaphore, #tpu.memory_space<semaphore_mem>>
      %dma_start3A_86 = arith.constant 0 : i32
      %dma_start3A_87 = tpu.memref_slice %arg11[%add3A_76, %dma_start3A_86] : memref<10256x128xf32, #tpu.memory_space<vmem_shared>> -> memref<128x128xf32, #tpu.memory_space<vmem_shared>>
      %dma_start3A_88 = arith.constant 0 : i32
      %dma_start3A_89 = tpu.memref_slice %arg11[%add3A_76, %dma_start3A_88] : memref<10256x128xf32, #tpu.memory_space<vmem_shared>> -> memref<128x128xf32, #tpu.memory_space<vmem_shared>>
      tpu.enqueue_dma source(%dma_start3A_89 : memref<128x128xf32, #tpu.memory_space<vmem_shared>>) target(%arg9 : memref<128x128xf32, #tpu.memory_space<vmem>>) target_semaphore(%run_scoped3A : memref<!tpu.dma_semaphore, #tpu.memory_space<semaphore_mem>>)
      %dma_wait3A_90 = arith.constant 0 : i32
      %dma_wait3A_91 = tpu.memref_slice %arg11[%add3A_76, %dma_wait3A_90] : memref<10256x128xf32, #tpu.memory_space<vmem_shared>> -> memref<128x128xf32, #tpu.memory_space<vmem_shared>>
      %dma_wait3A_92 = arith.constant 0 : i32
      %dma_wait3A_93 = tpu.memref_slice %arg11[%add3A_76, %dma_wait3A_92] : memref<10256x128xf32, #tpu.memory_space<vmem_shared>> -> memref<128x128xf32, #tpu.memory_space<vmem_shared>>
      tpu.wait_dma2 semaphore(%run_scoped3A : memref<!tpu.dma_semaphore, #tpu.memory_space<semaphore_mem>>) src(%dma_wait3A_93 : memref<128x128xf32, #tpu.memory_space<vmem_shared>>) dst(%arg9 : memref<128x128xf32, #tpu.memory_space<vmem>>)
      tpu.yield
    }) : () -> ()
    "tpu.region"() ({
      %run_scoped3A = tpu.sem_alloc : memref<!tpu.dma_semaphore, #tpu.memory_space<semaphore_mem>>
      %dma_start3A_86 = arith.constant 0 : i32
      %dma_start3A_87 = tpu.memref_slice %arg5[%arg0, %add3A_76, %dma_start3A_86] : memref<2x10000x128xf32, #tpu.memory_space<hbm>> -> memref<1x128x128xf32, #tpu.memory_space<hbm>>
      %dma_start3A_88 = tpu.memref_squeeze %dma_start3A_87 : memref<1x128x128xf32, #tpu.memory_space<hbm>> -> memref<128x128xf32, #tpu.memory_space<hbm>>
      %dma_start3A_89 = arith.constant 0 : i32
      %dma_start3A_90 = tpu.memref_slice %arg5[%arg0, %add3A_76, %dma_start3A_89] : memref<2x10000x128xf32, #tpu.memory_space<hbm>> -> memref<1x128x128xf32, #tpu.memory_space<hbm>>
      %dma_start3A_91 = tpu.memref_squeeze %dma_start3A_90 : memref<1x128x128xf32, #tpu.memory_space<hbm>> -> memref<128x128xf32, #tpu.memory_space<hbm>>
      tpu.enqueue_dma source(%arg9 : memref<128x128xf32, #tpu.memory_space<vmem>>) target(%dma_start3A_91 : memref<128x128xf32, #tpu.memory_space<hbm>>) target_semaphore(%run_scoped3A : memref<!tpu.dma_semaphore, #tpu.memory_space<semaphore_mem>>)
      %dma_wait3A_92 = arith.constant 0 : i32
      %dma_wait3A_93 = tpu.memref_slice %arg5[%arg0, %add3A_76, %dma_wait3A_92] : memref<2x10000x128xf32, #tpu.memory_space<hbm>> -> memref<1x128x128xf32, #tpu.memory_space<hbm>>
      %dma_wait3A_94 = tpu.memref_squeeze %dma_wait3A_93 : memref<1x128x128xf32, #tpu.memory_space<hbm>> -> memref<128x128xf32, #tpu.memory_space<hbm>>
      %dma_wait3A_95 = arith.constant 0 : i32
      %dma_wait3A_96 = tpu.memref_slice %arg5[%arg0, %add3A_76, %dma_wait3A_95] : memref<2x10000x128xf32, #tpu.memory_space<hbm>> -> memref<1x128x128xf32, #tpu.memory_space<hbm>>
      %dma_wait3A_97 = tpu.memref_squeeze %dma_wait3A_96 : memref<1x128x128xf32, #tpu.memory_space<hbm>> -> memref<128x128xf32, #tpu.memory_space<hbm>>
      tpu.wait_dma2 semaphore(%run_scoped3A : memref<!tpu.dma_semaphore, #tpu.memory_space<semaphore_mem>>) src(%arg9 : memref<128x128xf32, #tpu.memory_space<vmem>>) dst(%dma_wait3A_97 : memref<128x128xf32, #tpu.memory_space<hbm>>)
      tpu.yield
    }) : () -> ()
    %mul3A_77 = arith.constant 624 : i32
    %mul3A_78 = arith.muli %arg1, %mul3A_77 : i32
    %add3A_79 = arith.constant 512 : i32
    %add3A_80 = arith.addi %mul3A_78, %add3A_79 : i32
    "tpu.region"() ({
      %run_scoped3A = tpu.sem_alloc : memref<!tpu.dma_semaphore, #tpu.memory_space<semaphore_mem>>
      %dma_start3A_86 = arith.constant 0 : i32
      %dma_start3A_87 = arith.constant 0 : i32
      %dma_start3A_88 = tpu.memref_slice %arg9[%dma_start3A_86, %dma_start3A_87] : memref<128x128xf32, #tpu.memory_space<vmem>> -> memref<112x128xf32, #tpu.memory_space<vmem>>
      %dma_start3A_89 = arith.constant 0 : i32
      %dma_start3A_90 = tpu.memref_slice %arg11[%add3A_80, %dma_start3A_89] : memref<10256x128xf32, #tpu.memory_space<vmem_shared>> -> memref<112x128xf32, #tpu.memory_space<vmem_shared>>
      %dma_start3A_91 = arith.constant 0 : i32
      %dma_start3A_92 = arith.constant 0 : i32
      %dma_start3A_93 = tpu.memref_slice %arg9[%dma_start3A_91, %dma_start3A_92] : memref<128x128xf32, #tpu.memory_space<vmem>> -> memref<112x128xf32, #tpu.memory_space<vmem>>
      %dma_start3A_94 = arith.constant 0 : i32
      %dma_start3A_95 = tpu.memref_slice %arg11[%add3A_80, %dma_start3A_94] : memref<10256x128xf32, #tpu.memory_space<vmem_shared>> -> memref<112x128xf32, #tpu.memory_space<vmem_shared>>
      tpu.enqueue_dma source(%dma_start3A_95 : memref<112x128xf32, #tpu.memory_space<vmem_shared>>) target(%dma_start3A_93 : memref<112x128xf32, #tpu.memory_space<vmem>>) target_semaphore(%run_scoped3A : memref<!tpu.dma_semaphore, #tpu.memory_space<semaphore_mem>>)
      %dma_wait3A_96 = arith.constant 0 : i32
      %dma_wait3A_97 = arith.constant 0 : i32
      %dma_wait3A_98 = tpu.memref_slice %arg9[%dma_wait3A_96, %dma_wait3A_97] : memref<128x128xf32, #tpu.memory_space<vmem>> -> memref<112x128xf32, #tpu.memory_space<vmem>>
      %dma_wait3A_99 = arith.constant 0 : i32
      %dma_wait3A_100 = tpu.memref_slice %arg11[%add3A_80, %dma_wait3A_99] : memref<10256x128xf32, #tpu.memory_space<vmem_shared>> -> memref<112x128xf32, #tpu.memory_space<vmem_shared>>
      %dma_wait3A_101 = arith.constant 0 : i32
      %dma_wait3A_102 = arith.constant 0 : i32
      %dma_wait3A_103 = tpu.memref_slice %arg9[%dma_wait3A_101, %dma_wait3A_102] : memref<128x128xf32, #tpu.memory_space<vmem>> -> memref<112x128xf32, #tpu.memory_space<vmem>>
      %dma_wait3A_104 = arith.constant 0 : i32
      %dma_wait3A_105 = tpu.memref_slice %arg11[%add3A_80, %dma_wait3A_104] : memref<10256x128xf32, #tpu.memory_space<vmem_shared>> -> memref<112x128xf32, #tpu.memory_space<vmem_shared>>
      tpu.wait_dma2 semaphore(%run_scoped3A : memref<!tpu.dma_semaphore, #tpu.memory_space<semaphore_mem>>) src(%dma_wait3A_105 : memref<112x128xf32, #tpu.memory_space<vmem_shared>>) dst(%dma_wait3A_103 : memref<112x128xf32, #tpu.memory_space<vmem>>)
      tpu.yield
    }) : () -> ()
    "tpu.region"() ({
      %run_scoped3A = tpu.sem_alloc : memref<!tpu.dma_semaphore, #tpu.memory_space<semaphore_mem>>
      %dma_start3A_86 = arith.constant 0 : i32
      %dma_start3A_87 = arith.constant 0 : i32
      %dma_start3A_88 = tpu.memref_slice %arg9[%dma_start3A_86, %dma_start3A_87] : memref<128x128xf32, #tpu.memory_space<vmem>> -> memref<112x128xf32, #tpu.memory_space<vmem>>
      %dma_start3A_89 = arith.constant 0 : i32
      %dma_start3A_90 = tpu.memref_slice %arg5[%arg0, %add3A_80, %dma_start3A_89] : memref<2x10000x128xf32, #tpu.memory_space<hbm>> -> memref<1x112x128xf32, #tpu.memory_space<hbm>>
      %dma_start3A_91 = tpu.memref_squeeze %dma_start3A_90 : memref<1x112x128xf32, #tpu.memory_space<hbm>> -> memref<112x128xf32, #tpu.memory_space<hbm>>
      %dma_start3A_92 = arith.constant 0 : i32
      %dma_start3A_93 = tpu.memref_slice %arg5[%arg0, %add3A_80, %dma_start3A_92] : memref<2x10000x128xf32, #tpu.memory_space<hbm>> -> memref<1x112x128xf32, #tpu.memory_space<hbm>>
      %dma_start3A_94 = tpu.memref_squeeze %dma_start3A_93 : memref<1x112x128xf32, #tpu.memory_space<hbm>> -> memref<112x128xf32, #tpu.memory_space<hbm>>
      %dma_start3A_95 = arith.constant 0 : i32
      %dma_start3A_96 = arith.constant 0 : i32
      %dma_start3A_97 = tpu.memref_slice %arg9[%dma_start3A_95, %dma_start3A_96] : memref<128x128xf32, #tpu.memory_space<vmem>> -> memref<112x128xf32, #tpu.memory_space<vmem>>
      tpu.enqueue_dma source(%dma_start3A_97 : memref<112x128xf32, #tpu.memory_space<vmem>>) target(%dma_start3A_94 : memref<112x128xf32, #tpu.memory_space<hbm>>) target_semaphore(%run_scoped3A : memref<!tpu.dma_semaphore, #tpu.memory_space<semaphore_mem>>)
      %dma_wait3A_98 = arith.constant 0 : i32
      %dma_wait3A_99 = arith.constant 0 : i32
      %dma_wait3A_100 = tpu.memref_slice %arg9[%dma_wait3A_98, %dma_wait3A_99] : memref<128x128xf32, #tpu.memory_space<vmem>> -> memref<112x128xf32, #tpu.memory_space<vmem>>
      %dma_wait3A_101 = arith.constant 0 : i32
      %dma_wait3A_102 = tpu.memref_slice %arg5[%arg0, %add3A_80, %dma_wait3A_101] : memref<2x10000x128xf32, #tpu.memory_space<hbm>> -> memref<1x112x128xf32, #tpu.memory_space<hbm>>
      %dma_wait3A_103 = tpu.memref_squeeze %dma_wait3A_102 : memref<1x112x128xf32, #tpu.memory_space<hbm>> -> memref<112x128xf32, #tpu.memory_space<hbm>>
      %dma_wait3A_104 = arith.constant 0 : i32
      %dma_wait3A_105 = tpu.memref_slice %arg5[%arg0, %add3A_80, %dma_wait3A_104] : memref<2x10000x128xf32, #tpu.memory_space<hbm>> -> memref<1x112x128xf32, #tpu.memory_space<hbm>>
      %dma_wait3A_106 = tpu.memref_squeeze %dma_wait3A_105 : memref<1x112x128xf32, #tpu.memory_space<hbm>> -> memref<112x128xf32, #tpu.memory_space<hbm>>
      %dma_wait3A_107 = arith.constant 0 : i32
      %dma_wait3A_108 = arith.constant 0 : i32
      %dma_wait3A_109 = tpu.memref_slice %arg9[%dma_wait3A_107, %dma_wait3A_108] : memref<128x128xf32, #tpu.memory_space<vmem>> -> memref<112x128xf32, #tpu.memory_space<vmem>>
      tpu.wait_dma2 semaphore(%run_scoped3A : memref<!tpu.dma_semaphore, #tpu.memory_space<semaphore_mem>>) src(%dma_wait3A_109 : memref<112x128xf32, #tpu.memory_space<vmem>>) dst(%dma_wait3A_106 : memref<112x128xf32, #tpu.memory_space<hbm>>)
      tpu.yield
    }) : () -> ()
    %eq3A_81 = arith.constant 15 : i32
    %eq3A_82 = arith.cmpi eq, %arg1, %eq3A_81 : i32
    %convert_element_type3A_83 = arith.extui %eq3A_82 : i1 to i32
    %cond3A_84 = arith.constant 0 : i32
    %cond3A_85 = arith.cmpi ne, %convert_element_type3A_83, %cond3A_84 : i32
    scf.if %cond3A_85 {
      "tpu.region"() ({
        %run_scoped3A = tpu.sem_alloc : memref<!tpu.dma_semaphore, #tpu.memory_space<semaphore_mem>>
        %dma_start3A_86 = arith.constant 0 : i32
        %dma_start3A_87 = arith.constant 0 : i32
        %dma_start3A_88 = tpu.memref_slice %arg10[%dma_start3A_86, %dma_start3A_87] : memref<128x128xf32, #tpu.memory_space<vmem>> -> memref<16x128xf32, #tpu.memory_space<vmem>>
        %dma_start3A_89 = arith.constant 9984 : i32
        %dma_start3A_90 = arith.constant 0 : i32
        %dma_start3A_91 = tpu.memref_slice %arg11[%dma_start3A_89, %dma_start3A_90] : memref<10256x128xf32, #tpu.memory_space<vmem_shared>> -> memref<16x128xf32, #tpu.memory_space<vmem_shared>>
        %dma_start3A_92 = arith.constant 0 : i32
        %dma_start3A_93 = arith.constant 0 : i32
        %dma_start3A_94 = tpu.memref_slice %arg10[%dma_start3A_92, %dma_start3A_93] : memref<128x128xf32, #tpu.memory_space<vmem>> -> memref<16x128xf32, #tpu.memory_space<vmem>>
        %dma_start3A_95 = arith.constant 9984 : i32
        %dma_start3A_96 = arith.constant 0 : i32
        %dma_start3A_97 = tpu.memref_slice %arg11[%dma_start3A_95, %dma_start3A_96] : memref<10256x128xf32, #tpu.memory_space<vmem_shared>> -> memref<16x128xf32, #tpu.memory_space<vmem_shared>>
        tpu.enqueue_dma source(%dma_start3A_97 : memref<16x128xf32, #tpu.memory_space<vmem_shared>>) target(%dma_start3A_94 : memref<16x128xf32, #tpu.memory_space<vmem>>) target_semaphore(%run_scoped3A : memref<!tpu.dma_semaphore, #tpu.memory_space<semaphore_mem>>)
        %dma_wait3A_98 = arith.constant 0 : i32
        %dma_wait3A_99 = arith.constant 0 : i32
        %dma_wait3A_100 = tpu.memref_slice %arg10[%dma_wait3A_98, %dma_wait3A_99] : memref<128x128xf32, #tpu.memory_space<vmem>> -> memref<16x128xf32, #tpu.memory_space<vmem>>
        %dma_wait3A_101 = arith.constant 9984 : i32
        %dma_wait3A_102 = arith.constant 0 : i32
        %dma_wait3A_103 = tpu.memref_slice %arg11[%dma_wait3A_101, %dma_wait3A_102] : memref<10256x128xf32, #tpu.memory_space<vmem_shared>> -> memref<16x128xf32, #tpu.memory_space<vmem_shared>>
        %dma_wait3A_104 = arith.constant 0 : i32
        %dma_wait3A_105 = arith.constant 0 : i32
        %dma_wait3A_106 = tpu.memref_slice %arg10[%dma_wait3A_104, %dma_wait3A_105] : memref<128x128xf32, #tpu.memory_space<vmem>> -> memref<16x128xf32, #tpu.memory_space<vmem>>
        %dma_wait3A_107 = arith.constant 9984 : i32
        %dma_wait3A_108 = arith.constant 0 : i32
        %dma_wait3A_109 = tpu.memref_slice %arg11[%dma_wait3A_107, %dma_wait3A_108] : memref<10256x128xf32, #tpu.memory_space<vmem_shared>> -> memref<16x128xf32, #tpu.memory_space<vmem_shared>>
        tpu.wait_dma2 semaphore(%run_scoped3A : memref<!tpu.dma_semaphore, #tpu.memory_space<semaphore_mem>>) src(%dma_wait3A_109 : memref<16x128xf32, #tpu.memory_space<vmem_shared>>) dst(%dma_wait3A_106 : memref<16x128xf32, #tpu.memory_space<vmem>>)
        tpu.yield
      }) : () -> ()
      "tpu.region"() ({
        %run_scoped3A = tpu.sem_alloc : memref<!tpu.dma_semaphore, #tpu.memory_space<semaphore_mem>>
        %dma_start3A_86 = arith.constant 0 : i32
        %dma_start3A_87 = arith.constant 0 : i32
        %dma_start3A_88 = tpu.memref_slice %arg10[%dma_start3A_86, %dma_start3A_87] : memref<128x128xf32, #tpu.memory_space<vmem>> -> memref<16x128xf32, #tpu.memory_space<vmem>>
        %dma_start3A_89 = arith.constant 9984 : i32
        %dma_start3A_90 = arith.constant 0 : i32
        %dma_start3A_91 = tpu.memref_slice %arg5[%arg0, %dma_start3A_89, %dma_start3A_90] : memref<2x10000x128xf32, #tpu.memory_space<hbm>> -> memref<1x16x128xf32, #tpu.memory_space<hbm>>
        %dma_start3A_92 = tpu.memref_squeeze %dma_start3A_91 : memref<1x16x128xf32, #tpu.memory_space<hbm>> -> memref<16x128xf32, #tpu.memory_space<hbm>>
        %dma_start3A_93 = arith.constant 9984 : i32
        %dma_start3A_94 = arith.constant 0 : i32
        %dma_start3A_95 = tpu.memref_slice %arg5[%arg0, %dma_start3A_93, %dma_start3A_94] : memref<2x10000x128xf32, #tpu.memory_space<hbm>> -> memref<1x16x128xf32, #tpu.memory_space<hbm>>
        %dma_start3A_96 = tpu.memref_squeeze %dma_start3A_95 : memref<1x16x128xf32, #tpu.memory_space<hbm>> -> memref<16x128xf32, #tpu.memory_space<hbm>>
        %dma_start3A_97 = arith.constant 0 : i32
        %dma_start3A_98 = arith.constant 0 : i32
        %dma_start3A_99 = tpu.memref_slice %arg10[%dma_start3A_97, %dma_start3A_98] : memref<128x128xf32, #tpu.memory_space<vmem>> -> memref<16x128xf32, #tpu.memory_space<vmem>>
        tpu.enqueue_dma source(%dma_start3A_99 : memref<16x128xf32, #tpu.memory_space<vmem>>) target(%dma_start3A_96 : memref<16x128xf32, #tpu.memory_space<hbm>>) target_semaphore(%run_scoped3A : memref<!tpu.dma_semaphore, #tpu.memory_space<semaphore_mem>>)
        %dma_wait3A_100 = arith.constant 0 : i32
        %dma_wait3A_101 = arith.constant 0 : i32
        %dma_wait3A_102 = tpu.memref_slice %arg10[%dma_wait3A_100, %dma_wait3A_101] : memref<128x128xf32, #tpu.memory_space<vmem>> -> memref<16x128xf32, #tpu.memory_space<vmem>>
        %dma_wait3A_103 = arith.constant 9984 : i32
        %dma_wait3A_104 = arith.constant 0 : i32
        %dma_wait3A_105 = tpu.memref_slice %arg5[%arg0, %dma_wait3A_103, %dma_wait3A_104] : memref<2x10000x128xf32, #tpu.memory_space<hbm>> -> memref<1x16x128xf32, #tpu.memory_space<hbm>>
        %dma_wait3A_106 = tpu.memref_squeeze %dma_wait3A_105 : memref<1x16x128xf32, #tpu.memory_space<hbm>> -> memref<16x128xf32, #tpu.memory_space<hbm>>
        %dma_wait3A_107 = arith.constant 9984 : i32
        %dma_wait3A_108 = arith.constant 0 : i32
        %dma_wait3A_109 = tpu.memref_slice %arg5[%arg0, %dma_wait3A_107, %dma_wait3A_108] : memref<2x10000x128xf32, #tpu.memory_space<hbm>> -> memref<1x16x128xf32, #tpu.memory_space<hbm>>
        %dma_wait3A_110 = tpu.memref_squeeze %dma_wait3A_109 : memref<1x16x128xf32, #tpu.memory_space<hbm>> -> memref<16x128xf32, #tpu.memory_space<hbm>>
        %dma_wait3A_111 = arith.constant 0 : i32
        %dma_wait3A_112 = arith.constant 0 : i32
        %dma_wait3A_113 = tpu.memref_slice %arg10[%dma_wait3A_111, %dma_wait3A_112] : memref<128x128xf32, #tpu.memory_space<vmem>> -> memref<16x128xf32, #tpu.memory_space<vmem>>
        tpu.wait_dma2 semaphore(%run_scoped3A : memref<!tpu.dma_semaphore, #tpu.memory_space<semaphore_mem>>) src(%dma_wait3A_113 : memref<16x128xf32, #tpu.memory_space<vmem>>) dst(%dma_wait3A_110 : memref<16x128xf32, #tpu.memory_space<hbm>>)
        tpu.yield
      }) : () -> ()
    } else {
    }
    return
  }
}

module attributes {stable_mosaic.version = 14 : i64} {
  func.func @_norm_mul_body(%arg0: i32, %arg1: memref<2x2000x1xf32, #tpu.memory_space<vmem>>, %arg2: memref<2000x128xf32, #tpu.memory_space<vmem>>, %arg3: memref<2000x1xf32, #tpu.memory_space<vmem>>, %arg4: memref<2000x128xf32, #tpu.memory_space<vmem>>) attributes {dimension_semantics = [#tpu.dimension_semantics<arbitrary>], iteration_bounds = array<i64: 5>, scalar_prefetch = 0 : i64, scratch_operands = 0 : i64, tpu.core_type = #tpu.core_type<tc>, window_params = [{transform_indices = @transform_0, window_bounds = array<i64: 2, 2000, 1>}, {transform_indices = @transform_1, window_bounds = array<i64: 2000, 128>}, {transform_indices = @transform_2, window_bounds = array<i64: 2000, 1>}, {transform_indices = @transform_3, window_bounds = array<i64: 2000, 128>}]} {
    %get3A = arith.constant 0 : index
    %get3A_0 = arith.constant 0 : index
    %get3A_1 = arith.constant 0 : index
    %get3A_2 = vector.load %arg1[%get3A, %get3A_0, %get3A_1] : memref<2x2000x1xf32, #tpu.memory_space<vmem>>, vector<1x2000x1xf32>
    %get3A_3 = vector.shape_cast %get3A_2 : vector<1x2000x1xf32> to vector<2000x1xf32>
    %get3A_4 = arith.constant 1 : index
    %get3A_5 = arith.constant 0 : index
    %get3A_6 = arith.constant 0 : index
    %get3A_7 = vector.load %arg1[%get3A_4, %get3A_5, %get3A_6] : memref<2x2000x1xf32, #tpu.memory_space<vmem>>, vector<1x2000x1xf32>
    %get3A_8 = vector.shape_cast %get3A_7 : vector<1x2000x1xf32> to vector<2000x1xf32>
    %add3A = arith.addf %get3A_3, %get3A_8 : vector<2000x1xf32>
    %max3A = arith.constant 1.000000e+00 : f32
    %max3A_9 = vector.broadcast %max3A : f32 to vector<2000x1xf32>
    %max3A_10 = arith.maximumf %add3A, %max3A_9 : vector<2000x1xf32>
    %rsqrt3A = math.rsqrt %max3A_10 : vector<2000x1xf32>
    %swap3A = arith.constant 0 : index
    %swap3A_11 = arith.constant 0 : index
    %swap3A_12 = vector.load %arg3[%swap3A, %swap3A_11] : memref<2000x1xf32, #tpu.memory_space<vmem>>, vector<2000x1xf32>
    tpu.vector_store %arg3[%swap3A, %swap3A_11], %rsqrt3A {strides = array<i32>} : memref<2000x1xf32, #tpu.memory_space<vmem>>, vector<2000x1xf32>,
    %get3A_13 = arith.constant 0 : index
    %get3A_14 = arith.constant 0 : index
    %get3A_15 = vector.load %arg2[%get3A_13, %get3A_14] : memref<2000x128xf32, #tpu.memory_space<vmem>>, vector<2000x128xf32>
    %mul3A = vector.broadcast %rsqrt3A : vector<2000x1xf32> to vector<2000x128xf32>
    %mul3A_16 = arith.mulf %get3A_15, %mul3A : vector<2000x128xf32>
    %swap3A_17 = arith.constant 0 : index
    %swap3A_18 = arith.constant 0 : index
    %swap3A_19 = vector.load %arg4[%swap3A_17, %swap3A_18] : memref<2000x128xf32, #tpu.memory_space<vmem>>, vector<2000x128xf32>
    tpu.vector_store %arg4[%swap3A_17, %swap3A_18], %mul3A_16 {strides = array<i32>} : memref<2000x128xf32, #tpu.memory_space<vmem>>, vector<2000x128xf32>,
    return
  }
  func.func @transform_0(%arg0: i32) -> (i32, i32, i32) {
    %c0_i32 = arith.constant 0 : i32
    %c0_i32_0 = arith.constant 0 : i32
    %c0_i32_1 = arith.constant 0 : i32
    return %c0_i32, %arg0, %c0_i32_0 : i32, i32, i32
  }
  func.func @transform_1(%arg0: i32) -> (i32, i32) {
    %c0_i32 = arith.constant 0 : i32
    %c0_i32_0 = arith.constant 0 : i32
    return %arg0, %c0_i32 : i32, i32
  }
  func.func @transform_2(%arg0: i32) -> (i32, i32) {
    %c0_i32 = arith.constant 0 : i32
    %c0_i32_0 = arith.constant 0 : i32
    return %arg0, %c0_i32 : i32, i32
  }
  func.func @transform_3(%arg0: i32) -> (i32, i32) {
    %c0_i32 = arith.constant 0 : i32
    %c0_i32_0 = arith.constant 0 : i32
    return %arg0, %c0_i32 : i32, i32
  }
}

module attributes {stable_mosaic.version = 14 : i64} {
  func.func @_mid_body(%arg0: i32, %arg1: memref<2x2000x128xf32, #tpu.memory_space<vmem>>, %arg2: memref<2000x1xf32, #tpu.memory_space<vmem>>, %arg3: memref<2000x128xf32, #tpu.memory_space<vmem>>) attributes {dimension_semantics = [#tpu.dimension_semantics<arbitrary>], iteration_bounds = array<i64: 5>, scalar_prefetch = 0 : i64, scratch_operands = 0 : i64, tpu.core_type = #tpu.core_type<tc>, window_params = [{transform_indices = @transform_0, window_bounds = array<i64: 2, 2000, 128>}, {transform_indices = @transform_1, window_bounds = array<i64: 2000, 1>}, {transform_indices = @transform_2, window_bounds = array<i64: 2000, 128>}]} {
    %get3A = arith.constant 0 : index
    %get3A_0 = arith.constant 0 : index
    %get3A_1 = vector.load %arg2[%get3A, %get3A_0] : memref<2000x1xf32, #tpu.memory_space<vmem>>, vector<2000x1xf32>
    %get3A_2 = arith.constant 0 : index
    %get3A_3 = arith.constant 0 : index
    %get3A_4 = arith.constant 0 : index
    %get3A_5 = vector.load %arg1[%get3A_2, %get3A_3, %get3A_4] : memref<2x2000x128xf32, #tpu.memory_space<vmem>>, vector<1x2000x128xf32>
    %get3A_6 = vector.shape_cast %get3A_5 : vector<1x2000x128xf32> to vector<2000x128xf32>
    %get3A_7 = arith.constant 1 : index
    %get3A_8 = arith.constant 0 : index
    %get3A_9 = arith.constant 0 : index
    %get3A_10 = vector.load %arg1[%get3A_7, %get3A_8, %get3A_9] : memref<2x2000x128xf32, #tpu.memory_space<vmem>>, vector<1x2000x128xf32>
    %get3A_11 = vector.shape_cast %get3A_10 : vector<1x2000x128xf32> to vector<2000x128xf32>
    %add3A = arith.addf %get3A_6, %get3A_11 : vector<2000x128xf32>
    %mul3A = arith.mulf %get3A_1, %get3A_1 : vector<2000x1xf32>
    %mul3A_12 = vector.broadcast %mul3A : vector<2000x1xf32> to vector<2000x128xf32>
    %mul3A_13 = arith.mulf %add3A, %mul3A_12 : vector<2000x128xf32>
    %swap3A = arith.constant 0 : index
    %swap3A_14 = arith.constant 0 : index
    %swap3A_15 = vector.load %arg3[%swap3A, %swap3A_14] : memref<2000x128xf32, #tpu.memory_space<vmem>>, vector<2000x128xf32>
    tpu.vector_store %arg3[%swap3A, %swap3A_14], %mul3A_13 {strides = array<i32>} : memref<2000x128xf32, #tpu.memory_space<vmem>>, vector<2000x128xf32>,
    return
  }
  func.func @transform_0(%arg0: i32) -> (i32, i32, i32) {
    %c0_i32 = arith.constant 0 : i32
    %c0_i32_0 = arith.constant 0 : i32
    %c0_i32_1 = arith.constant 0 : i32
    return %c0_i32, %arg0, %c0_i32_0 : i32, i32, i32
  }
  func.func @transform_1(%arg0: i32) -> (i32, i32) {
    %c0_i32 = arith.constant 0 : i32
    %c0_i32_0 = arith.constant 0 : i32
    return %arg0, %c0_i32 : i32, i32
  }
  func.func @transform_2(%arg0: i32) -> (i32, i32) {
    %c0_i32 = arith.constant 0 : i32
    %c0_i32_0 = arith.constant 0 : i32
    return %arg0, %c0_i32 : i32, i32
  }
}

module attributes {stable_mosaic.version = 14 : i64} {
  func.func @_fc_body(%arg0: i32, %arg1: memref<2x2000x128xf32, #tpu.memory_space<vmem>>, %arg2: memref<2000x1xf32, #tpu.memory_space<vmem>>, %arg3: memref<128x128xf32, #tpu.memory_space<vmem>>, %arg4: memref<1x128xf32, #tpu.memory_space<vmem>>, %arg5: memref<2000x128xf32, #tpu.memory_space<vmem>>) attributes {dimension_semantics = [#tpu.dimension_semantics<arbitrary>], iteration_bounds = array<i64: 5>, scalar_prefetch = 0 : i64, scratch_operands = 0 : i64, tpu.core_type = #tpu.core_type<tc>, window_params = [{transform_indices = @transform_0, window_bounds = array<i64: 2, 2000, 128>}, {transform_indices = @transform_1, window_bounds = array<i64: 2000, 1>}, {pipeline_mode = #tpu.pipeline_mode<synchronous>, transform_indices = @transform_2, window_bounds = array<i64: 128, 128>}, {pipeline_mode = #tpu.pipeline_mode<synchronous>, transform_indices = @transform_3, window_bounds = array<i64: 1, 128>}, {transform_indices = @transform_4, window_bounds = array<i64: 2000, 128>}]} {
    %get3A = arith.constant 0 : index
    %get3A_0 = arith.constant 0 : index
    %get3A_1 = arith.constant 0 : index
    %get3A_2 = vector.load %arg1[%get3A, %get3A_0, %get3A_1] : memref<2x2000x128xf32, #tpu.memory_space<vmem>>, vector<1x2000x128xf32>
    %get3A_3 = vector.shape_cast %get3A_2 : vector<1x2000x128xf32> to vector<2000x128xf32>
    %get3A_4 = arith.constant 1 : index
    %get3A_5 = arith.constant 0 : index
    %get3A_6 = arith.constant 0 : index
    %get3A_7 = vector.load %arg1[%get3A_4, %get3A_5, %get3A_6] : memref<2x2000x128xf32, #tpu.memory_space<vmem>>, vector<1x2000x128xf32>
    %get3A_8 = vector.shape_cast %get3A_7 : vector<1x2000x128xf32> to vector<2000x128xf32>
    %add3A = arith.addf %get3A_3, %get3A_8 : vector<2000x128xf32>
    %get3A_9 = arith.constant 0 : index
    %get3A_10 = arith.constant 0 : index
    %get3A_11 = vector.load %arg2[%get3A_9, %get3A_10] : memref<2000x1xf32, #tpu.memory_space<vmem>>, vector<2000x1xf32>
    %mul3A = vector.broadcast %get3A_11 : vector<2000x1xf32> to vector<2000x128xf32>
    %mul3A_12 = arith.mulf %add3A, %mul3A : vector<2000x128xf32>
    %get3A_13 = arith.constant 0 : index
    %get3A_14 = arith.constant 0 : index
    %get3A_15 = vector.load %arg3[%get3A_13, %get3A_14] : memref<128x128xf32, #tpu.memory_space<vmem>>, vector<128x128xf32>
    %dot_general3A = arith.constant dense<0.000000e+00> : vector<2000x128xf32>
    %dot_general3A_16 = tpu.matmul %mul3A_12, %get3A_15, %dot_general3A {dimension_numbers = #tpu.dot_dimension_numbers<[1], [0], [0], [1], [0, 0, 1, 1], [], []>, transpose_lhs_hint = false} : vector<2000x128xf32>, vector<128x128xf32>, vector<2000x128xf32> -> vector<2000x128xf32>
    %get3A_17 = arith.constant 0 : index
    %get3A_18 = arith.constant 0 : index
    %get3A_19 = vector.load %arg4[%get3A_17, %get3A_18] : memref<1x128xf32, #tpu.memory_space<vmem>>, vector<1x128xf32>
    %add3A_20 = vector.broadcast %get3A_19 : vector<1x128xf32> to vector<2000x128xf32>
    %add3A_21 = arith.addf %dot_general3A_16, %add3A_20 : vector<2000x128xf32>
    %swap3A = arith.constant 0 : index
    %swap3A_22 = arith.constant 0 : index
    %swap3A_23 = vector.load %arg5[%swap3A, %swap3A_22] : memref<2000x128xf32, #tpu.memory_space<vmem>>, vector<2000x128xf32>
    tpu.vector_store %arg5[%swap3A, %swap3A_22], %add3A_21 {strides = array<i32>} : memref<2000x128xf32, #tpu.memory_space<vmem>>, vector<2000x128xf32>,
    return
  }
  func.func @transform_0(%arg0: i32) -> (i32, i32, i32) {
    %c0_i32 = arith.constant 0 : i32
    %c0_i32_0 = arith.constant 0 : i32
    %c0_i32_1 = arith.constant 0 : i32
    return %c0_i32, %arg0, %c0_i32_0 : i32, i32, i32
  }
  func.func @transform_1(%arg0: i32) -> (i32, i32) {
    %c0_i32 = arith.constant 0 : i32
    %c0_i32_0 = arith.constant 0 : i32
    return %arg0, %c0_i32 : i32, i32
  }
  func.func @transform_2(%arg0: i32) -> (i32, i32) {
    %c0_i32 = arith.constant 0 : i32
    %c0_i32_0 = arith.constant 0 : i32
    %c0_i32_1 = arith.constant 0 : i32
    return %c0_i32, %c0_i32_0 : i32, i32
  }
  func.func @transform_3(%arg0: i32) -> (i32, i32) {
    %c0_i32 = arith.constant 0 : i32
    %c0_i32_0 = arith.constant 0 : i32
    %c0_i32_1 = arith.constant 0 : i32
    return %c0_i32, %c0_i32_0 : i32, i32
  }
  func.func @transform_4(%arg0: i32) -> (i32, i32) {
    %c0_i32 = arith.constant 0 : i32
    %c0_i32_0 = arith.constant 0 : i32
    return %arg0, %c0_i32 : i32, i32
  }
}

</mosaic_0001>

<sc_bundles>
// kernel: kernel.11.cloned.1.call-start
scs
__scs_entry_jumppad:
0x0: {  	(pc) =	sbr.rel $0x88, $3  }
0x1: {  	(tag) =	ssettag $0x0;
	lr =	simm.s32 $0x1  }
0x2: {  	[smem:$0x3F9D] =	sst lr;
	_ =	strace $0xD0000000  }
0x3: {  	_ = 	snop  }
0x4: {  	_ = 	snop  }
0x5: {  	_ = 	snop  }
0x6: {  	_ = 	snop  }
0x7: {  	_ = 	snop  }
__scs_overlays_trampoline_lowered:
0x8: {  	[smem:$0x3FAC] =	sst s0  }
0x9: {  	[smem:$0x3FAD] =	sst s1  }
0xa: {  	[smem:$0x3FAE] =	sst s2  }
0xb: {  	[smem:$0x3FAF] =	sst s3  }
0xc: {  	[smem:$0x3FB0] =	sst s4  }
0xd: {  	[smem:$0x3FB1] =	sst s5  }
0xe: {  	[smem:$0x3FB2] =	sst s6  }
0xf: {  	[smem:$0x3FB3] =	sst s7  }
0x10: {  	[smem:$0x3FB4] =	sst s8  }
0x11: {  	[smem:$0x3FB5] =	sst s9;
	s0 =	simm.s32 @!p0 $0x0  }
0x12: {  	s1 =	sld [smem:$0x3F9B];
	s0 =	simm.s32 @p0 $0x1  }
0x13: {  	[smem:$0x3FB6] =	sst s0;
	s0 =	simm.s32 @!p1 $0x0  }
0x14: {  	s2 =	sld [smem:$0x3F9A];
	s0 =	simm.s32 @p1 $0x1  }
0x15: {  	[smem:$0x3FB7] =	sst s0;
	s0 =	simm.s32 @!p2 $0x0  }
0x16: {  	s3 =	sld [smem:$0x3FDB];
	s0 =	simm.s32 @p2 $0x1  }
0x17: {  	s4 =	simm.s32 $0x1BF5;
	[smem:$0x3FB9] =	sst s0  }
0x18: {  	s0 =	sld [smem:$0x3F9C];
	_ =	swait.ge [sflag:s4], $0x0  }
0x19: {  	s7 =	sld [smem:$0x3F9D]  }
0x1a: {  	s8 =	sadd.s32 $0xFFFFE003, lr  }
0x1b: {  	s9 =	sadd.s32 $0xFFFFFEF7, lr;
	s5 =	simm.s32 $0xFFFFFFFF;
	p2 =	slt.u32 s8, $0xFFFFF086  }
0x1c: {  	p1 =	slt.u32 s9, $0xF7A;
	s5 =	simm.s32 @!p2 $0x0  }
0x1d: {  	s5 =	simm.s32 @p1 $0x1;
	p0 =	seq.s32 s7, s2  }
0x1e: {  	s7 =	smul.u32 @!p0 $0xF7A, s2;
	p2 =	seq.s32 @!p0 s5, $0x0  }
0x1f: {  	s9 =	smul.u32 $0xF7A, s1;
	s8 =	simm.s32 @!p0 $0x1BF5;
	p2 =	por !p2, p0  }
0x20: {  	[sflag:s8] =	ssyncset.s32 @!p0 $0xFFFFF086;
	s6 =	sadd.s32 @!p0 s3, s7;
	s7 =	simm.s32 @!p0 $0x108  }
0x21: {  	s3 =	sadd.s32 s3, s9;
	s6 =	sadd.s32 @!p0 $0x88, s6;
	s7 =	simm.s32 @p2 $0x1082  }
0x22: {  	[simem:s7], [sflag:s8] =	dma.local @!p0 [hbm:s6], $0xF7A  }
0x23: {  	s9 =	sor.u32 $0xD0000000, s2;
	s6 =	simm.s32 $0x108;
	_ =	swait.ge @!p0 [sflag:s8], $0x0  }
0x24: {  	s3 =	sadd.s32 $0x88, s3;
	s6 =	simm.s32 @!p1 $0x1082;
	[sflag:s4] =	ssyncset.s32 $0xFFFFF086  }
0x25: {  	[simem:s6], [sflag:s4] =	dma.local [hbm:s3], $0xF7A  }
0x26: {  	[smem:$0x3F9D] =	sst s1;
	(tag) =	ssettag s2;
	_ =	strace s9  }
0x27: {  	s1 =	sld [smem:$0x3FAD]  }
0x28: {  	s2 =	sld [smem:$0x3FAE]  }
0x29: {  	s4 =	sld [smem:$0x3FB0]  }
0x2a: {  	p0 =	seq.s32 s5, $0x0;
	s5 =	sld [smem:$0x3FB1]  }
0x2b: {  	s6 =	sld [smem:$0x3FB2]  }
0x2c: {  	s7 =	sld [smem:$0x3FB3]  }
0x2d: {  	s3 =	simm.s32 $0x108;
	s8 =	sld [smem:$0x3FB4]  }
0x2e: {  	s3 =	simm.s32 @!p0 $0x1082;
	s9 =	sld [smem:$0x3FB5]  }
0x2f: {  	lr =	sadd.s32 s0, s3;
	s0 =	sld [smem:$0x3FAC]  }
0x30: {  	s3 =	sld [smem:$0x3FAF]  }
0x31: {  	[smem:$0x3FB8] =	sst s10  }
0x32: {  	s10 =	sld [smem:$0x3FB6];
	_ =	sdelay $0x3  }
0x33: {  	p0 =	seq.s32 s10, $0x1;
	s10 =	sld [smem:$0x3FB8];
	_ =	sdelay $0x3  }
0x34: {  	[smem:$0x3FB8] =	sst s10  }
0x35: {  	s10 =	sld [smem:$0x3FB7];
	_ =	sdelay $0x3  }
0x36: {  	p1 =	seq.s32 s10, $0x1;
	s10 =	sld [smem:$0x3FB8];
	_ =	sdelay $0x3  }
0x37: {  	[smem:$0x3FB8] =	sst s10  }
0x38: {  	s10 =	sld [smem:$0x3FB9]  }
0x39: {  	_ = 	snop;
	(pc) =	sbr.ind lr, $3  }
0x3a: {  	_ = 	snop  }
0x3b: {  	_ = 	snop  }
0x3c: {  	p2 =	seq.s32 s10, $0x1;
	s10 =	sld [smem:$0x3FB8]  }
0x3d: {  	_ =	shalt  }
0x3e: {  	_ =	shalt  }
0x3f: {  	_ =	shalt  }
0x40: {  	_ =	shalt  }
0x41: {  	_ =	shalt  }
0x42: {  	_ =	shalt  }
0x43: {  	_ =	shalt  }
0x44: {  	_ =	shalt  }
0x45: {  	_ =	shalt  }
0x46: {  	_ =	shalt  }
0x47: {  	_ =	shalt  }
0x48: {  	_ =	shalt  }
0x49: {  	_ =	shalt  }
0x4a: {  	_ =	shalt  }
0x4b: {  	_ =	shalt  }
0x4c: {  	_ =	shalt  }
0x4d: {  	_ =	shalt  }
0x4e: {  	_ =	shalt  }
0x4f: {  	_ =	shalt  }
0x50: {  	_ =	shalt  }
0x51: {  	_ =	shalt  }
0x52: {  	_ =	shalt  }
0x53: {  	_ =	shalt  }
0x54: {  	_ =	shalt  }
0x55: {  	_ =	shalt  }
0x56: {  	_ =	shalt  }
0x57: {  	_ =	shalt  }
0x58: {  	_ =	shalt  }
0x59: {  	_ =	shalt  }
0x5a: {  	_ =	shalt  }
0x5b: {  	_ =	shalt  }
0x5c: {  	_ =	shalt  }
0x5d: {  	_ =	shalt  }
0x5e: {  	_ =	shalt  }
0x5f: {  	_ =	shalt  }
0x60: {  	_ =	shalt  }
0x61: {  	_ =	shalt  }
0x62: {  	_ =	shalt  }
0x63: {  	_ =	shalt  }
0x64: {  	_ =	shalt  }
0x65: {  	_ =	shalt  }
0x66: {  	_ =	shalt  }
0x67: {  	_ =	shalt  }
0x68: {  	_ =	shalt  }
0x69: {  	_ =	shalt  }
0x6a: {  	_ =	shalt  }
0x6b: {  	_ =	shalt  }
0x6c: {  	_ =	shalt  }
0x6d: {  	_ =	shalt  }
0x6e: {  	_ =	shalt  }
0x6f: {  	_ =	shalt  }
0x70: {  	_ =	shalt  }
0x71: {  	_ =	shalt  }
0x72: {  	_ =	shalt  }
0x73: {  	_ =	shalt  }
0x74: {  	_ =	shalt  }
0x75: {  	_ =	shalt  }
0x76: {  	_ =	shalt  }
0x77: {  	_ =	shalt  }
0x78: {  	_ =	shalt  }
0x79: {  	_ =	shalt  }
0x7a: {  	_ =	shalt  }
0x7b: {  	_ =	shalt  }
0x7c: {  	_ =	shalt  }
0x7d: {  	_ =	shalt  }
0x7e: {  	_ =	shalt  }
0x7f: {  	_ =	shalt  }
0x80: {  	_ =	shalt  }
0x81: {  	_ =	shalt  }
0x82: {  	_ =	shalt  }
0x83: {  	_ =	shalt  }
0x84: {  	_ =	shalt  }
0x85: {  	_ =	shalt  }
0x86: {  	_ =	shalt  }
0x87: {  	_ =	shalt  }
.Lfunc_end0:
.L_simem_size_0:
called_computation.1_lowered:
.L_overlay_start_0:
0x88: {  	s2 =	sld [smem:$0x3FD9]  }
0x89: {  	s3 =	sld [smem:$0x3FFE];
	_ =	sdelay $0x1  }
0x8a: {  	s1 =	srdreg.scid  }
0x8b: {  	s0 =	sand.u32 $0x1, s1  }
0x8c: {  	s17 =	sshll.u32 s0, $0xA;
	s2 =	sadd.s32 s3, s2  }
0x8d: {  	s2 =	sadd.s32 s2, s17  }
0x8e: {  	[smem:$0x3FC4] =	sst s2  }
0x8f: {  	_ = 	snop  }
0x90: {  	s2 =	sld [smem:$0x3FD0];
	(tm) =	ssettm $0x1  }
0x91: {  	s18 =	sld [smem:$0x3FFB];
	_ =	sdelay $0x3  }
0x92: {  	_ =	strace s18  }
0x93: {  	s3 =	sld [smem:$0x3FFC];
	_ =	sdelay $0x3  }
0x94: {  	_ =	strace s3  }
0x95: {  	s3 =	sld [smem:$0x3FFD];
	_ =	sdelay $0x3  }
0x96: {  	_ =	strace s3  }
0x97: {  	_ =	strace $0x8FFFFFFF  }
0x98: {  	s19 =	sld [smem:$0x3FDB];
	_ =	sdelay $0x1  }
0x99: {  	s4 =	simm.s32 $_scs_section_size  }
0x9a: {  	s5 =	simm.s32 $_size__tile_overlayer_lowered;
	s6 =	simm.s32 $_tile_overlayer_lowered  }
0x9b: {  	s22 =	simm.s32 $0x1BFF;
	s21 =	sshll.u32 s6, $0x1;
	s3 =	sadd.s32 s4, s19  }
0x9c: {  	s7 =	simm.s32 $0x0;
	s20 =	sshll.u32 s5, $0x1;
	s5 =	sadd.s32 s21, s3  }
0x9d: {  	[timem:s7], [sflag:s22] =	dma.local [hbm:s5], s20  }
0x9e: {  	_ =	swait.ge [sflag:s22], s20  }
0x9f: {  	s4 =	ssub.s32 $0x0, s20;
	[sflag:s22] =	ssyncset.done $0x0  }
0xa0: {  	[sflag:s22] =	ssyncadd.s32 s4;
	_ =	sdelay $0x1  }
0xa1: {  	s23 =	simm.s32 $0x1B8B  }
0xa2: {  	_ =	swait.ge [sflag:s23], $0x1  }
0xa3: {  	[sflag:s23] =	ssyncset.done $0x0  }
0xa4: {  	s25 =	simm.s32 $0x1B8E;
	s24 =	sld [smem:$0x3FFE];
	[sflag:s23] =	ssyncadd.s32 $0xFFFFFFFF  }
0xa5: {  	s26 =	simm.s32 $execute0_lowered;
	[smem:$0x3FD2] =	sst s25  }
0xa6: {  	s5 =	sshll.u32 s26, $0x1;
	_ =	strace $0x80000049;
	[dreg:$0x1] =	wrdreg $0xFFFFFFFF  }
0xa7: {  	s28 =	simm.s32 $_size_execute0_lowered;
	s3 =	sadd.s32 s3, s5;
	[dreg:$0x0] =	wrdreg $0x0  }
0xa8: {  	s5 =	sshll.u32 s28, $0x1;
	[dreg:$0x2] =	wrdreg s3  }
0xa9: {  	[dreg:$0x3] =	wrdreg s5  }
0xaa: {  	[dreg:$0x4] =	wrdreg $0xC0  }
0xab: {  	_ =	task [dreg:s7], $0x5FFFF  }
0xac: {  	[dreg:$0x1] =	wrdreg $0xFFFFFFFF  }
0xad: {  	[dreg:$0x0] =	wrdreg $0x60  }
0xae: {  	[dreg:$0x2] =	wrdreg s2  }
0xaf: {  	[dreg:$0x3] =	wrdreg s24  }
0xb0: {  	[dreg:$0x4] =	wrdreg $0xA9000  }
0xb1: {  	[dreg:$0x5] =	wrdreg $0x9  }
0xb2: {  	_ =	task.clear_ibuf [dreg:s7], $0x6FFFF;
	_ =	strace $0x90000049  }
0xb3: {  	s29 =	simm.s32 $0x9;
	_ =	strace $0x8000004B  }
0xb4: {  	_ =	swait.ge [sflag:s29], $0x1  }
0xb5: {  	[sflag:s29] =	ssyncadd.s32 $0xFFFFFFFF  }
0xb6: {  	_ =	strace $0x9000004B  }
0xb7: {  	_ =	sfence  }
0xb8: {  	s30 =	sld [smem:$0x0];
	_ =	sdelay $0x2  }
0xb9: {  	s31 =	sshll.u32 s1, $0xD;
	s1 =	sshrl.u32 s1, $0x2  }
0xba: {  	s3 =	sand.u32 $0x4000, s31;
	s1 =	sadd.s32 s1, s30  }
0xbb: {  	s0 =	sor.u32 s3, s0;
	s1 =	sshll.u32 s1, $0x11  }
0xbc: {  	s0 =	sor.u32 s1, s0  }
0xbd: {  	s0 =	sadd.s32 $0x8F2B, s0  }
0xbe: {  	[sflag:s0] =	ssyncadd.remote.s32 $0x1  }
0xbf: {  	_ =	sfence.sel $0xFFFF  }
0xc0: {  	[dreg:$0x0] =	wrdreg $0xFFFFFFFF;
	(pc) =	sbr.abs _section_cstart, $3  }
0xc1: {  	[dreg:$0x1] =	wrdreg $0xFFFFFFFF  }
0xc2: {  	_ =	task.clear_ibuf [dreg:s7], $0x2FFFF;
	_ =	strace $0x9FFFFFFF  }
0xc3: {  	(tm) =	ssettm $0x7FFFFFFF  }
tec
execute0_lowered:
.L_overlay_start_1:
0x0: {  	(tag) =	ssettag $0x1  }
0x1: {  	s1 =	rddreg [dreg:$0x0]  }
0x2: {  	s0 =	rddreg [dreg:$0x1]  }
0x3: {  	s2 =	rddreg [dreg:$0x2]  }
0x4: {  	s3 =	srdreg.scid;
	s4 =	simm.s32 $0x0;
	s12 =	stileid.u32  }
0x5: {  	s28 =	simm.s32 $0x2;
	s29 =	simm.s32 $0x80;
	s30 =	simm.s32 $0x3  }
0x6: {  	s31 =	simm.s32 $0x6900;
	s3 =	sand.u32 $0x1, s3;
	s8 =	smul.u32 $0x4E000, s12  }
0x7: {  	[smem:$0x7FF] =	sst s4;
	s13 =	sadd.s32 $0xBA00, s0;
	s15 =	smul.u32 $0x13800, s12  }
0x8: {  	s11 =	sadd.s32 $0x138000, s2;
	p0 =	sne.s32 s12, $0xF;
	s5 =	sshll.u32 s3, $0x4  }
0x9: {  	_ =	strace $0x8000004A;
	s7 =	ssub.s32 $0x2, s3;
	s20 =	smul.u32 $0x138800, s3  }
0xa: {  	s3 =	smul.u32 $0x28000, s3;
	s5 =	sor.u32 s12, s5;
	s9 =	sshrl.u32 s7, $0x1  }
0xb: {  	s23 =	sshrl.u32 s8, $0x2;
	s16 =	sadd.s32 $0x4000, s15;
	s17 =	sadd.s32 $0x8000, s15  }
0xc: {  	s18 =	sadd.s32 $0xC000, s15;
	s19 =	sadd.s32 $0x10000, s15;
	s6 =	smul.u32 $0x500, s5  }
0xd: {  	s14 =	ssub.s32 s7, s9;
	s5 =	smul.u32 $0x2800, s5;
	s7 =	sadd.s32 s16, s2  }
0xe: {  	s8 =	sadd.s32 s17, s2;
	s9 =	sadd.s32 s18, s2;
	s10 =	sadd.s32 s19, s2  }
0xf: {  	s24 =	sadd.s32 s15, s20;
	s25 =	sadd.s32 s20, s16;
	s26 =	sadd.s32 s20, s17  }
0x10: {  	s21 =	sadd.s32 s20, s18;
	s22 =	sadd.s32 s20, s19;
	s15 =	sshrl.u32 s25, $0x3  }
0x11: {  	s17 =	sshrl.u32 s26, $0x3;
	s25 =	sshrl.u32 s20, $0x3;
	s6 =	sadd.s32 s6, s0  }
0x12: {  	s20 =	smax.u32 s14, $0x1;
	s5 =	sshrl.u32 s5, $0x3;
	s6 =	sadd.s32 $0x1A00, s6  }
0x13: {  	s0 =	sadd.s32 $0x15A00, s0;
	s5 =	sadd.s32 s13, s5;
	[dreg:$0x4] =	wrdreg s6  }
0x14: {  	s15 =	sadd.s32 s0, s15;
	s6 =	sadd.s32 s23, s2;
	[dreg:$0x5] =	wrdreg s5  }
0x15: {  	s5 =	sadd.s32 $0x10, s5;
	[dreg:$0x8] =	wrdreg s15;
	s23 =	smul.u32 $0x2800, s12  }
0x16: {  	[dreg:$0x6] =	wrdreg s5;
	s5 =	sshrl.u32 s24, $0x3;
	s24 =	sshrl.u32 s22, $0x3  }
0x17: {  	s5 =	sadd.s32 s0, s5;
	s18 =	sadd.s32 s0, s24;
	s3 =	sadd.s32 s23, s3  }
0x18: {  	s24 =	simm.s32 $0x2900;
	s23 =	simm.s32 $0x6;
	[dreg:$0x7] =	wrdreg s5  }
0x19: {  	s5 =	sadd.s32 s0, s17;
	s26 =	sor.u32 $0x180, s3;
	s3 =	sor.u32 $0x100, s3  }
0x1a: {  	[dreg:$0x9] =	wrdreg s5;
	s5 =	sshrl.u32 s21, $0x3;
	s3 =	sshrl.u32 s3, $0x3  }
0x1b: {  	s17 =	sadd.s32 s0, s5;
	s0 =	sadd.s32 s0, s25;
	s22 =	sadd.s32 s3, s13  }
0x1c: {  	s25 =	simm.s32 $0x8;
	s3 =	simm.s32 $0x5;
	s5 =	simm.s32 $0x7  }
0x1d: {  	s19 =	sadd.s32 $0x27000, s0;
	s0 =	sshrl.u32 s26, $0x3;
	s26 =	simm.s32 $0x1  }
0x1e: {  	v0 =	vimm.f32 $0.0e+00;
	s21 =	sadd.s32 s0, s13;
	s0 =	simm.s32 $0x4;
	s13 =	simm.s32 $0x0  }
.LBB2_1:
0x1f: {  	s12 =	rddreg [dreg:$0x4];
	s14 =	simm.s32 $0x100  }
0x20: {  	[tilespmem:s14], [sflag:$0x1] =	stream.linear.gather [hbm4b:s12+s4], $0x2800, $0x38;
	[tilespmem:$0x1E980] =	vst v63  }
0x21: {  	s15 =	simm.s32 $0x200;
	s14 =	simm.s32 $0x0  }
.LBB2_2:
0x22: {  	p1 =	sne.s32 s15, $0xFE00;
	[tilespmem:s14+$0x2970] =	vst v0  }
0x23: {  	[tilespmem:s14+$0x2900] =	vst v0  }
0x24: {  	[tilespmem:s14+$0x2910] =	vst v0  }
.Ltmp0:
0x25: {  	[tilespmem:s14+$0x2920] =	vst v0;
	(pc) =	sbr.rel @p1 .LBB2_2-.Ltmp0, $4  }
0x26: {  	[tilespmem:s14+$0x2930] =	vst v0  }
0x27: {  	[tilespmem:s14+$0x2940] =	vst v0  }
0x28: {  	[tilespmem:s14+$0x2950] =	vst v0  }
0x29: {  	[tilespmem:s14+$0x2960] =	vst v0;
	s14 =	sshra.s32 s15, $0x2;
	s15 =	sadd.s32 $0x200, s15  }
0x2a: {  	[tilespmem:s14+$0x2970] =	vst v0  }
0x2b: {  	[tilespmem:s14+$0x2900] =	vst v0  }
0x2c: {  	[tilespmem:s14+$0x2910] =	vst v0  }
0x2d: {  	[tilespmem:s14+$0x2920] =	vst v0  }
0x2e: {  	[tilespmem:s14+$0x2930] =	vst v0  }
0x2f: {  	[tilespmem:s14+$0x2940] =	vst v0  }
0x30: {  	[tilespmem:s14+$0x2950] =	vst v0  }
0x31: {  	[tilespmem:s14+$0x2960] =	vst v0  }
0x32: {  	[spmem:s6] =	stream.linear.scatter [tilespmem:s24], [sflag:$0x8], $0x4000, $0x38;
	[tilespmem:$0x1E980] =	vst v63  }
0x33: {  	_ =	swait.ge [sflag:s25], $0x4000  }
0x34: {  	[sflag:s25] =	ssyncset.done $0x0  }
0x35: {  	[sflag:s25] =	ssyncadd.s32 $0xFFFFC000  }
0x36: {  	[spmem:s7] =	stream.linear.scatter [tilespmem:s24], [sflag:$0x8], $0x4000, $0x38;
	[tilespmem:$0x1E980] =	vst v63  }
0x37: {  	_ =	swait.ge [sflag:s25], $0x4000  }
0x38: {  	[sflag:s25] =	ssyncset.done $0x0  }
0x39: {  	[sflag:s25] =	ssyncadd.s32 $0xFFFFC000  }
0x3a: {  	[spmem:s8] =	stream.linear.scatter [tilespmem:s24], [sflag:$0x8], $0x4000, $0x38;
	[tilespmem:$0x1E980] =	vst v63  }
0x3b: {  	_ =	swait.ge [sflag:s25], $0x4000  }
0x3c: {  	[sflag:s25] =	ssyncset.done $0x0  }
0x3d: {  	[sflag:s25] =	ssyncadd.s32 $0xFFFFC000  }
0x3e: {  	[spmem:s9] =	stream.linear.scatter [tilespmem:s24], [sflag:$0x8], $0x4000, $0x38;
	[tilespmem:$0x1E980] =	vst v63  }
0x3f: {  	_ =	swait.ge [sflag:s25], $0x4000  }
0x40: {  	[sflag:s25] =	ssyncset.done $0x0  }
0x41: {  	[sflag:s25] =	ssyncadd.s32 $0xFFFFC000  }
0x42: {  	[spmem:s10] =	stream.linear.scatter [tilespmem:s24], [sflag:$0x8], $0x3800, $0x38;
	[tilespmem:$0x1E980] =	vst v63  }
0x43: {  	_ =	swait.ge [sflag:s25], $0x3800  }
0x44: {  	[sflag:s25] =	ssyncset.done $0x0  }
0x45: {  	s14 =	simm.s32 @!p0 $0x2900;
	[sflag:s25] =	ssyncadd.s32 $0xFFFFC800  }
0x46: {  	[spmem:s11] =	stream.linear.scatter @!p0 [tilespmem:s14], [sflag:$0x8], $0x800, $0x38;
	[tilespmem:$0x1E980] =	vst v63  }
0x47: {  	s14 =	simm.s32 @!p0 $0x8  }
0x48: {  	_ =	swait.ge @!p0 [sflag:s14], $0x800  }
0x49: {  	[sflag:s14] =	ssyncset.done @!p0 $0x0  }
0x4a: {  	[sflag:s14] =	ssyncadd.s32 @!p0 $0xFFFFF800  }
0x4b: {  	_ =	swait.ge [sflag:s26], $0x2800  }
0x4c: {  	[sflag:s26] =	ssyncset.done $0x0  }
0x4d: {  	[sflag:s26] =	ssyncadd.s32 $0xFFFFD800  }
0x4e: {  	[bflag:$0x0] =	sbarrier.arrive $0xFFFF  }
0x4f: {  	s15 =	simm.s32 $0x0;
	s12 =	rddreg [dreg:$0x5]  }
0x50: {  	[tilespmem:s15], [sflag:$0x2] =	stream.linear.gather [hbm4b:s12+s15], $0x80, $0x38;
	[tilespmem:$0x1E980] =	vst v63  }
0x51: {  	_ =	swait.ge [sflag:s28], $0x80  }
0x52: {  	[sflag:s28] =	ssyncset.done $0x0  }
0x53: {  	[sflag:s28] =	ssyncadd.s32 $0xFFFFFF80  }
0x54: {  	[tilespmem:s24], [sflag:$0x4] =	stream.indirect.gather [hbm4b:s1+s29], $0x80, s15, s29, $0xb8;
	[tilespmem:$0x1E980] =	vst v63  }
0x55: {  	s16 =	rddreg [dreg:$0x6]  }
0x56: {  	[tilespmem:s29], [sflag:$0x3] =	stream.linear.gather [hbm4b:s16+s15], $0x80, $0x38;
	[tilespmem:$0x1E980] =	vst v63  }
0x57: {  	_ =	swait.ge [sflag:s30], $0x80  }
0x58: {  	[sflag:s30] =	ssyncset.done $0x0  }
0x59: {  	[sflag:s30] =	ssyncadd.s32 $0xFFFFFF80  }
0x5a: {  	[tilespmem:s31], [sflag:$0x5] =	stream.indirect.gather [hbm4b:s1+s29], $0x80, s29, s29, $0xb8;
	[tilespmem:$0x1E980] =	vst v63  }
0x5b: {  	_ =	swait.ge [sflag:s0], $0x4000  }
0x5c: {  	[sflag:s0] =	ssyncset.done $0x0  }
0x5d: {  	s15 =	simm.s32 $0x100;
	[sflag:s0] =	ssyncadd.s32 $0xFFFFC000  }
0x5e: {  	[spmem:s2] =	stream.indirect.scatter.add.f32 [tilespmem:s24], [sflag:$0x6], $0x80, s15, s29, $0xb8;
	[tilespmem:$0x1E980] =	vst v63  }
0x5f: {  	s16 =	sadd.s32 $0x0, s22  }
0x60: {  	[tilespmem:s4], [sflag:$0x2] =	stream.linear.gather [hbm4b:s16+s4], $0x80, $0x38;
	[tilespmem:$0x1E980] =	vst v63  }
0x61: {  	_ =	swait.ge [sflag:s3], $0x4000  }
0x62: {  	[sflag:s3] =	ssyncset.done $0x0  }
0x63: {  	s14 =	simm.s32 $0x180;
	[sflag:s3] =	ssyncadd.s32 $0xFFFFC000  }
0x64: {  	[spmem:s2] =	stream.indirect.scatter.add.f32 [tilespmem:s31], [sflag:$0x7], $0x80, s14, s29, $0xb8;
	[tilespmem:$0x1E980] =	vst v63  }
0x65: {  	_ =	swait.ge [sflag:s23], $0x4000  }
0x66: {  	[sflag:s23] =	ssyncset.done $0x0  }
0x67: {  	[sflag:s23] =	ssyncadd.s32 $0xFFFFC000  }
0x68: {  	_ =	swait.ge [sflag:s28], $0x80  }
0x69: {  	[sflag:s28] =	ssyncset.done $0x0  }
0x6a: {  	[sflag:s28] =	ssyncadd.s32 $0xFFFFFF80  }
0x6b: {  	[tilespmem:s24], [sflag:$0x4] =	stream.indirect.gather [hbm4b:s1+s29], $0x80, s4, s29, $0xb8;
	[tilespmem:$0x1E980] =	vst v63  }
0x6c: {  	s15 =	sadd.s32 $0x0, s21  }
0x6d: {  	[tilespmem:s29], [sflag:$0x3] =	stream.linear.gather [hbm4b:s15+s4], $0x80, $0x38;
	[tilespmem:$0x1E980] =	vst v63  }
0x6e: {  	_ =	swait.ge [sflag:s5], $0x4000  }
0x6f: {  	s15 =	simm.s32 $0x20;
	[sflag:s5] =	ssyncset.done $0x0  }
.LBB2_4:
0x70: {  	p1 =	sne.s32 s15, $0x4C0;
	[sflag:s5] =	ssyncadd.s32 $0xFFFFC000;
	s14 =	sadd.s32 $0x100, s14  }
0x71: {  	s12 =	smov.u32 s15;
	s15 =	sadd.s32 $0x20, s15  }
0x72: {  	_ =	swait.ge [sflag:s30], $0x80  }
0x73: {  	[sflag:s30] =	ssyncset.done $0x0  }
0x74: {  	[sflag:s30] =	ssyncadd.s32 $0xFFFFFF80  }
0x75: {  	[tilespmem:s31], [sflag:$0x5] =	stream.indirect.gather [hbm4b:s1+s29], $0x80, s29, s29, $0xb8;
	[tilespmem:$0x1E980] =	vst v63  }
0x76: {  	_ =	swait.ge [sflag:s0], $0x4000  }
0x77: {  	[sflag:s0] =	ssyncset.done $0x0  }
0x78: {  	s16 =	sadd.s32 $0xFFFFFF80, s14;
	[sflag:s0] =	ssyncadd.s32 $0xFFFFC000  }
0x79: {  	[spmem:s2] =	stream.indirect.scatter.add.f32 [tilespmem:s24], [sflag:$0x6], $0x80, s16, s29, $0xb8;
	[tilespmem:$0x1E980] =	vst v63  }
0x7a: {  	s16 =	sadd.s32 s12, s22  }
0x7b: {  	[tilespmem:s4], [sflag:$0x2] =	stream.linear.gather [hbm4b:s16+s4], $0x80, $0x38;
	[tilespmem:$0x1E980] =	vst v63  }
0x7c: {  	_ =	swait.ge [sflag:s3], $0x4000  }
0x7d: {  	[sflag:s3] =	ssyncset.done $0x0  }
0x7e: {  	[sflag:s3] =	ssyncadd.s32 $0xFFFFC000  }
0x7f: {  	[spmem:s2] =	stream.indirect.scatter.add.f32 [tilespmem:s31], [sflag:$0x7], $0x80, s14, s29, $0xb8;
	[tilespmem:$0x1E980] =	vst v63  }
0x80: {  	_ =	swait.ge [sflag:s23], $0x4000  }
0x81: {  	[sflag:s23] =	ssyncset.done $0x0  }
0x82: {  	[sflag:s23] =	ssyncadd.s32 $0xFFFFC000  }
0x83: {  	_ =	swait.ge [sflag:s28], $0x80  }
0x84: {  	[sflag:s28] =	ssyncset.done $0x0  }
0x85: {  	[sflag:s28] =	ssyncadd.s32 $0xFFFFFF80  }
0x86: {  	[tilespmem:s24], [sflag:$0x4] =	stream.indirect.gather [hbm4b:s1+s29], $0x80, s4, s29, $0xb8;
	[tilespmem:$0x1E980] =	vst v63  }
.Ltmp1:
0x87: {  	_ = 	snop;
	(pc) =	sbr.rel @p1 .LBB2_4-.Ltmp1, $4  }
0x88: {  	s12 =	sadd.s32 s12, s21  }
0x89: {  	[tilespmem:s29], [sflag:$0x3] =	stream.linear.gather [hbm4b:s12+s4], $0x80, $0x38;
	[tilespmem:$0x1E980] =	vst v63  }
0x8a: {  	_ =	swait.ge [sflag:s5], $0x4000  }
0x8b: {  	[sflag:s5] =	ssyncset.done $0x0  }
0x8c: {  	[sflag:s5] =	ssyncadd.s32 $0xFFFFC000  }
0x8d: {  	_ =	swait.ge [sflag:s30], $0x80  }
0x8e: {  	[sflag:s30] =	ssyncset.done $0x0  }
0x8f: {  	[sflag:s30] =	ssyncadd.s32 $0xFFFFFF80  }
0x90: {  	[tilespmem:s31], [sflag:$0x5] =	stream.indirect.gather [hbm4b:s1+s29], $0x80, s29, s29, $0xb8;
	[tilespmem:$0x1E980] =	vst v63  }
0x91: {  	_ =	swait.ge [sflag:s0], $0x4000  }
0x92: {  	[sflag:s0] =	ssyncset.done $0x0  }
0x93: {  	s12 =	simm.s32 $0x2800;
	[sflag:s0] =	ssyncadd.s32 $0xFFFFC000  }
0x94: {  	[spmem:s2] =	stream.indirect.scatter.add.f32 [tilespmem:s24], [sflag:$0x6], $0x80, s12, s29, $0xb8;
	[tilespmem:$0x1E980] =	vst v63  }
0x95: {  	_ =	swait.ge [sflag:s3], $0x4000  }
0x96: {  	[sflag:s3] =	ssyncset.done $0x0  }
0x97: {  	s16 =	simm.s32 $0x2880;
	[sflag:s3] =	ssyncadd.s32 $0xFFFFC000  }
0x98: {  	[spmem:s2] =	stream.indirect.scatter.add.f32 [tilespmem:s31], [sflag:$0x7], $0x80, s16, s29, $0xb8;
	[tilespmem:$0x1E980] =	vst v63  }
0x99: {  	_ =	swait.ge [sflag:s5], $0x4000  }
0x9a: {  	[sflag:s5] =	ssyncset.done $0x0  }
0x9b: {  	[sflag:s5] =	ssyncadd.s32 $0xFFFFC000  }
0x9c: {  	_ =	swait.ge [sflag:s23], $0x4000  }
0x9d: {  	[sflag:s23] =	ssyncset.done $0x0  }
0x9e: {  	[sflag:s23] =	ssyncadd.s32 $0xFFFFC000  }
0x9f: {  	[bflag:$0x0] =	sbarrier.arrive $0xFFFF  }
0xa0: {  	[tilespmem:s24], [sflag:$0x8] =	stream.linear.gather [spmem:s6], $0x4000, $0x38;
	[tilespmem:$0x1E980] =	vst v63  }
0xa1: {  	_ =	swait.ge [sflag:s25], $0x4000  }
0xa2: {  	[sflag:s25] =	ssyncset.done $0x0  }
0xa3: {  	s14 =	rddreg [dreg:$0x7];
	[sflag:s25] =	ssyncadd.s32 $0xFFFFC000  }
0xa4: {  	[hbm4b:s14+s4] =	stream.linear.scatter [tilespmem:s24], [sflag:$0x8], $0x4000, $0x38;
	[tilespmem:$0x1E980] =	vst v63  }
0xa5: {  	_ =	swait.ge [sflag:s25], $0x4000  }
0xa6: {  	[sflag:s25] =	ssyncset.done $0x0  }
0xa7: {  	[sflag:s25] =	ssyncadd.s32 $0xFFFFC000  }
0xa8: {  	[tilespmem:s24], [sflag:$0x8] =	stream.linear.gather [spmem:s7], $0x4000, $0x38;
	[tilespmem:$0x1E980] =	vst v63  }
0xa9: {  	_ =	swait.ge [sflag:s25], $0x4000  }
0xaa: {  	[sflag:s25] =	ssyncset.done $0x0  }
0xab: {  	s15 =	rddreg [dreg:$0x8];
	[sflag:s25] =	ssyncadd.s32 $0xFFFFC000  }
0xac: {  	[hbm4b:s15+s4] =	stream.linear.scatter [tilespmem:s24], [sflag:$0x8], $0x4000, $0x38;
	[tilespmem:$0x1E980] =	vst v63  }
0xad: {  	_ =	swait.ge [sflag:s25], $0x4000  }
0xae: {  	[sflag:s25] =	ssyncset.done $0x0  }
0xaf: {  	[sflag:s25] =	ssyncadd.s32 $0xFFFFC000  }
0xb0: {  	[tilespmem:s24], [sflag:$0x8] =	stream.linear.gather [spmem:s8], $0x4000, $0x38;
	[tilespmem:$0x1E980] =	vst v63  }
0xb1: {  	_ =	swait.ge [sflag:s25], $0x4000  }
0xb2: {  	[sflag:s25] =	ssyncset.done $0x0  }
0xb3: {  	s16 =	rddreg [dreg:$0x9];
	[sflag:s25] =	ssyncadd.s32 $0xFFFFC000  }
0xb4: {  	[hbm4b:s16+s4] =	stream.linear.scatter [tilespmem:s24], [sflag:$0x8], $0x4000, $0x38;
	[tilespmem:$0x1E980] =	vst v63  }
0xb5: {  	_ =	swait.ge [sflag:s25], $0x4000  }
0xb6: {  	[sflag:s25] =	ssyncset.done $0x0  }
0xb7: {  	[sflag:s25] =	ssyncadd.s32 $0xFFFFC000  }
0xb8: {  	[tilespmem:s24], [sflag:$0x8] =	stream.linear.gather [spmem:s9], $0x4000, $0x38;
	[tilespmem:$0x1E980] =	vst v63  }
0xb9: {  	_ =	swait.ge [sflag:s25], $0x4000  }
0xba: {  	[sflag:s25] =	ssyncset.done $0x0  }
0xbb: {  	[sflag:s25] =	ssyncadd.s32 $0xFFFFC000  }
0xbc: {  	[hbm4b:s17+s4] =	stream.linear.scatter [tilespmem:s24], [sflag:$0x8], $0x4000, $0x38;
	[tilespmem:$0x1E980] =	vst v63  }
0xbd: {  	_ =	swait.ge [sflag:s25], $0x4000  }
0xbe: {  	[sflag:s25] =	ssyncset.done $0x0  }
0xbf: {  	[sflag:s25] =	ssyncadd.s32 $0xFFFFC000  }
0xc0: {  	[tilespmem:s24], [sflag:$0x8] =	stream.linear.gather [spmem:s10], $0x3800, $0x38;
	[tilespmem:$0x1E980] =	vst v63  }
0xc1: {  	_ =	swait.ge [sflag:s25], $0x3800  }
0xc2: {  	[sflag:s25] =	ssyncset.done $0x0  }
0xc3: {  	[sflag:s25] =	ssyncadd.s32 $0xFFFFC800  }
0xc4: {  	[hbm4b:s18+s4] =	stream.linear.scatter [tilespmem:s24], [sflag:$0x8], $0x3800, $0x38;
	[tilespmem:$0x1E980] =	vst v63  }
0xc5: {  	_ =	swait.ge [sflag:s25], $0x3800  }
0xc6: {  	[sflag:s25] =	ssyncset.done $0x0  }
0xc7: {  	s12 =	simm.s32 @!p0 $0x6900;
	s14 =	simm.s32 @!p0 $0x8;
	[sflag:s25] =	ssyncadd.s32 $0xFFFFC800  }
0xc8: {  	[tilespmem:s12], [sflag:$0x8] =	stream.linear.gather @!p0 [spmem:s11], $0x800, $0x38;
	[tilespmem:$0x1E980] =	vst v63  }
0xc9: {  	s13 =	sadd.s32 $0x1, s13;
	_ =	swait.ge @!p0 [sflag:s14], $0x800  }
0xca: {  	p1 =	sne.s32 s13, s20;
	[sflag:s14] =	ssyncset.done @!p0 $0x0  }
.Ltmp2:
0xcb: {  	s15 =	simm.s32 @!p0 $0x0;
	[sflag:s14] =	ssyncadd.s32 @!p0 $0xFFFFF800;
	(pc) =	sbr.rel @p1 .LBB2_1-.Ltmp2, $4  }
0xcc: {  	[hbm4b:s19+s15] =	stream.linear.scatter @!p0 [tilespmem:s12], [sflag:$0x8], $0x800, $0x38;
	[tilespmem:$0x1E980] =	vst v63  }
0xcd: {  	_ =	swait.ge @!p0 [sflag:s14], $0x800  }
0xce: {  	[sflag:s14] =	ssyncset.done @!p0 $0x0  }
0xcf: {  	[sflag:s14] =	ssyncadd.s32 @!p0 $0xFFFFF800  }
0xd0: {  	_ =	sfence.sel $0x180000  }
0xd1: {  	[bflag:$0x0] =	sbarrier.arrive $0xFFFF  }
0xd2: {  	_ =	strace $0x9000004A  }
0xd3: {  	s0 =	stileid.u32;
	[bflag:$0x2] =	sbarrier.arrive $0xFFFF  }
0xd4: {  	p0 =	sne.s32 s0, $0x0;
	s0 =	rddreg [dreg:$0x3]  }
0xd5: {  	s0 =	sadd.s32 @!p0 $0x100000, s0  }
0xd6: {  	[sflag:s0] =	ssyncadd.tile.s32 @!p0 $0x1;
	_ =	shalt  }
.Lfunc_end2:
_tile_overlayer_lowered:
.L_overlay_start_2:
0xd7: {  	(tag) =	ssettag $0x2  }
0xd8: {  	s0 =	rddreg [dreg:$0x0];
	s2 =	stileid.u32  }
0xd9: {  	s1 =	rddreg [dreg:$0x1];
	p0 =	sne.s32 s2, $0x0  }
0xda: {  	s3 =	rddreg [dreg:$0x2];
	[bflag:$0x3] =	sbarrier.arrive $0xFFFF;
	s2 =	simm.s32 @!p0 $0x1C08  }
0xdb: {  	[timem:s3], [sflag:s2] =	dma.local @!p0 [hbm:s0], s1  }
0xdc: {  	s0 =	simm.s32 @!p0 $0x8  }
0xdd: {  	_ =	swait.ge @!p0 [sflag:s0], s1  }
0xde: {  	s1 =	ssub.s32 @!p0 $0x0, s1;
	[sflag:s0] =	ssyncset.done @!p0 $0x0  }
0xdf: {  	[sflag:s0] =	ssyncadd.s32 @!p0 s1  }
0xe0: {  	[bflag:$0x3] =	sbarrier.arrive $0xFFFF  }
0xe1: {  	_ =	shalt  }

// kernel: kernel.14.cloned.1.call-start
scs
__scs_entry_jumppad:
0x0: {  	(pc) =	sbr.rel $0x88, $3  }
0x1: {  	(tag) =	ssettag $0x0;
	lr =	simm.s32 $0x1  }
0x2: {  	[smem:$0x3F9D] =	sst lr;
	_ =	strace $0xD0000000  }
0x3: {  	_ = 	snop  }
0x4: {  	_ = 	snop  }
0x5: {  	_ = 	snop  }
0x6: {  	_ = 	snop  }
0x7: {  	_ = 	snop  }
__scs_overlays_trampoline_lowered:
0x8: {  	[smem:$0x3FAC] =	sst s0  }
0x9: {  	[smem:$0x3FAD] =	sst s1  }
0xa: {  	[smem:$0x3FAE] =	sst s2  }
0xb: {  	[smem:$0x3FAF] =	sst s3  }
0xc: {  	[smem:$0x3FB0] =	sst s4  }
0xd: {  	[smem:$0x3FB1] =	sst s5  }
0xe: {  	[smem:$0x3FB2] =	sst s6  }
0xf: {  	[smem:$0x3FB3] =	sst s7  }
0x10: {  	[smem:$0x3FB4] =	sst s8  }
0x11: {  	[smem:$0x3FB5] =	sst s9;
	s0 =	simm.s32 @!p0 $0x0  }
0x12: {  	s1 =	sld [smem:$0x3F9B];
	s0 =	simm.s32 @p0 $0x1  }
0x13: {  	[smem:$0x3FB6] =	sst s0;
	s0 =	simm.s32 @!p1 $0x0  }
0x14: {  	s2 =	sld [smem:$0x3F9A];
	s0 =	simm.s32 @p1 $0x1  }
0x15: {  	[smem:$0x3FB7] =	sst s0;
	s0 =	simm.s32 @!p2 $0x0  }
0x16: {  	s3 =	sld [smem:$0x3FDB];
	s0 =	simm.s32 @p2 $0x1  }
0x17: {  	s4 =	simm.s32 $0x1BF5;
	[smem:$0x3FB9] =	sst s0  }
0x18: {  	s0 =	sld [smem:$0x3F9C];
	_ =	swait.ge [sflag:s4], $0x0  }
0x19: {  	s7 =	sld [smem:$0x3F9D]  }
0x1a: {  	s8 =	sadd.s32 $0xFFFFE003, lr  }
0x1b: {  	s9 =	sadd.s32 $0xFFFFFEF7, lr;
	s5 =	simm.s32 $0xFFFFFFFF;
	p2 =	slt.u32 s8, $0xFFFFF086  }
0x1c: {  	p1 =	slt.u32 s9, $0xF7A;
	s5 =	simm.s32 @!p2 $0x0  }
0x1d: {  	s5 =	simm.s32 @p1 $0x1;
	p0 =	seq.s32 s7, s2  }
0x1e: {  	s7 =	smul.u32 @!p0 $0xF7A, s2;
	p2 =	seq.s32 @!p0 s5, $0x0  }
0x1f: {  	s9 =	smul.u32 $0xF7A, s1;
	s8 =	simm.s32 @!p0 $0x1BF5;
	p2 =	por !p2, p0  }
0x20: {  	[sflag:s8] =	ssyncset.s32 @!p0 $0xFFFFF086;
	s6 =	sadd.s32 @!p0 s3, s7;
	s7 =	simm.s32 @!p0 $0x108  }
0x21: {  	s3 =	sadd.s32 s3, s9;
	s6 =	sadd.s32 @!p0 $0x88, s6;
	s7 =	simm.s32 @p2 $0x1082  }
0x22: {  	[simem:s7], [sflag:s8] =	dma.local @!p0 [hbm:s6], $0xF7A  }
0x23: {  	s9 =	sor.u32 $0xD0000000, s2;
	s6 =	simm.s32 $0x108;
	_ =	swait.ge @!p0 [sflag:s8], $0x0  }
0x24: {  	s3 =	sadd.s32 $0x88, s3;
	s6 =	simm.s32 @!p1 $0x1082;
	[sflag:s4] =	ssyncset.s32 $0xFFFFF086  }
0x25: {  	[simem:s6], [sflag:s4] =	dma.local [hbm:s3], $0xF7A  }
0x26: {  	[smem:$0x3F9D] =	sst s1;
	(tag) =	ssettag s2;
	_ =	strace s9  }
0x27: {  	s1 =	sld [smem:$0x3FAD]  }
0x28: {  	s2 =	sld [smem:$0x3FAE]  }
0x29: {  	s4 =	sld [smem:$0x3FB0]  }
0x2a: {  	p0 =	seq.s32 s5, $0x0;
	s5 =	sld [smem:$0x3FB1]  }
0x2b: {  	s6 =	sld [smem:$0x3FB2]  }
0x2c: {  	s7 =	sld [smem:$0x3FB3]  }
0x2d: {  	s3 =	simm.s32 $0x108;
	s8 =	sld [smem:$0x3FB4]  }
0x2e: {  	s3 =	simm.s32 @!p0 $0x1082;
	s9 =	sld [smem:$0x3FB5]  }
0x2f: {  	lr =	sadd.s32 s0, s3;
	s0 =	sld [smem:$0x3FAC]  }
0x30: {  	s3 =	sld [smem:$0x3FAF]  }
0x31: {  	[smem:$0x3FB8] =	sst s10  }
0x32: {  	s10 =	sld [smem:$0x3FB6];
	_ =	sdelay $0x3  }
0x33: {  	p0 =	seq.s32 s10, $0x1;
	s10 =	sld [smem:$0x3FB8];
	_ =	sdelay $0x3  }
0x34: {  	[smem:$0x3FB8] =	sst s10  }
0x35: {  	s10 =	sld [smem:$0x3FB7];
	_ =	sdelay $0x3  }
0x36: {  	p1 =	seq.s32 s10, $0x1;
	s10 =	sld [smem:$0x3FB8];
	_ =	sdelay $0x3  }
0x37: {  	[smem:$0x3FB8] =	sst s10  }
0x38: {  	s10 =	sld [smem:$0x3FB9]  }
0x39: {  	_ = 	snop;
	(pc) =	sbr.ind lr, $3  }
0x3a: {  	_ = 	snop  }
0x3b: {  	_ = 	snop  }
0x3c: {  	p2 =	seq.s32 s10, $0x1;
	s10 =	sld [smem:$0x3FB8]  }
0x3d: {  	_ =	shalt  }
0x3e: {  	_ =	shalt  }
0x3f: {  	_ =	shalt  }
0x40: {  	_ =	shalt  }
0x41: {  	_ =	shalt  }
0x42: {  	_ =	shalt  }
0x43: {  	_ =	shalt  }
0x44: {  	_ =	shalt  }
0x45: {  	_ =	shalt  }
0x46: {  	_ =	shalt  }
0x47: {  	_ =	shalt  }
0x48: {  	_ =	shalt  }
0x49: {  	_ =	shalt  }
0x4a: {  	_ =	shalt  }
0x4b: {  	_ =	shalt  }
0x4c: {  	_ =	shalt  }
0x4d: {  	_ =	shalt  }
0x4e: {  	_ =	shalt  }
0x4f: {  	_ =	shalt  }
0x50: {  	_ =	shalt  }
0x51: {  	_ =	shalt  }
0x52: {  	_ =	shalt  }
0x53: {  	_ =	shalt  }
0x54: {  	_ =	shalt  }
0x55: {  	_ =	shalt  }
0x56: {  	_ =	shalt  }
0x57: {  	_ =	shalt  }
0x58: {  	_ =	shalt  }
0x59: {  	_ =	shalt  }
0x5a: {  	_ =	shalt  }
0x5b: {  	_ =	shalt  }
0x5c: {  	_ =	shalt  }
0x5d: {  	_ =	shalt  }
0x5e: {  	_ =	shalt  }
0x5f: {  	_ =	shalt  }
0x60: {  	_ =	shalt  }
0x61: {  	_ =	shalt  }
0x62: {  	_ =	shalt  }
0x63: {  	_ =	shalt  }
0x64: {  	_ =	shalt  }
0x65: {  	_ =	shalt  }
0x66: {  	_ =	shalt  }
0x67: {  	_ =	shalt  }
0x68: {  	_ =	shalt  }
0x69: {  	_ =	shalt  }
0x6a: {  	_ =	shalt  }
0x6b: {  	_ =	shalt  }
0x6c: {  	_ =	shalt  }
0x6d: {  	_ =	shalt  }
0x6e: {  	_ =	shalt  }
0x6f: {  	_ =	shalt  }
0x70: {  	_ =	shalt  }
0x71: {  	_ =	shalt  }
0x72: {  	_ =	shalt  }
0x73: {  	_ =	shalt  }
0x74: {  	_ =	shalt  }
0x75: {  	_ =	shalt  }
0x76: {  	_ =	shalt  }
0x77: {  	_ =	shalt  }
0x78: {  	_ =	shalt  }
0x79: {  	_ =	shalt  }
0x7a: {  	_ =	shalt  }
0x7b: {  	_ =	shalt  }
0x7c: {  	_ =	shalt  }
0x7d: {  	_ =	shalt  }
0x7e: {  	_ =	shalt  }
0x7f: {  	_ =	shalt  }
0x80: {  	_ =	shalt  }
0x81: {  	_ =	shalt  }
0x82: {  	_ =	shalt  }
0x83: {  	_ =	shalt  }
0x84: {  	_ =	shalt  }
0x85: {  	_ =	shalt  }
0x86: {  	_ =	shalt  }
0x87: {  	_ =	shalt  }
.Lfunc_end0:
.L_simem_size_0:
called_computation.2_lowered:
.L_overlay_start_0:
0x88: {  	s2 =	sld [smem:$0x3FD9]  }
0x89: {  	s3 =	sld [smem:$0x3FFE];
	_ =	sdelay $0x1  }
0x8a: {  	s1 =	srdreg.scid  }
0x8b: {  	s0 =	sand.u32 $0x1, s1  }
0x8c: {  	s17 =	sshll.u32 s0, $0xA;
	s2 =	sadd.s32 s3, s2  }
0x8d: {  	s2 =	sadd.s32 s2, s17  }
0x8e: {  	[smem:$0x3FC4] =	sst s2  }
0x8f: {  	_ = 	snop  }
0x90: {  	s2 =	sld [smem:$0x3FD0];
	(tm) =	ssettm $0x1  }
0x91: {  	s18 =	sld [smem:$0x3FFB];
	_ =	sdelay $0x3  }
0x92: {  	_ =	strace s18  }
0x93: {  	s3 =	sld [smem:$0x3FFC];
	_ =	sdelay $0x3  }
0x94: {  	_ =	strace s3  }
0x95: {  	s3 =	sld [smem:$0x3FFD];
	_ =	sdelay $0x3  }
0x96: {  	_ =	strace s3  }
0x97: {  	_ =	strace $0x8FFFFFFF  }
0x98: {  	s19 =	sld [smem:$0x3FDB];
	_ =	sdelay $0x1  }
0x99: {  	s4 =	simm.s32 $_scs_section_size  }
0x9a: {  	s5 =	simm.s32 $_size__tile_overlayer_lowered;
	s6 =	simm.s32 $_tile_overlayer_lowered  }
0x9b: {  	s22 =	simm.s32 $0x1BFF;
	s21 =	sshll.u32 s6, $0x1;
	s3 =	sadd.s32 s4, s19  }
0x9c: {  	s7 =	simm.s32 $0x0;
	s20 =	sshll.u32 s5, $0x1;
	s5 =	sadd.s32 s21, s3  }
0x9d: {  	[timem:s7], [sflag:s22] =	dma.local [hbm:s5], s20  }
0x9e: {  	_ =	swait.ge [sflag:s22], s20  }
0x9f: {  	s4 =	ssub.s32 $0x0, s20;
	[sflag:s22] =	ssyncset.done $0x0  }
0xa0: {  	[sflag:s22] =	ssyncadd.s32 s4;
	_ =	sdelay $0x1  }
0xa1: {  	s23 =	simm.s32 $0x1B8B  }
0xa2: {  	_ =	swait.ge [sflag:s23], $0x1  }
0xa3: {  	[sflag:s23] =	ssyncset.done $0x0  }
0xa4: {  	s25 =	simm.s32 $0x1B8E;
	s24 =	sld [smem:$0x3FFE];
	[sflag:s23] =	ssyncadd.s32 $0xFFFFFFFF  }
0xa5: {  	s26 =	simm.s32 $execute0_lowered;
	[smem:$0x3FD2] =	sst s25  }
0xa6: {  	s5 =	sshll.u32 s26, $0x1;
	_ =	strace $0x8000004C;
	[dreg:$0x1] =	wrdreg $0xFFFFFFFF  }
0xa7: {  	s28 =	simm.s32 $_size_execute0_lowered;
	s3 =	sadd.s32 s3, s5;
	[dreg:$0x0] =	wrdreg $0x0  }
0xa8: {  	s5 =	sshll.u32 s28, $0x1;
	[dreg:$0x2] =	wrdreg s3  }
0xa9: {  	[dreg:$0x3] =	wrdreg s5  }
0xaa: {  	[dreg:$0x4] =	wrdreg $0xC0  }
0xab: {  	_ =	task [dreg:s7], $0x5FFFF  }
0xac: {  	[dreg:$0x1] =	wrdreg $0xFFFFFFFF  }
0xad: {  	[dreg:$0x0] =	wrdreg $0x60  }
0xae: {  	[dreg:$0x2] =	wrdreg s2  }
0xaf: {  	[dreg:$0x3] =	wrdreg s24  }
0xb0: {  	[dreg:$0x4] =	wrdreg $0xA9000  }
0xb1: {  	[dreg:$0x5] =	wrdreg $0x9  }
0xb2: {  	_ =	task.clear_ibuf [dreg:s7], $0x6FFFF;
	_ =	strace $0x9000004C  }
0xb3: {  	s29 =	simm.s32 $0x9;
	_ =	strace $0x8000004E  }
0xb4: {  	_ =	swait.ge [sflag:s29], $0x1  }
0xb5: {  	[sflag:s29] =	ssyncadd.s32 $0xFFFFFFFF  }
0xb6: {  	_ =	strace $0x9000004E  }
0xb7: {  	_ =	sfence  }
0xb8: {  	s30 =	sld [smem:$0x0];
	_ =	sdelay $0x2  }
0xb9: {  	s31 =	sshll.u32 s1, $0xD;
	s1 =	sshrl.u32 s1, $0x2  }
0xba: {  	s3 =	sand.u32 $0x4000, s31;
	s1 =	sadd.s32 s1, s30  }
0xbb: {  	s0 =	sor.u32 s3, s0;
	s1 =	sshll.u32 s1, $0x11  }
0xbc: {  	s0 =	sor.u32 s1, s0  }
0xbd: {  	s0 =	sadd.s32 $0x8F2B, s0  }
0xbe: {  	[sflag:s0] =	ssyncadd.remote.s32 $0x1  }
0xbf: {  	_ =	sfence.sel $0xFFFF  }
0xc0: {  	[dreg:$0x0] =	wrdreg $0xFFFFFFFF;
	(pc) =	sbr.abs _section_cstart, $3  }
0xc1: {  	[dreg:$0x1] =	wrdreg $0xFFFFFFFF  }
0xc2: {  	_ =	task.clear_ibuf [dreg:s7], $0x2FFFF;
	_ =	strace $0x9FFFFFFF  }
0xc3: {  	(tm) =	ssettm $0x7FFFFFFF  }
tec
execute0_lowered:
.L_overlay_start_1:
0x0: {  	(tag) =	ssettag $0x1  }
0x1: {  	s1 =	rddreg [dreg:$0x0]  }
0x2: {  	s0 =	rddreg [dreg:$0x1]  }
0x3: {  	s2 =	rddreg [dreg:$0x2]  }
0x4: {  	s3 =	srdreg.scid;
	s4 =	simm.s32 $0x0;
	s12 =	stileid.u32  }
0x5: {  	s28 =	simm.s32 $0x2;
	s29 =	simm.s32 $0x80;
	s30 =	simm.s32 $0x3  }
0x6: {  	s31 =	simm.s32 $0x6900;
	s3 =	sand.u32 $0x1, s3;
	s8 =	smul.u32 $0x4E000, s12  }
0x7: {  	[smem:$0x7FF] =	sst s4;
	s13 =	sadd.s32 $0xBA00, s0;
	s15 =	smul.u32 $0x13800, s12  }
0x8: {  	s11 =	sadd.s32 $0x138000, s2;
	p0 =	sne.s32 s12, $0xF;
	s5 =	sshll.u32 s3, $0x4  }
0x9: {  	_ =	strace $0x8000004D;
	s7 =	ssub.s32 $0x2, s3;
	s20 =	smul.u32 $0x138800, s3  }
0xa: {  	s3 =	smul.u32 $0x28000, s3;
	s5 =	sor.u32 s12, s5;
	s9 =	sshrl.u32 s7, $0x1  }
0xb: {  	s23 =	sshrl.u32 s8, $0x2;
	s16 =	sadd.s32 $0x4000, s15;
	s17 =	sadd.s32 $0x8000, s15  }
0xc: {  	s18 =	sadd.s32 $0xC000, s15;
	s19 =	sadd.s32 $0x10000, s15;
	s6 =	smul.u32 $0x500, s5  }
0xd: {  	s14 =	ssub.s32 s7, s9;
	s5 =	smul.u32 $0x2800, s5;
	s7 =	sadd.s32 s16, s2  }
0xe: {  	s8 =	sadd.s32 s17, s2;
	s9 =	sadd.s32 s18, s2;
	s10 =	sadd.s32 s19, s2  }
0xf: {  	s24 =	sadd.s32 s15, s20;
	s25 =	sadd.s32 s20, s16;
	s26 =	sadd.s32 s20, s17  }
0x10: {  	s21 =	sadd.s32 s20, s18;
	s22 =	sadd.s32 s20, s19;
	s15 =	sshrl.u32 s25, $0x3  }
0x11: {  	s17 =	sshrl.u32 s26, $0x3;
	s25 =	sshrl.u32 s20, $0x3;
	s6 =	sadd.s32 s6, s0  }
0x12: {  	s20 =	smax.u32 s14, $0x1;
	s5 =	sshrl.u32 s5, $0x3;
	s6 =	sadd.s32 $0x1A00, s6  }
0x13: {  	s0 =	sadd.s32 $0x15A00, s0;
	s5 =	sadd.s32 s13, s5;
	[dreg:$0x4] =	wrdreg s6  }
0x14: {  	s15 =	sadd.s32 s0, s15;
	s6 =	sadd.s32 s23, s2;
	[dreg:$0x5] =	wrdreg s5  }
0x15: {  	s5 =	sadd.s32 $0x10, s5;
	[dreg:$0x8] =	wrdreg s15;
	s23 =	smul.u32 $0x2800, s12  }
0x16: {  	[dreg:$0x6] =	wrdreg s5;
	s5 =	sshrl.u32 s24, $0x3;
	s24 =	sshrl.u32 s22, $0x3  }
0x17: {  	s5 =	sadd.s32 s0, s5;
	s18 =	sadd.s32 s0, s24;
	s3 =	sadd.s32 s23, s3  }
0x18: {  	s24 =	simm.s32 $0x2900;
	s23 =	simm.s32 $0x6;
	[dreg:$0x7] =	wrdreg s5  }
0x19: {  	s5 =	sadd.s32 s0, s17;
	s26 =	sor.u32 $0x180, s3;
	s3 =	sor.u32 $0x100, s3  }
0x1a: {  	[dreg:$0x9] =	wrdreg s5;
	s5 =	sshrl.u32 s21, $0x3;
	s3 =	sshrl.u32 s3, $0x3  }
0x1b: {  	s17 =	sadd.s32 s0, s5;
	s0 =	sadd.s32 s0, s25;
	s22 =	sadd.s32 s3, s13  }
0x1c: {  	s25 =	simm.s32 $0x8;
	s3 =	simm.s32 $0x5;
	s5 =	simm.s32 $0x7  }
0x1d: {  	s19 =	sadd.s32 $0x27000, s0;
	s0 =	sshrl.u32 s26, $0x3;
	s26 =	simm.s32 $0x1  }
0x1e: {  	v0 =	vimm.f32 $0.0e+00;
	s21 =	sadd.s32 s0, s13;
	s0 =	simm.s32 $0x4;
	s13 =	simm.s32 $0x0  }
.LBB2_1:
0x1f: {  	s12 =	rddreg [dreg:$0x4];
	s14 =	simm.s32 $0x100  }
0x20: {  	[tilespmem:s14], [sflag:$0x1] =	stream.linear.gather [hbm4b:s12+s4], $0x2800, $0x38;
	[tilespmem:$0x1E980] =	vst v63  }
0x21: {  	s15 =	simm.s32 $0x200;
	s14 =	simm.s32 $0x0  }
.LBB2_2:
0x22: {  	p1 =	sne.s32 s15, $0xFE00;
	[tilespmem:s14+$0x2970] =	vst v0  }
0x23: {  	[tilespmem:s14+$0x2900] =	vst v0  }
0x24: {  	[tilespmem:s14+$0x2910] =	vst v0  }
.Ltmp0:
0x25: {  	[tilespmem:s14+$0x2920] =	vst v0;
	(pc) =	sbr.rel @p1 .LBB2_2-.Ltmp0, $4  }
0x26: {  	[tilespmem:s14+$0x2930] =	vst v0  }
0x27: {  	[tilespmem:s14+$0x2940] =	vst v0  }
0x28: {  	[tilespmem:s14+$0x2950] =	vst v0  }
0x29: {  	[tilespmem:s14+$0x2960] =	vst v0;
	s14 =	sshra.s32 s15, $0x2;
	s15 =	sadd.s32 $0x200, s15  }
0x2a: {  	[tilespmem:s14+$0x2970] =	vst v0  }
0x2b: {  	[tilespmem:s14+$0x2900] =	vst v0  }
0x2c: {  	[tilespmem:s14+$0x2910] =	vst v0  }
0x2d: {  	[tilespmem:s14+$0x2920] =	vst v0  }
0x2e: {  	[tilespmem:s14+$0x2930] =	vst v0  }
0x2f: {  	[tilespmem:s14+$0x2940] =	vst v0  }
0x30: {  	[tilespmem:s14+$0x2950] =	vst v0  }
0x31: {  	[tilespmem:s14+$0x2960] =	vst v0  }
0x32: {  	[spmem:s6] =	stream.linear.scatter [tilespmem:s24], [sflag:$0x8], $0x4000, $0x38;
	[tilespmem:$0x1E980] =	vst v63  }
0x33: {  	_ =	swait.ge [sflag:s25], $0x4000  }
0x34: {  	[sflag:s25] =	ssyncset.done $0x0  }
0x35: {  	[sflag:s25] =	ssyncadd.s32 $0xFFFFC000  }
0x36: {  	[spmem:s7] =	stream.linear.scatter [tilespmem:s24], [sflag:$0x8], $0x4000, $0x38;
	[tilespmem:$0x1E980] =	vst v63  }
0x37: {  	_ =	swait.ge [sflag:s25], $0x4000  }
0x38: {  	[sflag:s25] =	ssyncset.done $0x0  }
0x39: {  	[sflag:s25] =	ssyncadd.s32 $0xFFFFC000  }
0x3a: {  	[spmem:s8] =	stream.linear.scatter [tilespmem:s24], [sflag:$0x8], $0x4000, $0x38;
	[tilespmem:$0x1E980] =	vst v63  }
0x3b: {  	_ =	swait.ge [sflag:s25], $0x4000  }
0x3c: {  	[sflag:s25] =	ssyncset.done $0x0  }
0x3d: {  	[sflag:s25] =	ssyncadd.s32 $0xFFFFC000  }
0x3e: {  	[spmem:s9] =	stream.linear.scatter [tilespmem:s24], [sflag:$0x8], $0x4000, $0x38;
	[tilespmem:$0x1E980] =	vst v63  }
0x3f: {  	_ =	swait.ge [sflag:s25], $0x4000  }
0x40: {  	[sflag:s25] =	ssyncset.done $0x0  }
0x41: {  	[sflag:s25] =	ssyncadd.s32 $0xFFFFC000  }
0x42: {  	[spmem:s10] =	stream.linear.scatter [tilespmem:s24], [sflag:$0x8], $0x3800, $0x38;
	[tilespmem:$0x1E980] =	vst v63  }
0x43: {  	_ =	swait.ge [sflag:s25], $0x3800  }
0x44: {  	[sflag:s25] =	ssyncset.done $0x0  }
0x45: {  	s14 =	simm.s32 @!p0 $0x2900;
	[sflag:s25] =	ssyncadd.s32 $0xFFFFC800  }
0x46: {  	[spmem:s11] =	stream.linear.scatter @!p0 [tilespmem:s14], [sflag:$0x8], $0x800, $0x38;
	[tilespmem:$0x1E980] =	vst v63  }
0x47: {  	s14 =	simm.s32 @!p0 $0x8  }
0x48: {  	_ =	swait.ge @!p0 [sflag:s14], $0x800  }
0x49: {  	[sflag:s14] =	ssyncset.done @!p0 $0x0  }
0x4a: {  	[sflag:s14] =	ssyncadd.s32 @!p0 $0xFFFFF800  }
0x4b: {  	_ =	swait.ge [sflag:s26], $0x2800  }
0x4c: {  	[sflag:s26] =	ssyncset.done $0x0  }
0x4d: {  	[sflag:s26] =	ssyncadd.s32 $0xFFFFD800  }
0x4e: {  	[bflag:$0x0] =	sbarrier.arrive $0xFFFF  }
0x4f: {  	s15 =	simm.s32 $0x0;
	s12 =	rddreg [dreg:$0x5]  }
0x50: {  	[tilespmem:s15], [sflag:$0x2] =	stream.linear.gather [hbm4b:s12+s15], $0x80, $0x38;
	[tilespmem:$0x1E980] =	vst v63  }
0x51: {  	_ =	swait.ge [sflag:s28], $0x80  }
0x52: {  	[sflag:s28] =	ssyncset.done $0x0  }
0x53: {  	[sflag:s28] =	ssyncadd.s32 $0xFFFFFF80  }
0x54: {  	[tilespmem:s24], [sflag:$0x4] =	stream.indirect.gather [hbm4b:s1+s29], $0x80, s15, s29, $0xb8;
	[tilespmem:$0x1E980] =	vst v63  }
0x55: {  	s16 =	rddreg [dreg:$0x6]  }
0x56: {  	[tilespmem:s29], [sflag:$0x3] =	stream.linear.gather [hbm4b:s16+s15], $0x80, $0x38;
	[tilespmem:$0x1E980] =	vst v63  }
0x57: {  	_ =	swait.ge [sflag:s30], $0x80  }
0x58: {  	[sflag:s30] =	ssyncset.done $0x0  }
0x59: {  	[sflag:s30] =	ssyncadd.s32 $0xFFFFFF80  }
0x5a: {  	[tilespmem:s31], [sflag:$0x5] =	stream.indirect.gather [hbm4b:s1+s29], $0x80, s29, s29, $0xb8;
	[tilespmem:$0x1E980] =	vst v63  }
0x5b: {  	_ =	swait.ge [sflag:s0], $0x4000  }
0x5c: {  	[sflag:s0] =	ssyncset.done $0x0  }
0x5d: {  	s15 =	simm.s32 $0x100;
	[sflag:s0] =	ssyncadd.s32 $0xFFFFC000  }
0x5e: {  	[spmem:s2] =	stream.indirect.scatter.add.f32 [tilespmem:s24], [sflag:$0x6], $0x80, s15, s29, $0xb8;
	[tilespmem:$0x1E980] =	vst v63  }
0x5f: {  	s16 =	sadd.s32 $0x0, s22  }
0x60: {  	[tilespmem:s4], [sflag:$0x2] =	stream.linear.gather [hbm4b:s16+s4], $0x80, $0x38;
	[tilespmem:$0x1E980] =	vst v63  }
0x61: {  	_ =	swait.ge [sflag:s3], $0x4000  }
0x62: {  	[sflag:s3] =	ssyncset.done $0x0  }
0x63: {  	s14 =	simm.s32 $0x180;
	[sflag:s3] =	ssyncadd.s32 $0xFFFFC000  }
0x64: {  	[spmem:s2] =	stream.indirect.scatter.add.f32 [tilespmem:s31], [sflag:$0x7], $0x80, s14, s29, $0xb8;
	[tilespmem:$0x1E980] =	vst v63  }
0x65: {  	_ =	swait.ge [sflag:s23], $0x4000  }
0x66: {  	[sflag:s23] =	ssyncset.done $0x0  }
0x67: {  	[sflag:s23] =	ssyncadd.s32 $0xFFFFC000  }
0x68: {  	_ =	swait.ge [sflag:s28], $0x80  }
0x69: {  	[sflag:s28] =	ssyncset.done $0x0  }
0x6a: {  	[sflag:s28] =	ssyncadd.s32 $0xFFFFFF80  }
0x6b: {  	[tilespmem:s24], [sflag:$0x4] =	stream.indirect.gather [hbm4b:s1+s29], $0x80, s4, s29, $0xb8;
	[tilespmem:$0x1E980] =	vst v63  }
0x6c: {  	s15 =	sadd.s32 $0x0, s21  }
0x6d: {  	[tilespmem:s29], [sflag:$0x3] =	stream.linear.gather [hbm4b:s15+s4], $0x80, $0x38;
	[tilespmem:$0x1E980] =	vst v63  }
0x6e: {  	_ =	swait.ge [sflag:s5], $0x4000  }
0x6f: {  	s15 =	simm.s32 $0x20;
	[sflag:s5] =	ssyncset.done $0x0  }
.LBB2_4:
0x70: {  	p1 =	sne.s32 s15, $0x4C0;
	[sflag:s5] =	ssyncadd.s32 $0xFFFFC000;
	s14 =	sadd.s32 $0x100, s14  }
0x71: {  	s12 =	smov.u32 s15;
	s15 =	sadd.s32 $0x20, s15  }
0x72: {  	_ =	swait.ge [sflag:s30], $0x80  }
0x73: {  	[sflag:s30] =	ssyncset.done $0x0  }
0x74: {  	[sflag:s30] =	ssyncadd.s32 $0xFFFFFF80  }
0x75: {  	[tilespmem:s31], [sflag:$0x5] =	stream.indirect.gather [hbm4b:s1+s29], $0x80, s29, s29, $0xb8;
	[tilespmem:$0x1E980] =	vst v63  }
0x76: {  	_ =	swait.ge [sflag:s0], $0x4000  }
0x77: {  	[sflag:s0] =	ssyncset.done $0x0  }
0x78: {  	s16 =	sadd.s32 $0xFFFFFF80, s14;
	[sflag:s0] =	ssyncadd.s32 $0xFFFFC000  }
0x79: {  	[spmem:s2] =	stream.indirect.scatter.add.f32 [tilespmem:s24], [sflag:$0x6], $0x80, s16, s29, $0xb8;
	[tilespmem:$0x1E980] =	vst v63  }
0x7a: {  	s16 =	sadd.s32 s12, s22  }
0x7b: {  	[tilespmem:s4], [sflag:$0x2] =	stream.linear.gather [hbm4b:s16+s4], $0x80, $0x38;
	[tilespmem:$0x1E980] =	vst v63  }
0x7c: {  	_ =	swait.ge [sflag:s3], $0x4000  }
0x7d: {  	[sflag:s3] =	ssyncset.done $0x0  }
0x7e: {  	[sflag:s3] =	ssyncadd.s32 $0xFFFFC000  }
0x7f: {  	[spmem:s2] =	stream.indirect.scatter.add.f32 [tilespmem:s31], [sflag:$0x7], $0x80, s14, s29, $0xb8;
	[tilespmem:$0x1E980] =	vst v63  }
0x80: {  	_ =	swait.ge [sflag:s23], $0x4000  }
0x81: {  	[sflag:s23] =	ssyncset.done $0x0  }
0x82: {  	[sflag:s23] =	ssyncadd.s32 $0xFFFFC000  }
0x83: {  	_ =	swait.ge [sflag:s28], $0x80  }
0x84: {  	[sflag:s28] =	ssyncset.done $0x0  }
0x85: {  	[sflag:s28] =	ssyncadd.s32 $0xFFFFFF80  }
0x86: {  	[tilespmem:s24], [sflag:$0x4] =	stream.indirect.gather [hbm4b:s1+s29], $0x80, s4, s29, $0xb8;
	[tilespmem:$0x1E980] =	vst v63  }
.Ltmp1:
0x87: {  	_ = 	snop;
	(pc) =	sbr.rel @p1 .LBB2_4-.Ltmp1, $4  }
0x88: {  	s12 =	sadd.s32 s12, s21  }
0x89: {  	[tilespmem:s29], [sflag:$0x3] =	stream.linear.gather [hbm4b:s12+s4], $0x80, $0x38;
	[tilespmem:$0x1E980] =	vst v63  }
0x8a: {  	_ =	swait.ge [sflag:s5], $0x4000  }
0x8b: {  	[sflag:s5] =	ssyncset.done $0x0  }
0x8c: {  	[sflag:s5] =	ssyncadd.s32 $0xFFFFC000  }
0x8d: {  	_ =	swait.ge [sflag:s30], $0x80  }
0x8e: {  	[sflag:s30] =	ssyncset.done $0x0  }
0x8f: {  	[sflag:s30] =	ssyncadd.s32 $0xFFFFFF80  }
0x90: {  	[tilespmem:s31], [sflag:$0x5] =	stream.indirect.gather [hbm4b:s1+s29], $0x80, s29, s29, $0xb8;
	[tilespmem:$0x1E980] =	vst v63  }
0x91: {  	_ =	swait.ge [sflag:s0], $0x4000  }
0x92: {  	[sflag:s0] =	ssyncset.done $0x0  }
0x93: {  	s12 =	simm.s32 $0x2800;
	[sflag:s0] =	ssyncadd.s32 $0xFFFFC000  }
0x94: {  	[spmem:s2] =	stream.indirect.scatter.add.f32 [tilespmem:s24], [sflag:$0x6], $0x80, s12, s29, $0xb8;
	[tilespmem:$0x1E980] =	vst v63  }
0x95: {  	_ =	swait.ge [sflag:s3], $0x4000  }
0x96: {  	[sflag:s3] =	ssyncset.done $0x0  }
0x97: {  	s16 =	simm.s32 $0x2880;
	[sflag:s3] =	ssyncadd.s32 $0xFFFFC000  }
0x98: {  	[spmem:s2] =	stream.indirect.scatter.add.f32 [tilespmem:s31], [sflag:$0x7], $0x80, s16, s29, $0xb8;
	[tilespmem:$0x1E980] =	vst v63  }
0x99: {  	_ =	swait.ge [sflag:s5], $0x4000  }
0x9a: {  	[sflag:s5] =	ssyncset.done $0x0  }
0x9b: {  	[sflag:s5] =	ssyncadd.s32 $0xFFFFC000  }
0x9c: {  	_ =	swait.ge [sflag:s23], $0x4000  }
0x9d: {  	[sflag:s23] =	ssyncset.done $0x0  }
0x9e: {  	[sflag:s23] =	ssyncadd.s32 $0xFFFFC000  }
0x9f: {  	[bflag:$0x0] =	sbarrier.arrive $0xFFFF  }
0xa0: {  	[tilespmem:s24], [sflag:$0x8] =	stream.linear.gather [spmem:s6], $0x4000, $0x38;
	[tilespmem:$0x1E980] =	vst v63  }
0xa1: {  	_ =	swait.ge [sflag:s25], $0x4000  }
0xa2: {  	[sflag:s25] =	ssyncset.done $0x0  }
0xa3: {  	s14 =	rddreg [dreg:$0x7];
	[sflag:s25] =	ssyncadd.s32 $0xFFFFC000  }
0xa4: {  	[hbm4b:s14+s4] =	stream.linear.scatter [tilespmem:s24], [sflag:$0x8], $0x4000, $0x38;
	[tilespmem:$0x1E980] =	vst v63  }
0xa5: {  	_ =	swait.ge [sflag:s25], $0x4000  }
0xa6: {  	[sflag:s25] =	ssyncset.done $0x0  }
0xa7: {  	[sflag:s25] =	ssyncadd.s32 $0xFFFFC000  }
0xa8: {  	[tilespmem:s24], [sflag:$0x8] =	stream.linear.gather [spmem:s7], $0x4000, $0x38;
	[tilespmem:$0x1E980] =	vst v63  }
0xa9: {  	_ =	swait.ge [sflag:s25], $0x4000  }
0xaa: {  	[sflag:s25] =	ssyncset.done $0x0  }
0xab: {  	s15 =	rddreg [dreg:$0x8];
	[sflag:s25] =	ssyncadd.s32 $0xFFFFC000  }
0xac: {  	[hbm4b:s15+s4] =	stream.linear.scatter [tilespmem:s24], [sflag:$0x8], $0x4000, $0x38;
	[tilespmem:$0x1E980] =	vst v63  }
0xad: {  	_ =	swait.ge [sflag:s25], $0x4000  }
0xae: {  	[sflag:s25] =	ssyncset.done $0x0  }
0xaf: {  	[sflag:s25] =	ssyncadd.s32 $0xFFFFC000  }
0xb0: {  	[tilespmem:s24], [sflag:$0x8] =	stream.linear.gather [spmem:s8], $0x4000, $0x38;
	[tilespmem:$0x1E980] =	vst v63  }
0xb1: {  	_ =	swait.ge [sflag:s25], $0x4000  }
0xb2: {  	[sflag:s25] =	ssyncset.done $0x0  }
0xb3: {  	s16 =	rddreg [dreg:$0x9];
	[sflag:s25] =	ssyncadd.s32 $0xFFFFC000  }
0xb4: {  	[hbm4b:s16+s4] =	stream.linear.scatter [tilespmem:s24], [sflag:$0x8], $0x4000, $0x38;
	[tilespmem:$0x1E980] =	vst v63  }
0xb5: {  	_ =	swait.ge [sflag:s25], $0x4000  }
0xb6: {  	[sflag:s25] =	ssyncset.done $0x0  }
0xb7: {  	[sflag:s25] =	ssyncadd.s32 $0xFFFFC000  }
0xb8: {  	[tilespmem:s24], [sflag:$0x8] =	stream.linear.gather [spmem:s9], $0x4000, $0x38;
	[tilespmem:$0x1E980] =	vst v63  }
0xb9: {  	_ =	swait.ge [sflag:s25], $0x4000  }
0xba: {  	[sflag:s25] =	ssyncset.done $0x0  }
0xbb: {  	[sflag:s25] =	ssyncadd.s32 $0xFFFFC000  }
0xbc: {  	[hbm4b:s17+s4] =	stream.linear.scatter [tilespmem:s24], [sflag:$0x8], $0x4000, $0x38;
	[tilespmem:$0x1E980] =	vst v63  }
0xbd: {  	_ =	swait.ge [sflag:s25], $0x4000  }
0xbe: {  	[sflag:s25] =	ssyncset.done $0x0  }
0xbf: {  	[sflag:s25] =	ssyncadd.s32 $0xFFFFC000  }
0xc0: {  	[tilespmem:s24], [sflag:$0x8] =	stream.linear.gather [spmem:s10], $0x3800, $0x38;
	[tilespmem:$0x1E980] =	vst v63  }
0xc1: {  	_ =	swait.ge [sflag:s25], $0x3800  }
0xc2: {  	[sflag:s25] =	ssyncset.done $0x0  }
0xc3: {  	[sflag:s25] =	ssyncadd.s32 $0xFFFFC800  }
0xc4: {  	[hbm4b:s18+s4] =	stream.linear.scatter [tilespmem:s24], [sflag:$0x8], $0x3800, $0x38;
	[tilespmem:$0x1E980] =	vst v63  }
0xc5: {  	_ =	swait.ge [sflag:s25], $0x3800  }
0xc6: {  	[sflag:s25] =	ssyncset.done $0x0  }
0xc7: {  	s12 =	simm.s32 @!p0 $0x6900;
	s14 =	simm.s32 @!p0 $0x8;
	[sflag:s25] =	ssyncadd.s32 $0xFFFFC800  }
0xc8: {  	[tilespmem:s12], [sflag:$0x8] =	stream.linear.gather @!p0 [spmem:s11], $0x800, $0x38;
	[tilespmem:$0x1E980] =	vst v63  }
0xc9: {  	s13 =	sadd.s32 $0x1, s13;
	_ =	swait.ge @!p0 [sflag:s14], $0x800  }
0xca: {  	p1 =	sne.s32 s13, s20;
	[sflag:s14] =	ssyncset.done @!p0 $0x0  }
.Ltmp2:
0xcb: {  	s15 =	simm.s32 @!p0 $0x0;
	[sflag:s14] =	ssyncadd.s32 @!p0 $0xFFFFF800;
	(pc) =	sbr.rel @p1 .LBB2_1-.Ltmp2, $4  }
0xcc: {  	[hbm4b:s19+s15] =	stream.linear.scatter @!p0 [tilespmem:s12], [sflag:$0x8], $0x800, $0x38;
	[tilespmem:$0x1E980] =	vst v63  }
0xcd: {  	_ =	swait.ge @!p0 [sflag:s14], $0x800  }
0xce: {  	[sflag:s14] =	ssyncset.done @!p0 $0x0  }
0xcf: {  	[sflag:s14] =	ssyncadd.s32 @!p0 $0xFFFFF800  }
0xd0: {  	_ =	sfence.sel $0x180000  }
0xd1: {  	[bflag:$0x0] =	sbarrier.arrive $0xFFFF  }
0xd2: {  	_ =	strace $0x9000004D  }
0xd3: {  	s0 =	stileid.u32;
	[bflag:$0x2] =	sbarrier.arrive $0xFFFF  }
0xd4: {  	p0 =	sne.s32 s0, $0x0;
	s0 =	rddreg [dreg:$0x3]  }
0xd5: {  	s0 =	sadd.s32 @!p0 $0x100000, s0  }
0xd6: {  	[sflag:s0] =	ssyncadd.tile.s32 @!p0 $0x1;
	_ =	shalt  }
.Lfunc_end2:
_tile_overlayer_lowered:
.L_overlay_start_2:
0xd7: {  	(tag) =	ssettag $0x2  }
0xd8: {  	s0 =	rddreg [dreg:$0x0];
	s2 =	stileid.u32  }
0xd9: {  	s1 =	rddreg [dreg:$0x1];
	p0 =	sne.s32 s2, $0x0  }
0xda: {  	s3 =	rddreg [dreg:$0x2];
	[bflag:$0x3] =	sbarrier.arrive $0xFFFF;
	s2 =	simm.s32 @!p0 $0x1C08  }
0xdb: {  	[timem:s3], [sflag:s2] =	dma.local @!p0 [hbm:s0], s1  }
0xdc: {  	s0 =	simm.s32 @!p0 $0x8  }
0xdd: {  	_ =	swait.ge @!p0 [sflag:s0], s1  }
0xde: {  	s1 =	ssub.s32 @!p0 $0x0, s1;
	[sflag:s0] =	ssyncset.done @!p0 $0x0  }
0xdf: {  	[sflag:s0] =	ssyncadd.s32 @!p0 s1  }
0xe0: {  	[bflag:$0x3] =	sbarrier.arrive $0xFFFF  }
0xe1: {  	_ =	shalt  }

// kernel: kernel.8.cloned.1.call-start
scs
__scs_entry_jumppad:
0x0: {  	(pc) =	sbr.rel $0x88, $3  }
0x1: {  	(tag) =	ssettag $0x0;
	lr =	simm.s32 $0x1  }
0x2: {  	[smem:$0x3F9D] =	sst lr;
	_ =	strace $0xD0000000  }
0x3: {  	_ = 	snop  }
0x4: {  	_ = 	snop  }
0x5: {  	_ = 	snop  }
0x6: {  	_ = 	snop  }
0x7: {  	_ = 	snop  }
__scs_overlays_trampoline_lowered:
0x8: {  	[smem:$0x3FAC] =	sst s0  }
0x9: {  	[smem:$0x3FAD] =	sst s1  }
0xa: {  	[smem:$0x3FAE] =	sst s2  }
0xb: {  	[smem:$0x3FAF] =	sst s3  }
0xc: {  	[smem:$0x3FB0] =	sst s4  }
0xd: {  	[smem:$0x3FB1] =	sst s5  }
0xe: {  	[smem:$0x3FB2] =	sst s6  }
0xf: {  	[smem:$0x3FB3] =	sst s7  }
0x10: {  	[smem:$0x3FB4] =	sst s8  }
0x11: {  	[smem:$0x3FB5] =	sst s9;
	s0 =	simm.s32 @!p0 $0x0  }
0x12: {  	s1 =	sld [smem:$0x3F9B];
	s0 =	simm.s32 @p0 $0x1  }
0x13: {  	[smem:$0x3FB6] =	sst s0;
	s0 =	simm.s32 @!p1 $0x0  }
0x14: {  	s2 =	sld [smem:$0x3F9A];
	s0 =	simm.s32 @p1 $0x1  }
0x15: {  	[smem:$0x3FB7] =	sst s0;
	s0 =	simm.s32 @!p2 $0x0  }
0x16: {  	s3 =	sld [smem:$0x3FDB];
	s0 =	simm.s32 @p2 $0x1  }
0x17: {  	s4 =	simm.s32 $0x1BF5;
	[smem:$0x3FB9] =	sst s0  }
0x18: {  	s0 =	sld [smem:$0x3F9C];
	_ =	swait.ge [sflag:s4], $0x0  }
0x19: {  	s7 =	sld [smem:$0x3F9D]  }
0x1a: {  	s8 =	sadd.s32 $0xFFFFE003, lr  }
0x1b: {  	s9 =	sadd.s32 $0xFFFFFEF7, lr;
	s5 =	simm.s32 $0xFFFFFFFF;
	p2 =	slt.u32 s8, $0xFFFFF086  }
0x1c: {  	p1 =	slt.u32 s9, $0xF7A;
	s5 =	simm.s32 @!p2 $0x0  }
0x1d: {  	s5 =	simm.s32 @p1 $0x1;
	p0 =	seq.s32 s7, s2  }
0x1e: {  	s7 =	smul.u32 @!p0 $0xF7A, s2;
	p2 =	seq.s32 @!p0 s5, $0x0  }
0x1f: {  	s9 =	smul.u32 $0xF7A, s1;
	s8 =	simm.s32 @!p0 $0x1BF5;
	p2 =	por !p2, p0  }
0x20: {  	[sflag:s8] =	ssyncset.s32 @!p0 $0xFFFFF086;
	s6 =	sadd.s32 @!p0 s3, s7;
	s7 =	simm.s32 @!p0 $0x108  }
0x21: {  	s3 =	sadd.s32 s3, s9;
	s6 =	sadd.s32 @!p0 $0x88, s6;
	s7 =	simm.s32 @p2 $0x1082  }
0x22: {  	[simem:s7], [sflag:s8] =	dma.local @!p0 [hbm:s6], $0xF7A  }
0x23: {  	s9 =	sor.u32 $0xD0000000, s2;
	s6 =	simm.s32 $0x108;
	_ =	swait.ge @!p0 [sflag:s8], $0x0  }
0x24: {  	s3 =	sadd.s32 $0x88, s3;
	s6 =	simm.s32 @!p1 $0x1082;
	[sflag:s4] =	ssyncset.s32 $0xFFFFF086  }
0x25: {  	[simem:s6], [sflag:s4] =	dma.local [hbm:s3], $0xF7A  }
0x26: {  	[smem:$0x3F9D] =	sst s1;
	(tag) =	ssettag s2;
	_ =	strace s9  }
0x27: {  	s1 =	sld [smem:$0x3FAD]  }
0x28: {  	s2 =	sld [smem:$0x3FAE]  }
0x29: {  	s4 =	sld [smem:$0x3FB0]  }
0x2a: {  	p0 =	seq.s32 s5, $0x0;
	s5 =	sld [smem:$0x3FB1]  }
0x2b: {  	s6 =	sld [smem:$0x3FB2]  }
0x2c: {  	s7 =	sld [smem:$0x3FB3]  }
0x2d: {  	s3 =	simm.s32 $0x108;
	s8 =	sld [smem:$0x3FB4]  }
0x2e: {  	s3 =	simm.s32 @!p0 $0x1082;
	s9 =	sld [smem:$0x3FB5]  }
0x2f: {  	lr =	sadd.s32 s0, s3;
	s0 =	sld [smem:$0x3FAC]  }
0x30: {  	s3 =	sld [smem:$0x3FAF]  }
0x31: {  	[smem:$0x3FB8] =	sst s10  }
0x32: {  	s10 =	sld [smem:$0x3FB6];
	_ =	sdelay $0x3  }
0x33: {  	p0 =	seq.s32 s10, $0x1;
	s10 =	sld [smem:$0x3FB8];
	_ =	sdelay $0x3  }
0x34: {  	[smem:$0x3FB8] =	sst s10  }
0x35: {  	s10 =	sld [smem:$0x3FB7];
	_ =	sdelay $0x3  }
0x36: {  	p1 =	seq.s32 s10, $0x1;
	s10 =	sld [smem:$0x3FB8];
	_ =	sdelay $0x3  }
0x37: {  	[smem:$0x3FB8] =	sst s10  }
0x38: {  	s10 =	sld [smem:$0x3FB9]  }
0x39: {  	_ = 	snop;
	(pc) =	sbr.ind lr, $3  }
0x3a: {  	_ = 	snop  }
0x3b: {  	_ = 	snop  }
0x3c: {  	p2 =	seq.s32 s10, $0x1;
	s10 =	sld [smem:$0x3FB8]  }
0x3d: {  	_ =	shalt  }
0x3e: {  	_ =	shalt  }
0x3f: {  	_ =	shalt  }
0x40: {  	_ =	shalt  }
0x41: {  	_ =	shalt  }
0x42: {  	_ =	shalt  }
0x43: {  	_ =	shalt  }
0x44: {  	_ =	shalt  }
0x45: {  	_ =	shalt  }
0x46: {  	_ =	shalt  }
0x47: {  	_ =	shalt  }
0x48: {  	_ =	shalt  }
0x49: {  	_ =	shalt  }
0x4a: {  	_ =	shalt  }
0x4b: {  	_ =	shalt  }
0x4c: {  	_ =	shalt  }
0x4d: {  	_ =	shalt  }
0x4e: {  	_ =	shalt  }
0x4f: {  	_ =	shalt  }
0x50: {  	_ =	shalt  }
0x51: {  	_ =	shalt  }
0x52: {  	_ =	shalt  }
0x53: {  	_ =	shalt  }
0x54: {  	_ =	shalt  }
0x55: {  	_ =	shalt  }
0x56: {  	_ =	shalt  }
0x57: {  	_ =	shalt  }
0x58: {  	_ =	shalt  }
0x59: {  	_ =	shalt  }
0x5a: {  	_ =	shalt  }
0x5b: {  	_ =	shalt  }
0x5c: {  	_ =	shalt  }
0x5d: {  	_ =	shalt  }
0x5e: {  	_ =	shalt  }
0x5f: {  	_ =	shalt  }
0x60: {  	_ =	shalt  }
0x61: {  	_ =	shalt  }
0x62: {  	_ =	shalt  }
0x63: {  	_ =	shalt  }
0x64: {  	_ =	shalt  }
0x65: {  	_ =	shalt  }
0x66: {  	_ =	shalt  }
0x67: {  	_ =	shalt  }
0x68: {  	_ =	shalt  }
0x69: {  	_ =	shalt  }
0x6a: {  	_ =	shalt  }
0x6b: {  	_ =	shalt  }
0x6c: {  	_ =	shalt  }
0x6d: {  	_ =	shalt  }
0x6e: {  	_ =	shalt  }
0x6f: {  	_ =	shalt  }
0x70: {  	_ =	shalt  }
0x71: {  	_ =	shalt  }
0x72: {  	_ =	shalt  }
0x73: {  	_ =	shalt  }
0x74: {  	_ =	shalt  }
0x75: {  	_ =	shalt  }
0x76: {  	_ =	shalt  }
0x77: {  	_ =	shalt  }
0x78: {  	_ =	shalt  }
0x79: {  	_ =	shalt  }
0x7a: {  	_ =	shalt  }
0x7b: {  	_ =	shalt  }
0x7c: {  	_ =	shalt  }
0x7d: {  	_ =	shalt  }
0x7e: {  	_ =	shalt  }
0x7f: {  	_ =	shalt  }
0x80: {  	_ =	shalt  }
0x81: {  	_ =	shalt  }
0x82: {  	_ =	shalt  }
0x83: {  	_ =	shalt  }
0x84: {  	_ =	shalt  }
0x85: {  	_ =	shalt  }
0x86: {  	_ =	shalt  }
0x87: {  	_ =	shalt  }
.Lfunc_end0:
.L_simem_size_0:
called_computation_lowered:
.L_overlay_start_0:
0x88: {  	s2 =	sld [smem:$0x3FD9]  }
0x89: {  	s3 =	sld [smem:$0x3FFE];
	_ =	sdelay $0x1  }
0x8a: {  	s1 =	srdreg.scid  }
0x8b: {  	s0 =	sand.u32 $0x1, s1  }
0x8c: {  	s17 =	sshll.u32 s0, $0xA;
	s2 =	sadd.s32 s3, s2  }
0x8d: {  	s2 =	sadd.s32 s2, s17  }
0x8e: {  	[smem:$0x3FC4] =	sst s2  }
0x8f: {  	_ = 	snop  }
0x90: {  	s2 =	sld [smem:$0x3FD0];
	(tm) =	ssettm $0x1  }
0x91: {  	s18 =	sld [smem:$0x3FFB];
	_ =	sdelay $0x3  }
0x92: {  	_ =	strace s18  }
0x93: {  	s3 =	sld [smem:$0x3FFC];
	_ =	sdelay $0x3  }
0x94: {  	_ =	strace s3  }
0x95: {  	s3 =	sld [smem:$0x3FFD];
	_ =	sdelay $0x3  }
0x96: {  	_ =	strace s3  }
0x97: {  	_ =	strace $0x8FFFFFFF  }
0x98: {  	s19 =	sld [smem:$0x3FDB];
	_ =	sdelay $0x1  }
0x99: {  	s4 =	simm.s32 $_scs_section_size  }
0x9a: {  	s5 =	simm.s32 $_size__tile_overlayer_lowered;
	s6 =	simm.s32 $_tile_overlayer_lowered  }
0x9b: {  	s22 =	simm.s32 $0x1BFF;
	s21 =	sshll.u32 s6, $0x1;
	s3 =	sadd.s32 s4, s19  }
0x9c: {  	s7 =	simm.s32 $0x0;
	s20 =	sshll.u32 s5, $0x1;
	s5 =	sadd.s32 s21, s3  }
0x9d: {  	[timem:s7], [sflag:s22] =	dma.local [hbm:s5], s20  }
0x9e: {  	_ =	swait.ge [sflag:s22], s20  }
0x9f: {  	s4 =	ssub.s32 $0x0, s20;
	[sflag:s22] =	ssyncset.done $0x0  }
0xa0: {  	[sflag:s22] =	ssyncadd.s32 s4;
	_ =	sdelay $0x1  }
0xa1: {  	s23 =	simm.s32 $0x1B8B  }
0xa2: {  	_ =	swait.ge [sflag:s23], $0x1  }
0xa3: {  	[sflag:s23] =	ssyncset.done $0x0  }
0xa4: {  	s25 =	simm.s32 $0x1B8E;
	s24 =	sld [smem:$0x3FFE];
	[sflag:s23] =	ssyncadd.s32 $0xFFFFFFFF  }
0xa5: {  	s26 =	simm.s32 $execute0_lowered;
	[smem:$0x3FD2] =	sst s25  }
0xa6: {  	s5 =	sshll.u32 s26, $0x1;
	_ =	strace $0x80000046;
	[dreg:$0x1] =	wrdreg $0xFFFFFFFF  }
0xa7: {  	s28 =	simm.s32 $_size_execute0_lowered;
	s3 =	sadd.s32 s3, s5;
	[dreg:$0x0] =	wrdreg $0x0  }
0xa8: {  	s5 =	sshll.u32 s28, $0x1;
	[dreg:$0x2] =	wrdreg s3  }
0xa9: {  	[dreg:$0x3] =	wrdreg s5  }
0xaa: {  	[dreg:$0x4] =	wrdreg $0xC0  }
0xab: {  	_ =	task [dreg:s7], $0x5FFFF  }
0xac: {  	[dreg:$0x1] =	wrdreg $0xFFFFFFFF  }
0xad: {  	[dreg:$0x0] =	wrdreg $0x60  }
0xae: {  	[dreg:$0x2] =	wrdreg s24  }
0xaf: {  	[dreg:$0x3] =	wrdreg s2  }
0xb0: {  	[dreg:$0x4] =	wrdreg $0x2B000  }
0xb1: {  	[dreg:$0x5] =	wrdreg $0x9  }
0xb2: {  	_ =	task.clear_ibuf [dreg:s7], $0x6FFFF;
	_ =	strace $0x90000046  }
0xb3: {  	s29 =	simm.s32 $0x9;
	_ =	strace $0x80000048  }
0xb4: {  	_ =	swait.ge [sflag:s29], $0x1  }
0xb5: {  	[sflag:s29] =	ssyncadd.s32 $0xFFFFFFFF  }
0xb6: {  	_ =	strace $0x90000048  }
0xb7: {  	_ =	sfence  }
0xb8: {  	s30 =	sld [smem:$0x0];
	_ =	sdelay $0x2  }
0xb9: {  	s31 =	sshll.u32 s1, $0xD;
	s1 =	sshrl.u32 s1, $0x2  }
0xba: {  	s3 =	sand.u32 $0x4000, s31;
	s1 =	sadd.s32 s1, s30  }
0xbb: {  	s0 =	sor.u32 s3, s0;
	s1 =	sshll.u32 s1, $0x11  }
0xbc: {  	s0 =	sor.u32 s1, s0  }
0xbd: {  	s0 =	sadd.s32 $0x8F2B, s0  }
0xbe: {  	[sflag:s0] =	ssyncadd.remote.s32 $0x1  }
0xbf: {  	_ =	sfence.sel $0xFFFF  }
0xc0: {  	[dreg:$0x0] =	wrdreg $0xFFFFFFFF;
	(pc) =	sbr.abs _section_cstart, $3  }
0xc1: {  	[dreg:$0x1] =	wrdreg $0xFFFFFFFF  }
0xc2: {  	_ =	task.clear_ibuf [dreg:s7], $0x2FFFF;
	_ =	strace $0x9FFFFFFF  }
0xc3: {  	(tm) =	ssettm $0x7FFFFFFF  }
tec
execute0_lowered:
.L_overlay_start_1:
0x0: {  	(tag) =	ssettag $0x1  }
0x1: {  	s4 =	rddreg [dreg:$0x0]  }
0x2: {  	s7 =	rddreg [dreg:$0x1]  }
0x3: {  	s0 =	srdreg.scid;
	s2 =	rddreg [dreg:$0x2]  }
0x4: {  	s11 =	simm.s32 $0x3;
	s12 =	simm.s32 $0x1;
	s13 =	simm.s32 $0x80  }
0x5: {  	s14 =	simm.s32 $0x2800;
	s5 =	sand.u32 $0x1, s0;
	s0 =	stileid.u32  }
0x6: {  	s15 =	simm.s32 $0x2;
	s16 =	simm.s32 $0x0;
	s9 =	smul.u32 $0x270, s0  }
0x7: {  	s1 =	sshll.u32 s5, $0x4;
	s8 =	ssub.s32 $0x2, s5;
	s5 =	smul.u32 $0x2710, s5  }
0x8: {  	p0 =	sne.s32 s0, $0xF;
	s3 =	sor.u32 s0, s1;
	s1 =	rddreg [dreg:$0x3]  }
0x9: {  	s10 =	sshrl.u32 s8, $0x1;
	s6 =	smul.u32 $0x500, s3;
	s3 =	simm.s32 $0x0  }
0xa: {  	s10 =	ssub.s32 s8, s10;
	s29 =	sadd.s32 s9, s5;
	s30 =	sshrl.u32 s5, $0x3  }
0xb: {  	s5 =	sadd.s32 s9, s2;
	[smem:$0x7FF] =	sst s3;
	s31 =	sshrl.u32 s29, $0x3  }
0xc: {  	s8 =	sadd.s32 s7, s30;
	s9 =	smax.u32 s10, $0x1;
	s10 =	simm.s32 $0x2880  }
0xd: {  	_ =	strace $0x80000047;
	s4 =	sadd.s32 s6, s4;
	s6 =	sadd.s32 $0x2700, s2  }
0xe: {  	v0 =	vimm.f32 $1.000000000e+00;
	v1 =	vimm.f32 $0.0e+00;
	s7 =	sadd.s32 s7, s31;
	s8 =	sadd.s32 $0x4E0, s8;
	s4 =	sadd.s32 $0x1A00, s4  }
.LBB2_1:
0xf: {  	[tilespmem:s3], [sflag:$0x1] =	stream.linear.gather [hbm4b:s4+s3], $0x2800, $0x38;
	[tilespmem:$0x2D88] =	vst v63  }
0x10: {  	[tilespmem:$0x2800] =	vst v0  }
0x11: {  	[tilespmem:$0x2810] =	vst v0  }
0x12: {  	[tilespmem:$0x2820] =	vst v0  }
0x13: {  	[tilespmem:$0x2830] =	vst v0  }
0x14: {  	[tilespmem:$0x2840] =	vst v0  }
0x15: {  	[tilespmem:$0x2850] =	vst v0  }
0x16: {  	[tilespmem:$0x2860] =	vst v0  }
0x17: {  	[tilespmem:$0x2870] =	vst v0  }
0x18: {  	[tilespmem:$0x2880] =	vst v1  }
0x19: {  	[tilespmem:$0x2890] =	vst v1  }
0x1a: {  	[tilespmem:$0x28A0] =	vst v1  }
0x1b: {  	[tilespmem:$0x28B0] =	vst v1  }
0x1c: {  	[tilespmem:$0x28C0] =	vst v1  }
0x1d: {  	[tilespmem:$0x28D0] =	vst v1  }
0x1e: {  	[tilespmem:$0x28E0] =	vst v1  }
0x1f: {  	[tilespmem:$0x28F0] =	vst v1  }
0x20: {  	[tilespmem:$0x2900] =	vst v1  }
0x21: {  	[tilespmem:$0x2910] =	vst v1  }
0x22: {  	[tilespmem:$0x2920] =	vst v1  }
0x23: {  	[tilespmem:$0x2930] =	vst v1  }
0x24: {  	[tilespmem:$0x2940] =	vst v1  }
0x25: {  	[tilespmem:$0x2950] =	vst v1  }
0x26: {  	[tilespmem:$0x2960] =	vst v1  }
0x27: {  	[tilespmem:$0x2970] =	vst v1  }
0x28: {  	[tilespmem:$0x2980] =	vst v1  }
0x29: {  	[tilespmem:$0x2990] =	vst v1  }
0x2a: {  	[tilespmem:$0x29A0] =	vst v1  }
0x2b: {  	[tilespmem:$0x29B0] =	vst v1  }
0x2c: {  	[tilespmem:$0x29C0] =	vst v1  }
0x2d: {  	[tilespmem:$0x29D0] =	vst v1  }
0x2e: {  	[tilespmem:$0x29E0] =	vst v1  }
0x2f: {  	[tilespmem:$0x29F0] =	vst v1  }
0x30: {  	[tilespmem:$0x2A00] =	vst v1  }
0x31: {  	[tilespmem:$0x2A10] =	vst v1  }
0x32: {  	[tilespmem:$0x2A20] =	vst v1  }
0x33: {  	[tilespmem:$0x2A30] =	vst v1  }
0x34: {  	[tilespmem:$0x2A40] =	vst v1  }
0x35: {  	[tilespmem:$0x2A50] =	vst v1  }
0x36: {  	[tilespmem:$0x2A60] =	vst v1  }
0x37: {  	[tilespmem:$0x2A70] =	vst v1  }
0x38: {  	[tilespmem:$0x2A80] =	vst v1  }
0x39: {  	[tilespmem:$0x2A90] =	vst v1  }
0x3a: {  	[tilespmem:$0x2AA0] =	vst v1  }
0x3b: {  	[tilespmem:$0x2AB0] =	vst v1  }
0x3c: {  	[tilespmem:$0x2AC0] =	vst v1  }
0x3d: {  	[tilespmem:$0x2AD0] =	vst v1  }
0x3e: {  	[tilespmem:$0x2AE0] =	vst v1  }
0x3f: {  	[spmem:s5] =	stream.linear.scatter [tilespmem:s10], [sflag:$0x3], $0x270, $0x38;
	[tilespmem:$0x2D88] =	vst v63  }
0x40: {  	_ =	swait.ge [sflag:s11], $0x270  }
0x41: {  	[sflag:s11] =	ssyncset.done $0x0  }
0x42: {  	s17 =	simm.s32 @!p0 $0x2880;
	[sflag:s11] =	ssyncadd.s32 $0xFFFFFD90  }
0x43: {  	[spmem:s6] =	stream.linear.scatter @!p0 [tilespmem:s17], [sflag:$0x3], $0x10, $0x38;
	[tilespmem:$0x2D88] =	vst v63  }
0x44: {  	s17 =	simm.s32 @!p0 $0x3  }
0x45: {  	_ =	swait.ge @!p0 [sflag:s17], $0x10  }
0x46: {  	[sflag:s17] =	ssyncset.done @!p0 $0x0  }
0x47: {  	[sflag:s17] =	ssyncadd.s32 @!p0 $0xFFFFFFF0  }
0x48: {  	_ =	swait.ge [sflag:s12], $0x2800  }
0x49: {  	[sflag:s12] =	ssyncset.done $0x0  }
0x4a: {  	[sflag:s12] =	ssyncadd.s32 $0xFFFFD800  }
0x4b: {  	s17 =	simm.s32 $0x0;
	[bflag:$0x0] =	sbarrier.arrive $0xFFFF  }
.LBB2_2:
0x4c: {  	p1 =	sne.s32 s17, $0x9E00  }
.Ltmp0:
0x4d: {  	_ = 	snop;
	(pc) =	sbr.rel @p1 .LBB2_2-.Ltmp0, $3  }
0x4e: {  	_ =	sdelay $0x1  }
0x4f: {  	s18 =	sshra.s32 s17, $0x2;
	s17 =	sadd.s32 $0x200, s17  }
0x50: {  	[spmem:s2] =	stream.indirect.scatter.add.f32 [tilespmem:s14], [sflag:$0x2], $0x1, s18, s13, $0xb8;
	[tilespmem:$0x2D88] =	vst v63  }
0x51: {  	_ =	swait.ge [sflag:s15], $0x80  }
0x52: {  	s17 =	simm.s32 $0x4F;
	[sflag:s15] =	ssyncset.done $0x0  }
.LBB2_4:
0x53: {  	p1 =	sne.s32 s17, $0x1;
	s17 =	sadd.s32 $0xFFFFFFFF, s17;
	[sflag:s15] =	ssyncadd.s32 $0xFFFFFF80  }
.Ltmp1:
0x54: {  	(pc) =	sbr.rel @p1 .LBB2_4-.Ltmp1, $3  }
0x55: {  	_ =	sdelay $0x1  }
0x56: {  	_ =	swait.ge [sflag:s15], $0x80  }
0x57: {  	[sflag:s15] =	ssyncset.done $0x0  }
0x58: {  	[sflag:s15] =	ssyncadd.s32 $0xFFFFFF80  }
0x59: {  	[bflag:$0x0] =	sbarrier.arrive $0xFFFF  }
0x5a: {  	[tilespmem:s10], [sflag:$0x3] =	stream.linear.gather [spmem:s5], $0x270, $0x38;
	[tilespmem:$0x2D88] =	vst v63  }
0x5b: {  	_ =	swait.ge [sflag:s11], $0x270  }
0x5c: {  	[sflag:s11] =	ssyncset.done $0x0  }
0x5d: {  	[sflag:s11] =	ssyncadd.s32 $0xFFFFFD90  }
0x5e: {  	[hbm4b:s7+s3] =	stream.linear.scatter [tilespmem:s10], [sflag:$0x3], $0x270, $0x38;
	[tilespmem:$0x2D88] =	vst v63  }
0x5f: {  	_ =	swait.ge [sflag:s11], $0x270  }
0x60: {  	[sflag:s11] =	ssyncset.done $0x0  }
0x61: {  	s17 =	simm.s32 @!p0 $0x2880;
	s18 =	simm.s32 @!p0 $0x3;
	[sflag:s11] =	ssyncadd.s32 $0xFFFFFD90  }
0x62: {  	[tilespmem:s17], [sflag:$0x3] =	stream.linear.gather @!p0 [spmem:s6], $0x10, $0x38;
	[tilespmem:$0x2D88] =	vst v63  }
0x63: {  	s16 =	sadd.s32 $0x1, s16;
	_ =	swait.ge @!p0 [sflag:s18], $0x10  }
0x64: {  	p1 =	sne.s32 s16, s9;
	[sflag:s18] =	ssyncset.done @!p0 $0x0  }
.Ltmp2:
0x65: {  	s19 =	simm.s32 @!p0 $0x0;
	[sflag:s18] =	ssyncadd.s32 @!p0 $0xFFFFFFF0;
	(pc) =	sbr.rel @p1 .LBB2_1-.Ltmp2, $4  }
0x66: {  	[hbm4b:s8+s19] =	stream.linear.scatter @!p0 [tilespmem:s17], [sflag:$0x3], $0x10, $0x38;
	[tilespmem:$0x2D88] =	vst v63  }
0x67: {  	_ =	swait.ge @!p0 [sflag:s18], $0x10  }
0x68: {  	[sflag:s18] =	ssyncset.done @!p0 $0x0  }
0x69: {  	[sflag:s18] =	ssyncadd.s32 @!p0 $0xFFFFFFF0  }
0x6a: {  	_ =	sfence.sel $0x180000  }
0x6b: {  	[bflag:$0x0] =	sbarrier.arrive $0xFFFF  }
0x6c: {  	p0 =	sne.s32 s0, $0x0;
	_ =	strace $0x90000047  }
0x6d: {  	s0 =	sadd.s32 @!p0 $0x100000, s1;
	[bflag:$0x2] =	sbarrier.arrive $0xFFFF  }
0x6e: {  	[sflag:s0] =	ssyncadd.tile.s32 @!p0 $0x1;
	_ =	shalt  }
.Lfunc_end2:
_tile_overlayer_lowered:
.L_overlay_start_2:
0x6f: {  	(tag) =	ssettag $0x2  }
0x70: {  	s0 =	rddreg [dreg:$0x0];
	s2 =	stileid.u32  }
0x71: {  	s1 =	rddreg [dreg:$0x1];
	p0 =	sne.s32 s2, $0x0  }
0x72: {  	s3 =	rddreg [dreg:$0x2];
	[bflag:$0x3] =	sbarrier.arrive $0xFFFF;
	s2 =	simm.s32 @!p0 $0x1C03  }
0x73: {  	[timem:s3], [sflag:s2] =	dma.local @!p0 [hbm:s0], s1  }
0x74: {  	s0 =	simm.s32 @!p0 $0x3  }
0x75: {  	_ =	swait.ge @!p0 [sflag:s0], s1  }
0x76: {  	s1 =	ssub.s32 @!p0 $0x0, s1;
	[sflag:s0] =	ssyncset.done @!p0 $0x0  }
0x77: {  	[sflag:s0] =	ssyncadd.s32 @!p0 s1  }
0x78: {  	[bflag:$0x3] =	sbarrier.arrive $0xFFFF  }
0x79: {  	_ =	shalt  }

</sc_bundles>
